<compile_context>
chip_gen: v7x
topology: tpu7x:2x2x1
jax: 0.10.2.dev20260603
libtpu: 0.0.44.dev20260713+nightly
codegen_flags: <defaults>
</compile_context>

<pallas_src>
import functools

import jax
import jax.numpy as jnp
from jax import lax
from jax.experimental import pallas as pl
from jax.experimental.pallas import tpu as pltpu
from jax.experimental.pallas import tpu_sc as plsc

N = 2_000_000
G = 161
GG = G * G
ASU = 1_000_000

NC = 2
NS = 16
NW = NC * NS

CH = 4096
NCHUNK = 16
SEEN_PAD = 1 << 20
PT_SEEN = SEEN_PAD // NS


def _merge_body(a_ref, b_ref, s_ref, o_ref):
    o_ref[...] = (a_ref[...] | b_ref[...] | s_ref[...]) != 0


def _sc_body(hklt_hbm, miller_hbm, out_hbm, seen2_hbm,
             h0, h1, k0, k1, l0, l1, i0, i1, v0, v1, ones_v, tsp,
             sh0, sh1, sg0, sg1, so0, so1, ss0, ss1, sz):
    c = lax.axis_index("c")
    s = lax.axis_index("s")
    wid = c * NS + s

    h_v, k_v, l_v = (h0, h1), (k0, k1), (l0, l1)
    idx_v, vals_v = (i0, i1), (v0, v1)
    sem_h, sem_g, sem_o, sem_s = (sh0, sh1), (sg0, sg1), (so0, so1), (ss0, ss1)

    def fill_zeros(i, carry):
        i0[pl.ds(i * 16, 16)] = jnp.zeros((16,), jnp.int32)
        return carry

    lax.fori_loop(0, CH // 16, fill_zeros, 0)

    zdescs = []
    for i in range(PT_SEEN // CH):
        zdescs.append(
            pltpu.async_copy(i0, tsp.at[pl.ds(s * PT_SEEN + i * CH, CH)], sz))

    def fill_ones(i, carry):
        ones_v[pl.ds(i * 16, 16)] = jnp.full((16,), 1, jnp.int32)
        return carry

    lax.fori_loop(0, CH // 16, fill_ones, 0)

    b0 = wid * 62_500 + 4 * (wid & 1)
    e0 = (wid + 1) * 62_500 + 4 * ((wid + 1) & 1)
    bases = [pl.multiple_of(b0 + t * CH, 8) for t in range(NCHUNK - 1)]
    bases.append(pl.multiple_of(e0 - CH, 8))

    hkl_descs = [None, None]

    def prefetch(j, b):
        base = bases[j]
        hkl_descs[b] = (
            pltpu.async_copy(hklt_hbm.at[pl.ds(base, CH)], h_v[b], sem_h[b]),
            pltpu.async_copy(hklt_hbm.at[pl.ds(base + N, CH)], k_v[b],
                             sem_h[b]),
            pltpu.async_copy(hklt_hbm.at[pl.ds(base + 2 * N, CH)], l_v[b],
                             sem_h[b]),
        )

    def lin(b):
        def body(g, carry):
            sl = pl.ds(g * 16, 16)
            idx_v[b][sl] = h_v[b][sl] * GG + k_v[b][sl] * G + l_v[b][sl]
            return carry

        lax.fori_loop(0, CH // 16, body, 0)

    prefetch(0, 0)
    prefetch(1, 1)

    for d in zdescs:
        d.wait()
    plsc.subcore_barrier()

    for d in hkl_descs[0]:
        d.wait()
    lin(0)

    g_desc = [None, None]
    o_desc = [None, None]
    s_desc = [None, None]
    for j in range(NCHUNK):
        b = j & 1
        if o_desc[b] is not None:
            o_desc[b].wait()
            s_desc[b].wait()
        g_desc[b] = pltpu.async_copy(miller_hbm.at[idx_v[b]], vals_v[b],
                                     sem_g[b])
        if j + 2 < NCHUNK:
            prefetch(j + 2, b)
        if j + 1 < NCHUNK:
            for d in hkl_descs[b ^ 1]:
                d.wait()
            lin(b ^ 1)
        g_desc[b].wait()
        o_desc[b] = pltpu.async_copy(vals_v[b], out_hbm.at[pl.ds(bases[j], CH)],
                                     sem_o[b])
        s_desc[b] = pltpu.async_copy(ones_v, tsp.at[vals_v[b]], sem_s[b])

    for b in (0, 1):
        o_desc[b].wait()
        s_desc[b].wait()

    plsc.subcore_barrier()
    po = pl.multiple_of(s * PT_SEEN, 8)
    pltpu.sync_copy(tsp.at[pl.ds(po, PT_SEEN)],
                    seen2_hbm.at[c, pl.ds(po, PT_SEEN)])


@functools.partial(
    pl.kernel,
    out_type=(
        jax.ShapeDtypeStruct((N,), jnp.int32),
        jax.ShapeDtypeStruct((NC, SEEN_PAD), jnp.int32),
    ),
    mesh=plsc.VectorSubcoreMesh(core_axis_name="c", subcore_axis_name="s"),
    scratch_types=(
        [pltpu.VMEM((CH,), jnp.int32) for _ in range(11)]
        + [pltpu.VMEM_SHARED((SEEN_PAD,), jnp.int32)]
        + [pltpu.SemaphoreType.DMA for _ in range(9)]
    ),
)
def _sc_gather_scatter(hklt_hbm, miller_hbm, out_hbm, seen2_hbm, *scratch):
    _sc_body(hklt_hbm, miller_hbm, out_hbm, seen2_hbm, *scratch)


def kernel(hkl, miller_id, seen):
    hklt = hkl.astype(jnp.int32).T.reshape(-1)
    miller_flat = miller_id.reshape(-1)

    out, seen2 = _sc_gather_scatter(hklt, miller_flat)

    seen32 = jnp.concatenate(
        [seen.astype(jnp.int32), jnp.zeros((SEEN_PAD - ASU,), jnp.int32)])
    mshape = (SEEN_PAD // 1024, 1024)
    merged = pl.pallas_call(
        _merge_body,
        out_shape=jax.ShapeDtypeStruct(mshape, jnp.bool_),
        grid=(8,),
        in_specs=[pl.BlockSpec((mshape[0] // 8, 1024), lambda i: (i, 0))] * 3,
        out_specs=pl.BlockSpec((mshape[0] // 8, 1024), lambda i: (i, 0)),
    )(seen2[0].reshape(mshape), seen2[1].reshape(mshape),
      seen32.reshape(mshape))

    return out, merged.reshape(-1)[:ASU]

# --- scband reference (transcript-rebuilt; emitter-appended) ---
"""Pipeline reference for scband-reciprocal-asu-60284160967027 (READ-ONLY COPY).

The authoritative reference and input builder live on the scoring server;
editing this copy changes nothing except your own understanding.
"""

import jax, jax.numpy as jnp
import numpy as np

# Derived module constants (from cell=[120,120,120,90,90,90], dmin=1.5 -> hmax=(80,80,80))
HMAX = (80, 80, 80)
GRID = (2 * HMAX[0] + 1, 2 * HMAX[1] + 1, 2 * HMAX[2] + 1)  # (161,161,161)
ASU_SIZE = 1_000_000  # number of unique reflections in the reciprocal ASU
N_HKL = 2_000_000     # batch of miller indices looked up in forward


def setup_inputs(seed: int = 0) -> dict:
    key = jax.random.key(seed)
    # forward arg: batch of miller indices (all non-negative, within hmax, so every
    # voxel they touch holds a valid reflection id -> assert (out >= 0) holds)
    hkl = jax.random.randint(key, (N_HKL, 3), 0, HMAX[0] + 1, dtype=jnp.int64)
    # buffer: miller_id voxel grid mapping (h,k,l) -> reflection id in [0, ASU_SIZE)
    # (built in __init__ via to_voxel_grid; here synthesized with every voxel valid)
    miller_id = (jnp.arange(GRID[0] * GRID[1] * GRID[2], dtype=jnp.int32) % ASU_SIZE).reshape(GRID)
    # buffer: 'seen' mask over the ASU, initialized to False
    seen = jnp.zeros((ASU_SIZE,), dtype=jnp.bool_)
    return {"hkl": hkl, "miller_id": miller_id, "seen": seen}


def reference(hkl, miller_id, seen):
    # to_refl_id: gather reflection ids from the voxel grid
    h, k, l = hkl[..., 0], hkl[..., 1], hkl[..., 2]
    out = miller_id[h, k, l]
    # forward asserts (out >= 0).all(); guaranteed by construction here.
    # self.seen[out] = True  -> scatter-overwrite into the seen buffer
    seen_updated = seen.at[out].set(True)
    return out, seen_updated


if False:  # reference __main__ guard neutralized (emitter)
    inp = setup_inputs()
    out, seen = reference(**inp)
    print(out.shape, out.dtype, seen.sum())

if __name__ == "__main__":
    import jax
    _d = setup_inputs()
    print(jax.jit(kernel)(*tuple(_d.values())))

</pallas_src>

<mosaic_0001>
#map = affine_map<(d0, d1) -> (0)>
#map1 = affine_map<(d0, d1) -> (0, 0)>
module attributes {stable_mosaic.version = 14 : i64} {
  func.func @_sc_gather_scatter(%arg0: i32, %arg1: i32, %arg2: memref<6000000xi32, #tpu.memory_space<hbm>>, %arg3: memref<4173281xi32, #tpu.memory_space<hbm>>, %arg4: memref<2000000xi32, #tpu.memory_space<hbm>>, %arg5: memref<2x1048576xi32, #tpu.memory_space<hbm>>, %arg6: memref<4096xi32, #tpu.memory_space<vmem>>, %arg7: memref<4096xi32, #tpu.memory_space<vmem>>, %arg8: memref<4096xi32, #tpu.memory_space<vmem>>, %arg9: memref<4096xi32, #tpu.memory_space<vmem>>, %arg10: memref<4096xi32, #tpu.memory_space<vmem>>, %arg11: memref<4096xi32, #tpu.memory_space<vmem>>, %arg12: memref<4096xi32, #tpu.memory_space<vmem>>, %arg13: memref<4096xi32, #tpu.memory_space<vmem>>, %arg14: memref<4096xi32, #tpu.memory_space<vmem>>, %arg15: memref<4096xi32, #tpu.memory_space<vmem>>, %arg16: memref<4096xi32, #tpu.memory_space<vmem>>, %arg17: memref<1048576xi32, #tpu.memory_space<vmem_shared>>, %arg18: memref<!tpu.dma_semaphore, #tpu.memory_space<semaphore_mem>>, %arg19: memref<!tpu.dma_semaphore, #tpu.memory_space<semaphore_mem>>, %arg20: memref<!tpu.dma_semaphore, #tpu.memory_space<semaphore_mem>>, %arg21: memref<!tpu.dma_semaphore, #tpu.memory_space<semaphore_mem>>, %arg22: memref<!tpu.dma_semaphore, #tpu.memory_space<semaphore_mem>>, %arg23: memref<!tpu.dma_semaphore, #tpu.memory_space<semaphore_mem>>, %arg24: memref<!tpu.dma_semaphore, #tpu.memory_space<semaphore_mem>>, %arg25: memref<!tpu.dma_semaphore, #tpu.memory_space<semaphore_mem>>, %arg26: memref<!tpu.dma_semaphore, #tpu.memory_space<semaphore_mem>>) attributes {dimension_semantics = [#tpu.dimension_semantics<core_parallel>, #tpu.dimension_semantics<subcore_parallel>], iteration_bounds = array<i64: 2, 16>, scalar_prefetch = 0 : i64, scratch_operands = 21 : i64, tpu.core_type = #tpu.core_type<sc_vector_subcore>, window_params = [{transform_indices = #map}, {transform_indices = #map}, {transform_indices = #map}, {transform_indices = #map1}]} {
    %mul3A = arith.constant 16 : i32
    %mul3A_0 = arith.muli %arg0, %mul3A : i32
    %add3A = arith.addi %mul3A_0, %arg1 : i32
    %scan3A = arith.constant 0 : i32
    %scan3A_1 = arith.constant 0 : i32
    %scan3A_2 = arith.constant 256 : i32
    %scan3A_3 = arith.addi %scan3A_1, %scan3A_2 : i32
    %scan3A_4 = arith.constant 1 : i32
    scf.for %scan3A_749 = %scan3A_1 to %scan3A_3 step %scan3A_4  : i32 {
      %broadcast_in_dim3A = arith.constant 0 : i32
      %broadcast_in_dim3A_750 = vector.broadcast %broadcast_in_dim3A : i32 to vector<16xi32>
      %mul3A_751 = arith.constant 16 : i32
      %mul3A_752 = arith.muli %scan3A_749, %mul3A_751 : i32
      %swap3A = arith.index_cast %mul3A_752 : i32 to index
      %swap3A_753 = tpu.vector_load %arg12[%swap3A] {strides = array<i32>} : memref<4096xi32, #tpu.memory_space<vmem>>, vector<16xi32>,
      %swap3A_754 = vector.shape_cast %swap3A_753 : vector<16xi32> to vector<16xi32>
      %swap3A_755 = vector.shape_cast %broadcast_in_dim3A_750 : vector<16xi32> to vector<16xi32>
      tpu.vector_store %arg12[%swap3A], %swap3A_755 {strides = array<i32>} : memref<4096xi32, #tpu.memory_space<vmem>>, vector<16xi32>,
    }
    %scan3A_5 = arith.constant 256 : i32
    %mul3A_6 = arith.constant 65536 : i32
    %mul3A_7 = arith.muli %arg1, %mul3A_6 : i32
    %add3A_8 = arith.constant 0 : i32
    %add3A_9 = arith.addi %mul3A_7, %add3A_8 : i32
    %dma_start3A = tpu.memref_slice %arg17[%add3A_9] : memref<1048576xi32, #tpu.memory_space<vmem_shared>> -> memref<4096xi32, #tpu.memory_space<vmem_shared>>
    %dma_start3A_10 = tpu.memref_slice %arg17[%add3A_9] : memref<1048576xi32, #tpu.memory_space<vmem_shared>> -> memref<4096xi32, #tpu.memory_space<vmem_shared>>
    tpu.enqueue_dma source(%arg12 : memref<4096xi32, #tpu.memory_space<vmem>>) target(%dma_start3A_10 : memref<4096xi32, #tpu.memory_space<vmem_shared>>) target_semaphore(%arg26 : memref<!tpu.dma_semaphore, #tpu.memory_space<semaphore_mem>>)
    %mul3A_11 = arith.constant 65536 : i32
    %mul3A_12 = arith.muli %arg1, %mul3A_11 : i32
    %add3A_13 = arith.constant 4096 : i32
    %add3A_14 = arith.addi %mul3A_12, %add3A_13 : i32
    %dma_start3A_15 = tpu.memref_slice %arg17[%add3A_14] : memref<1048576xi32, #tpu.memory_space<vmem_shared>> -> memref<4096xi32, #tpu.memory_space<vmem_shared>>
    %dma_start3A_16 = tpu.memref_slice %arg17[%add3A_14] : memref<1048576xi32, #tpu.memory_space<vmem_shared>> -> memref<4096xi32, #tpu.memory_space<vmem_shared>>
    tpu.enqueue_dma source(%arg12 : memref<4096xi32, #tpu.memory_space<vmem>>) target(%dma_start3A_16 : memref<4096xi32, #tpu.memory_space<vmem_shared>>) target_semaphore(%arg26 : memref<!tpu.dma_semaphore, #tpu.memory_space<semaphore_mem>>)
    %mul3A_17 = arith.constant 65536 : i32
    %mul3A_18 = arith.muli %arg1, %mul3A_17 : i32
    %add3A_19 = arith.constant 8192 : i32
    %add3A_20 = arith.addi %mul3A_18, %add3A_19 : i32
    %dma_start3A_21 = tpu.memref_slice %arg17[%add3A_20] : memref<1048576xi32, #tpu.memory_space<vmem_shared>> -> memref<4096xi32, #tpu.memory_space<vmem_shared>>
    %dma_start3A_22 = tpu.memref_slice %arg17[%add3A_20] : memref<1048576xi32, #tpu.memory_space<vmem_shared>> -> memref<4096xi32, #tpu.memory_space<vmem_shared>>
    tpu.enqueue_dma source(%arg12 : memref<4096xi32, #tpu.memory_space<vmem>>) target(%dma_start3A_22 : memref<4096xi32, #tpu.memory_space<vmem_shared>>) target_semaphore(%arg26 : memref<!tpu.dma_semaphore, #tpu.memory_space<semaphore_mem>>)
    %mul3A_23 = arith.constant 65536 : i32
    %mul3A_24 = arith.muli %arg1, %mul3A_23 : i32
    %add3A_25 = arith.constant 12288 : i32
    %add3A_26 = arith.addi %mul3A_24, %add3A_25 : i32
    %dma_start3A_27 = tpu.memref_slice %arg17[%add3A_26] : memref<1048576xi32, #tpu.memory_space<vmem_shared>> -> memref<4096xi32, #tpu.memory_space<vmem_shared>>
    %dma_start3A_28 = tpu.memref_slice %arg17[%add3A_26] : memref<1048576xi32, #tpu.memory_space<vmem_shared>> -> memref<4096xi32, #tpu.memory_space<vmem_shared>>
    tpu.enqueue_dma source(%arg12 : memref<4096xi32, #tpu.memory_space<vmem>>) target(%dma_start3A_28 : memref<4096xi32, #tpu.memory_space<vmem_shared>>) target_semaphore(%arg26 : memref<!tpu.dma_semaphore, #tpu.memory_space<semaphore_mem>>)
    %mul3A_29 = arith.constant 65536 : i32
    %mul3A_30 = arith.muli %arg1, %mul3A_29 : i32
    %add3A_31 = arith.constant 16384 : i32
    %add3A_32 = arith.addi %mul3A_30, %add3A_31 : i32
    %dma_start3A_33 = tpu.memref_slice %arg17[%add3A_32] : memref<1048576xi32, #tpu.memory_space<vmem_shared>> -> memref<4096xi32, #tpu.memory_space<vmem_shared>>
    %dma_start3A_34 = tpu.memref_slice %arg17[%add3A_32] : memref<1048576xi32, #tpu.memory_space<vmem_shared>> -> memref<4096xi32, #tpu.memory_space<vmem_shared>>
    tpu.enqueue_dma source(%arg12 : memref<4096xi32, #tpu.memory_space<vmem>>) target(%dma_start3A_34 : memref<4096xi32, #tpu.memory_space<vmem_shared>>) target_semaphore(%arg26 : memref<!tpu.dma_semaphore, #tpu.memory_space<semaphore_mem>>)
    %mul3A_35 = arith.constant 65536 : i32
    %mul3A_36 = arith.muli %arg1, %mul3A_35 : i32
    %add3A_37 = arith.constant 20480 : i32
    %add3A_38 = arith.addi %mul3A_36, %add3A_37 : i32
    %dma_start3A_39 = tpu.memref_slice %arg17[%add3A_38] : memref<1048576xi32, #tpu.memory_space<vmem_shared>> -> memref<4096xi32, #tpu.memory_space<vmem_shared>>
    %dma_start3A_40 = tpu.memref_slice %arg17[%add3A_38] : memref<1048576xi32, #tpu.memory_space<vmem_shared>> -> memref<4096xi32, #tpu.memory_space<vmem_shared>>
    tpu.enqueue_dma source(%arg12 : memref<4096xi32, #tpu.memory_space<vmem>>) target(%dma_start3A_40 : memref<4096xi32, #tpu.memory_space<vmem_shared>>) target_semaphore(%arg26 : memref<!tpu.dma_semaphore, #tpu.memory_space<semaphore_mem>>)
    %mul3A_41 = arith.constant 65536 : i32
    %mul3A_42 = arith.muli %arg1, %mul3A_41 : i32
    %add3A_43 = arith.constant 24576 : i32
    %add3A_44 = arith.addi %mul3A_42, %add3A_43 : i32
    %dma_start3A_45 = tpu.memref_slice %arg17[%add3A_44] : memref<1048576xi32, #tpu.memory_space<vmem_shared>> -> memref<4096xi32, #tpu.memory_space<vmem_shared>>
    %dma_start3A_46 = tpu.memref_slice %arg17[%add3A_44] : memref<1048576xi32, #tpu.memory_space<vmem_shared>> -> memref<4096xi32, #tpu.memory_space<vmem_shared>>
    tpu.enqueue_dma source(%arg12 : memref<4096xi32, #tpu.memory_space<vmem>>) target(%dma_start3A_46 : memref<4096xi32, #tpu.memory_space<vmem_shared>>) target_semaphore(%arg26 : memref<!tpu.dma_semaphore, #tpu.memory_space<semaphore_mem>>)
    %mul3A_47 = arith.constant 65536 : i32
    %mul3A_48 = arith.muli %arg1, %mul3A_47 : i32
    %add3A_49 = arith.constant 28672 : i32
    %add3A_50 = arith.addi %mul3A_48, %add3A_49 : i32
    %dma_start3A_51 = tpu.memref_slice %arg17[%add3A_50] : memref<1048576xi32, #tpu.memory_space<vmem_shared>> -> memref<4096xi32, #tpu.memory_space<vmem_shared>>
    %dma_start3A_52 = tpu.memref_slice %arg17[%add3A_50] : memref<1048576xi32, #tpu.memory_space<vmem_shared>> -> memref<4096xi32, #tpu.memory_space<vmem_shared>>
    tpu.enqueue_dma source(%arg12 : memref<4096xi32, #tpu.memory_space<vmem>>) target(%dma_start3A_52 : memref<4096xi32, #tpu.memory_space<vmem_shared>>) target_semaphore(%arg26 : memref<!tpu.dma_semaphore, #tpu.memory_space<semaphore_mem>>)
    %mul3A_53 = arith.constant 65536 : i32
    %mul3A_54 = arith.muli %arg1, %mul3A_53 : i32
    %add3A_55 = arith.constant 32768 : i32
    %add3A_56 = arith.addi %mul3A_54, %add3A_55 : i32
    %dma_start3A_57 = tpu.memref_slice %arg17[%add3A_56] : memref<1048576xi32, #tpu.memory_space<vmem_shared>> -> memref<4096xi32, #tpu.memory_space<vmem_shared>>
    %dma_start3A_58 = tpu.memref_slice %arg17[%add3A_56] : memref<1048576xi32, #tpu.memory_space<vmem_shared>> -> memref<4096xi32, #tpu.memory_space<vmem_shared>>
    tpu.enqueue_dma source(%arg12 : memref<4096xi32, #tpu.memory_space<vmem>>) target(%dma_start3A_58 : memref<4096xi32, #tpu.memory_space<vmem_shared>>) target_semaphore(%arg26 : memref<!tpu.dma_semaphore, #tpu.memory_space<semaphore_mem>>)
    %mul3A_59 = arith.constant 65536 : i32
    %mul3A_60 = arith.muli %arg1, %mul3A_59 : i32
    %add3A_61 = arith.constant 36864 : i32
    %add3A_62 = arith.addi %mul3A_60, %add3A_61 : i32
    %dma_start3A_63 = tpu.memref_slice %arg17[%add3A_62] : memref<1048576xi32, #tpu.memory_space<vmem_shared>> -> memref<4096xi32, #tpu.memory_space<vmem_shared>>
    %dma_start3A_64 = tpu.memref_slice %arg17[%add3A_62] : memref<1048576xi32, #tpu.memory_space<vmem_shared>> -> memref<4096xi32, #tpu.memory_space<vmem_shared>>
    tpu.enqueue_dma source(%arg12 : memref<4096xi32, #tpu.memory_space<vmem>>) target(%dma_start3A_64 : memref<4096xi32, #tpu.memory_space<vmem_shared>>) target_semaphore(%arg26 : memref<!tpu.dma_semaphore, #tpu.memory_space<semaphore_mem>>)
    %mul3A_65 = arith.constant 65536 : i32
    %mul3A_66 = arith.muli %arg1, %mul3A_65 : i32
    %add3A_67 = arith.constant 40960 : i32
    %add3A_68 = arith.addi %mul3A_66, %add3A_67 : i32
    %dma_start3A_69 = tpu.memref_slice %arg17[%add3A_68] : memref<1048576xi32, #tpu.memory_space<vmem_shared>> -> memref<4096xi32, #tpu.memory_space<vmem_shared>>
    %dma_start3A_70 = tpu.memref_slice %arg17[%add3A_68] : memref<1048576xi32, #tpu.memory_space<vmem_shared>> -> memref<4096xi32, #tpu.memory_space<vmem_shared>>
    tpu.enqueue_dma source(%arg12 : memref<4096xi32, #tpu.memory_space<vmem>>) target(%dma_start3A_70 : memref<4096xi32, #tpu.memory_space<vmem_shared>>) target_semaphore(%arg26 : memref<!tpu.dma_semaphore, #tpu.memory_space<semaphore_mem>>)
    %mul3A_71 = arith.constant 65536 : i32
    %mul3A_72 = arith.muli %arg1, %mul3A_71 : i32
    %add3A_73 = arith.constant 45056 : i32
    %add3A_74 = arith.addi %mul3A_72, %add3A_73 : i32
    %dma_start3A_75 = tpu.memref_slice %arg17[%add3A_74] : memref<1048576xi32, #tpu.memory_space<vmem_shared>> -> memref<4096xi32, #tpu.memory_space<vmem_shared>>
    %dma_start3A_76 = tpu.memref_slice %arg17[%add3A_74] : memref<1048576xi32, #tpu.memory_space<vmem_shared>> -> memref<4096xi32, #tpu.memory_space<vmem_shared>>
    tpu.enqueue_dma source(%arg12 : memref<4096xi32, #tpu.memory_space<vmem>>) target(%dma_start3A_76 : memref<4096xi32, #tpu.memory_space<vmem_shared>>) target_semaphore(%arg26 : memref<!tpu.dma_semaphore, #tpu.memory_space<semaphore_mem>>)
    %mul3A_77 = arith.constant 65536 : i32
    %mul3A_78 = arith.muli %arg1, %mul3A_77 : i32
    %add3A_79 = arith.constant 49152 : i32
    %add3A_80 = arith.addi %mul3A_78, %add3A_79 : i32
    %dma_start3A_81 = tpu.memref_slice %arg17[%add3A_80] : memref<1048576xi32, #tpu.memory_space<vmem_shared>> -> memref<4096xi32, #tpu.memory_space<vmem_shared>>
    %dma_start3A_82 = tpu.memref_slice %arg17[%add3A_80] : memref<1048576xi32, #tpu.memory_space<vmem_shared>> -> memref<4096xi32, #tpu.memory_space<vmem_shared>>
    tpu.enqueue_dma source(%arg12 : memref<4096xi32, #tpu.memory_space<vmem>>) target(%dma_start3A_82 : memref<4096xi32, #tpu.memory_space<vmem_shared>>) target_semaphore(%arg26 : memref<!tpu.dma_semaphore, #tpu.memory_space<semaphore_mem>>)
    %mul3A_83 = arith.constant 65536 : i32
    %mul3A_84 = arith.muli %arg1, %mul3A_83 : i32
    %add3A_85 = arith.constant 53248 : i32
    %add3A_86 = arith.addi %mul3A_84, %add3A_85 : i32
    %dma_start3A_87 = tpu.memref_slice %arg17[%add3A_86] : memref<1048576xi32, #tpu.memory_space<vmem_shared>> -> memref<4096xi32, #tpu.memory_space<vmem_shared>>
    %dma_start3A_88 = tpu.memref_slice %arg17[%add3A_86] : memref<1048576xi32, #tpu.memory_space<vmem_shared>> -> memref<4096xi32, #tpu.memory_space<vmem_shared>>
    tpu.enqueue_dma source(%arg12 : memref<4096xi32, #tpu.memory_space<vmem>>) target(%dma_start3A_88 : memref<4096xi32, #tpu.memory_space<vmem_shared>>) target_semaphore(%arg26 : memref<!tpu.dma_semaphore, #tpu.memory_space<semaphore_mem>>)
    %mul3A_89 = arith.constant 65536 : i32
    %mul3A_90 = arith.muli %arg1, %mul3A_89 : i32
    %add3A_91 = arith.constant 57344 : i32
    %add3A_92 = arith.addi %mul3A_90, %add3A_91 : i32
    %dma_start3A_93 = tpu.memref_slice %arg17[%add3A_92] : memref<1048576xi32, #tpu.memory_space<vmem_shared>> -> memref<4096xi32, #tpu.memory_space<vmem_shared>>
    %dma_start3A_94 = tpu.memref_slice %arg17[%add3A_92] : memref<1048576xi32, #tpu.memory_space<vmem_shared>> -> memref<4096xi32, #tpu.memory_space<vmem_shared>>
    tpu.enqueue_dma source(%arg12 : memref<4096xi32, #tpu.memory_space<vmem>>) target(%dma_start3A_94 : memref<4096xi32, #tpu.memory_space<vmem_shared>>) target_semaphore(%arg26 : memref<!tpu.dma_semaphore, #tpu.memory_space<semaphore_mem>>)
    %mul3A_95 = arith.constant 65536 : i32
    %mul3A_96 = arith.muli %arg1, %mul3A_95 : i32
    %add3A_97 = arith.constant 61440 : i32
    %add3A_98 = arith.addi %mul3A_96, %add3A_97 : i32
    %dma_start3A_99 = tpu.memref_slice %arg17[%add3A_98] : memref<1048576xi32, #tpu.memory_space<vmem_shared>> -> memref<4096xi32, #tpu.memory_space<vmem_shared>>
    %dma_start3A_100 = tpu.memref_slice %arg17[%add3A_98] : memref<1048576xi32, #tpu.memory_space<vmem_shared>> -> memref<4096xi32, #tpu.memory_space<vmem_shared>>
    tpu.enqueue_dma source(%arg12 : memref<4096xi32, #tpu.memory_space<vmem>>) target(%dma_start3A_100 : memref<4096xi32, #tpu.memory_space<vmem_shared>>) target_semaphore(%arg26 : memref<!tpu.dma_semaphore, #tpu.memory_space<semaphore_mem>>)
    %scan3A_101 = arith.constant 0 : i32
    %scan3A_102 = arith.constant 0 : i32
    %scan3A_103 = arith.constant 256 : i32
    %scan3A_104 = arith.addi %scan3A_102, %scan3A_103 : i32
    %scan3A_105 = arith.constant 1 : i32
    scf.for %scan3A_749 = %scan3A_102 to %scan3A_104 step %scan3A_105  : i32 {
      %broadcast_in_dim3A = arith.constant 1 : i32
      %broadcast_in_dim3A_750 = vector.broadcast %broadcast_in_dim3A : i32 to vector<16xi32>
      %mul3A_751 = arith.constant 16 : i32
      %mul3A_752 = arith.muli %scan3A_749, %mul3A_751 : i32
      %swap3A = arith.index_cast %mul3A_752 : i32 to index
      %swap3A_753 = tpu.vector_load %arg16[%swap3A] {strides = array<i32>} : memref<4096xi32, #tpu.memory_space<vmem>>, vector<16xi32>,
      %swap3A_754 = vector.shape_cast %swap3A_753 : vector<16xi32> to vector<16xi32>
      %swap3A_755 = vector.shape_cast %broadcast_in_dim3A_750 : vector<16xi32> to vector<16xi32>
      tpu.vector_store %arg16[%swap3A], %swap3A_755 {strides = array<i32>} : memref<4096xi32, #tpu.memory_space<vmem>>, vector<16xi32>,
    }
    %scan3A_106 = arith.constant 256 : i32
    %mul3A_107 = arith.constant 62500 : i32
    %mul3A_108 = arith.muli %add3A, %mul3A_107 : i32
    %and3A = arith.constant 1 : i32
    %and3A_109 = arith.andi %add3A, %and3A : i32
    %mul3A_110 = arith.constant 4 : i32
    %mul3A_111 = arith.muli %mul3A_110, %and3A_109 : i32
    %add3A_112 = arith.addi %mul3A_108, %mul3A_111 : i32
    %add3A_113 = arith.constant 1 : i32
    %add3A_114 = arith.addi %add3A, %add3A_113 : i32
    %mul3A_115 = arith.constant 62500 : i32
    %mul3A_116 = arith.muli %add3A_114, %mul3A_115 : i32
    %add3A_117 = arith.constant 1 : i32
    %add3A_118 = arith.addi %add3A, %add3A_117 : i32
    %and3A_119 = arith.constant 1 : i32
    %and3A_120 = arith.andi %add3A_118, %and3A_119 : i32
    %mul3A_121 = arith.constant 4 : i32
    %mul3A_122 = arith.muli %mul3A_121, %and3A_120 : i32
    %add3A_123 = arith.addi %mul3A_116, %mul3A_122 : i32
    %add3A_124 = arith.constant 0 : i32
    %add3A_125 = arith.addi %add3A_112, %add3A_124 : i32
    %multiple_of3A = tpu.assume_multiple %add3A_125, 8 : i32
    %add3A_126 = arith.constant 4096 : i32
    %add3A_127 = arith.addi %add3A_112, %add3A_126 : i32
    %multiple_of3A_128 = tpu.assume_multiple %add3A_127, 8 : i32
    %add3A_129 = arith.constant 8192 : i32
    %add3A_130 = arith.addi %add3A_112, %add3A_129 : i32
    %multiple_of3A_131 = tpu.assume_multiple %add3A_130, 8 : i32
    %add3A_132 = arith.constant 12288 : i32
    %add3A_133 = arith.addi %add3A_112, %add3A_132 : i32
    %multiple_of3A_134 = tpu.assume_multiple %add3A_133, 8 : i32
    %add3A_135 = arith.constant 16384 : i32
    %add3A_136 = arith.addi %add3A_112, %add3A_135 : i32
    %multiple_of3A_137 = tpu.assume_multiple %add3A_136, 8 : i32
    %add3A_138 = arith.constant 20480 : i32
    %add3A_139 = arith.addi %add3A_112, %add3A_138 : i32
    %multiple_of3A_140 = tpu.assume_multiple %add3A_139, 8 : i32
    %add3A_141 = arith.constant 24576 : i32
    %add3A_142 = arith.addi %add3A_112, %add3A_141 : i32
    %multiple_of3A_143 = tpu.assume_multiple %add3A_142, 8 : i32
    %add3A_144 = arith.constant 28672 : i32
    %add3A_145 = arith.addi %add3A_112, %add3A_144 : i32
    %multiple_of3A_146 = tpu.assume_multiple %add3A_145, 8 : i32
    %add3A_147 = arith.constant 32768 : i32
    %add3A_148 = arith.addi %add3A_112, %add3A_147 : i32
    %multiple_of3A_149 = tpu.assume_multiple %add3A_148, 8 : i32
    %add3A_150 = arith.constant 36864 : i32
    %add3A_151 = arith.addi %add3A_112, %add3A_150 : i32
    %multiple_of3A_152 = tpu.assume_multiple %add3A_151, 8 : i32
    %add3A_153 = arith.constant 40960 : i32
    %add3A_154 = arith.addi %add3A_112, %add3A_153 : i32
    %multiple_of3A_155 = tpu.assume_multiple %add3A_154, 8 : i32
    %add3A_156 = arith.constant 45056 : i32
    %add3A_157 = arith.addi %add3A_112, %add3A_156 : i32
    %multiple_of3A_158 = tpu.assume_multiple %add3A_157, 8 : i32
    %add3A_159 = arith.constant 49152 : i32
    %add3A_160 = arith.addi %add3A_112, %add3A_159 : i32
    %multiple_of3A_161 = tpu.assume_multiple %add3A_160, 8 : i32
    %add3A_162 = arith.constant 53248 : i32
    %add3A_163 = arith.addi %add3A_112, %add3A_162 : i32
    %multiple_of3A_164 = tpu.assume_multiple %add3A_163, 8 : i32
    %add3A_165 = arith.constant 57344 : i32
    %add3A_166 = arith.addi %add3A_112, %add3A_165 : i32
    %multiple_of3A_167 = tpu.assume_multiple %add3A_166, 8 : i32
    %sub3A = arith.constant 4096 : i32
    %sub3A_168 = arith.subi %add3A_123, %sub3A : i32
    %multiple_of3A_169 = tpu.assume_multiple %sub3A_168, 8 : i32
    %dma_start3A_170 = tpu.memref_slice %arg2[%multiple_of3A] : memref<6000000xi32, #tpu.memory_space<hbm>> -> memref<4096xi32, #tpu.memory_space<hbm>>
    %dma_start3A_171 = tpu.memref_slice %arg2[%multiple_of3A] : memref<6000000xi32, #tpu.memory_space<hbm>> -> memref<4096xi32, #tpu.memory_space<hbm>>
    tpu.enqueue_dma source(%dma_start3A_171 : memref<4096xi32, #tpu.memory_space<hbm>>) target(%arg6 : memref<4096xi32, #tpu.memory_space<vmem>>) target_semaphore(%arg18 : memref<!tpu.dma_semaphore, #tpu.memory_space<semaphore_mem>>)
    %add3A_172 = arith.constant 2000000 : i32
    %add3A_173 = arith.addi %multiple_of3A, %add3A_172 : i32
    %dma_start3A_174 = tpu.memref_slice %arg2[%add3A_173] : memref<6000000xi32, #tpu.memory_space<hbm>> -> memref<4096xi32, #tpu.memory_space<hbm>>
    %dma_start3A_175 = tpu.memref_slice %arg2[%add3A_173] : memref<6000000xi32, #tpu.memory_space<hbm>> -> memref<4096xi32, #tpu.memory_space<hbm>>
    tpu.enqueue_dma source(%dma_start3A_175 : memref<4096xi32, #tpu.memory_space<hbm>>) target(%arg8 : memref<4096xi32, #tpu.memory_space<vmem>>) target_semaphore(%arg18 : memref<!tpu.dma_semaphore, #tpu.memory_space<semaphore_mem>>)
    %add3A_176 = arith.constant 4000000 : i32
    %add3A_177 = arith.addi %multiple_of3A, %add3A_176 : i32
    %dma_start3A_178 = tpu.memref_slice %arg2[%add3A_177] : memref<6000000xi32, #tpu.memory_space<hbm>> -> memref<4096xi32, #tpu.memory_space<hbm>>
    %dma_start3A_179 = tpu.memref_slice %arg2[%add3A_177] : memref<6000000xi32, #tpu.memory_space<hbm>> -> memref<4096xi32, #tpu.memory_space<hbm>>
    tpu.enqueue_dma source(%dma_start3A_179 : memref<4096xi32, #tpu.memory_space<hbm>>) target(%arg10 : memref<4096xi32, #tpu.memory_space<vmem>>) target_semaphore(%arg18 : memref<!tpu.dma_semaphore, #tpu.memory_space<semaphore_mem>>)
    %dma_start3A_180 = tpu.memref_slice %arg2[%multiple_of3A_128] : memref<6000000xi32, #tpu.memory_space<hbm>> -> memref<4096xi32, #tpu.memory_space<hbm>>
    %dma_start3A_181 = tpu.memref_slice %arg2[%multiple_of3A_128] : memref<6000000xi32, #tpu.memory_space<hbm>> -> memref<4096xi32, #tpu.memory_space<hbm>>
    tpu.enqueue_dma source(%dma_start3A_181 : memref<4096xi32, #tpu.memory_space<hbm>>) target(%arg7 : memref<4096xi32, #tpu.memory_space<vmem>>) target_semaphore(%arg19 : memref<!tpu.dma_semaphore, #tpu.memory_space<semaphore_mem>>)
    %add3A_182 = arith.constant 2000000 : i32
    %add3A_183 = arith.addi %multiple_of3A_128, %add3A_182 : i32
    %dma_start3A_184 = tpu.memref_slice %arg2[%add3A_183] : memref<6000000xi32, #tpu.memory_space<hbm>> -> memref<4096xi32, #tpu.memory_space<hbm>>
    %dma_start3A_185 = tpu.memref_slice %arg2[%add3A_183] : memref<6000000xi32, #tpu.memory_space<hbm>> -> memref<4096xi32, #tpu.memory_space<hbm>>
    tpu.enqueue_dma source(%dma_start3A_185 : memref<4096xi32, #tpu.memory_space<hbm>>) target(%arg9 : memref<4096xi32, #tpu.memory_space<vmem>>) target_semaphore(%arg19 : memref<!tpu.dma_semaphore, #tpu.memory_space<semaphore_mem>>)
    %add3A_186 = arith.constant 4000000 : i32
    %add3A_187 = arith.addi %multiple_of3A_128, %add3A_186 : i32
    %dma_start3A_188 = tpu.memref_slice %arg2[%add3A_187] : memref<6000000xi32, #tpu.memory_space<hbm>> -> memref<4096xi32, #tpu.memory_space<hbm>>
    %dma_start3A_189 = tpu.memref_slice %arg2[%add3A_187] : memref<6000000xi32, #tpu.memory_space<hbm>> -> memref<4096xi32, #tpu.memory_space<hbm>>
    tpu.enqueue_dma source(%dma_start3A_189 : memref<4096xi32, #tpu.memory_space<hbm>>) target(%arg11 : memref<4096xi32, #tpu.memory_space<vmem>>) target_semaphore(%arg19 : memref<!tpu.dma_semaphore, #tpu.memory_space<semaphore_mem>>)
    %dma_wait3A = tpu.memref_slice %arg17[%add3A_9] : memref<1048576xi32, #tpu.memory_space<vmem_shared>> -> memref<4096xi32, #tpu.memory_space<vmem_shared>>
    %dma_wait3A_190 = tpu.memref_slice %arg17[%add3A_9] : memref<1048576xi32, #tpu.memory_space<vmem_shared>> -> memref<4096xi32, #tpu.memory_space<vmem_shared>>
    tpu.wait_dma2 semaphore(%arg26 : memref<!tpu.dma_semaphore, #tpu.memory_space<semaphore_mem>>) src(%arg12 : memref<4096xi32, #tpu.memory_space<vmem>>) dst(%dma_wait3A_190 : memref<4096xi32, #tpu.memory_space<vmem_shared>>)
    %dma_wait3A_191 = tpu.memref_slice %arg17[%add3A_14] : memref<1048576xi32, #tpu.memory_space<vmem_shared>> -> memref<4096xi32, #tpu.memory_space<vmem_shared>>
    %dma_wait3A_192 = tpu.memref_slice %arg17[%add3A_14] : memref<1048576xi32, #tpu.memory_space<vmem_shared>> -> memref<4096xi32, #tpu.memory_space<vmem_shared>>
    tpu.wait_dma2 semaphore(%arg26 : memref<!tpu.dma_semaphore, #tpu.memory_space<semaphore_mem>>) src(%arg12 : memref<4096xi32, #tpu.memory_space<vmem>>) dst(%dma_wait3A_192 : memref<4096xi32, #tpu.memory_space<vmem_shared>>)
    %dma_wait3A_193 = tpu.memref_slice %arg17[%add3A_20] : memref<1048576xi32, #tpu.memory_space<vmem_shared>> -> memref<4096xi32, #tpu.memory_space<vmem_shared>>
    %dma_wait3A_194 = tpu.memref_slice %arg17[%add3A_20] : memref<1048576xi32, #tpu.memory_space<vmem_shared>> -> memref<4096xi32, #tpu.memory_space<vmem_shared>>
    tpu.wait_dma2 semaphore(%arg26 : memref<!tpu.dma_semaphore, #tpu.memory_space<semaphore_mem>>) src(%arg12 : memref<4096xi32, #tpu.memory_space<vmem>>) dst(%dma_wait3A_194 : memref<4096xi32, #tpu.memory_space<vmem_shared>>)
    %dma_wait3A_195 = tpu.memref_slice %arg17[%add3A_26] : memref<1048576xi32, #tpu.memory_space<vmem_shared>> -> memref<4096xi32, #tpu.memory_space<vmem_shared>>
    %dma_wait3A_196 = tpu.memref_slice %arg17[%add3A_26] : memref<1048576xi32, #tpu.memory_space<vmem_shared>> -> memref<4096xi32, #tpu.memory_space<vmem_shared>>
    tpu.wait_dma2 semaphore(%arg26 : memref<!tpu.dma_semaphore, #tpu.memory_space<semaphore_mem>>) src(%arg12 : memref<4096xi32, #tpu.memory_space<vmem>>) dst(%dma_wait3A_196 : memref<4096xi32, #tpu.memory_space<vmem_shared>>)
    %dma_wait3A_197 = tpu.memref_slice %arg17[%add3A_32] : memref<1048576xi32, #tpu.memory_space<vmem_shared>> -> memref<4096xi32, #tpu.memory_space<vmem_shared>>
    %dma_wait3A_198 = tpu.memref_slice %arg17[%add3A_32] : memref<1048576xi32, #tpu.memory_space<vmem_shared>> -> memref<4096xi32, #tpu.memory_space<vmem_shared>>
    tpu.wait_dma2 semaphore(%arg26 : memref<!tpu.dma_semaphore, #tpu.memory_space<semaphore_mem>>) src(%arg12 : memref<4096xi32, #tpu.memory_space<vmem>>) dst(%dma_wait3A_198 : memref<4096xi32, #tpu.memory_space<vmem_shared>>)
    %dma_wait3A_199 = tpu.memref_slice %arg17[%add3A_38] : memref<1048576xi32, #tpu.memory_space<vmem_shared>> -> memref<4096xi32, #tpu.memory_space<vmem_shared>>
    %dma_wait3A_200 = tpu.memref_slice %arg17[%add3A_38] : memref<1048576xi32, #tpu.memory_space<vmem_shared>> -> memref<4096xi32, #tpu.memory_space<vmem_shared>>
    tpu.wait_dma2 semaphore(%arg26 : memref<!tpu.dma_semaphore, #tpu.memory_space<semaphore_mem>>) src(%arg12 : memref<4096xi32, #tpu.memory_space<vmem>>) dst(%dma_wait3A_200 : memref<4096xi32, #tpu.memory_space<vmem_shared>>)
    %dma_wait3A_201 = tpu.memref_slice %arg17[%add3A_44] : memref<1048576xi32, #tpu.memory_space<vmem_shared>> -> memref<4096xi32, #tpu.memory_space<vmem_shared>>
    %dma_wait3A_202 = tpu.memref_slice %arg17[%add3A_44] : memref<1048576xi32, #tpu.memory_space<vmem_shared>> -> memref<4096xi32, #tpu.memory_space<vmem_shared>>
    tpu.wait_dma2 semaphore(%arg26 : memref<!tpu.dma_semaphore, #tpu.memory_space<semaphore_mem>>) src(%arg12 : memref<4096xi32, #tpu.memory_space<vmem>>) dst(%dma_wait3A_202 : memref<4096xi32, #tpu.memory_space<vmem_shared>>)
    %dma_wait3A_203 = tpu.memref_slice %arg17[%add3A_50] : memref<1048576xi32, #tpu.memory_space<vmem_shared>> -> memref<4096xi32, #tpu.memory_space<vmem_shared>>
    %dma_wait3A_204 = tpu.memref_slice %arg17[%add3A_50] : memref<1048576xi32, #tpu.memory_space<vmem_shared>> -> memref<4096xi32, #tpu.memory_space<vmem_shared>>
    tpu.wait_dma2 semaphore(%arg26 : memref<!tpu.dma_semaphore, #tpu.memory_space<semaphore_mem>>) src(%arg12 : memref<4096xi32, #tpu.memory_space<vmem>>) dst(%dma_wait3A_204 : memref<4096xi32, #tpu.memory_space<vmem_shared>>)
    %dma_wait3A_205 = tpu.memref_slice %arg17[%add3A_56] : memref<1048576xi32, #tpu.memory_space<vmem_shared>> -> memref<4096xi32, #tpu.memory_space<vmem_shared>>
    %dma_wait3A_206 = tpu.memref_slice %arg17[%add3A_56] : memref<1048576xi32, #tpu.memory_space<vmem_shared>> -> memref<4096xi32, #tpu.memory_space<vmem_shared>>
    tpu.wait_dma2 semaphore(%arg26 : memref<!tpu.dma_semaphore, #tpu.memory_space<semaphore_mem>>) src(%arg12 : memref<4096xi32, #tpu.memory_space<vmem>>) dst(%dma_wait3A_206 : memref<4096xi32, #tpu.memory_space<vmem_shared>>)
    %dma_wait3A_207 = tpu.memref_slice %arg17[%add3A_62] : memref<1048576xi32, #tpu.memory_space<vmem_shared>> -> memref<4096xi32, #tpu.memory_space<vmem_shared>>
    %dma_wait3A_208 = tpu.memref_slice %arg17[%add3A_62] : memref<1048576xi32, #tpu.memory_space<vmem_shared>> -> memref<4096xi32, #tpu.memory_space<vmem_shared>>
    tpu.wait_dma2 semaphore(%arg26 : memref<!tpu.dma_semaphore, #tpu.memory_space<semaphore_mem>>) src(%arg12 : memref<4096xi32, #tpu.memory_space<vmem>>) dst(%dma_wait3A_208 : memref<4096xi32, #tpu.memory_space<vmem_shared>>)
    %dma_wait3A_209 = tpu.memref_slice %arg17[%add3A_68] : memref<1048576xi32, #tpu.memory_space<vmem_shared>> -> memref<4096xi32, #tpu.memory_space<vmem_shared>>
    %dma_wait3A_210 = tpu.memref_slice %arg17[%add3A_68] : memref<1048576xi32, #tpu.memory_space<vmem_shared>> -> memref<4096xi32, #tpu.memory_space<vmem_shared>>
    tpu.wait_dma2 semaphore(%arg26 : memref<!tpu.dma_semaphore, #tpu.memory_space<semaphore_mem>>) src(%arg12 : memref<4096xi32, #tpu.memory_space<vmem>>) dst(%dma_wait3A_210 : memref<4096xi32, #tpu.memory_space<vmem_shared>>)
    %dma_wait3A_211 = tpu.memref_slice %arg17[%add3A_74] : memref<1048576xi32, #tpu.memory_space<vmem_shared>> -> memref<4096xi32, #tpu.memory_space<vmem_shared>>
    %dma_wait3A_212 = tpu.memref_slice %arg17[%add3A_74] : memref<1048576xi32, #tpu.memory_space<vmem_shared>> -> memref<4096xi32, #tpu.memory_space<vmem_shared>>
    tpu.wait_dma2 semaphore(%arg26 : memref<!tpu.dma_semaphore, #tpu.memory_space<semaphore_mem>>) src(%arg12 : memref<4096xi32, #tpu.memory_space<vmem>>) dst(%dma_wait3A_212 : memref<4096xi32, #tpu.memory_space<vmem_shared>>)
    %dma_wait3A_213 = tpu.memref_slice %arg17[%add3A_80] : memref<1048576xi32, #tpu.memory_space<vmem_shared>> -> memref<4096xi32, #tpu.memory_space<vmem_shared>>
    %dma_wait3A_214 = tpu.memref_slice %arg17[%add3A_80] : memref<1048576xi32, #tpu.memory_space<vmem_shared>> -> memref<4096xi32, #tpu.memory_space<vmem_shared>>
    tpu.wait_dma2 semaphore(%arg26 : memref<!tpu.dma_semaphore, #tpu.memory_space<semaphore_mem>>) src(%arg12 : memref<4096xi32, #tpu.memory_space<vmem>>) dst(%dma_wait3A_214 : memref<4096xi32, #tpu.memory_space<vmem_shared>>)
    %dma_wait3A_215 = tpu.memref_slice %arg17[%add3A_86] : memref<1048576xi32, #tpu.memory_space<vmem_shared>> -> memref<4096xi32, #tpu.memory_space<vmem_shared>>
    %dma_wait3A_216 = tpu.memref_slice %arg17[%add3A_86] : memref<1048576xi32, #tpu.memory_space<vmem_shared>> -> memref<4096xi32, #tpu.memory_space<vmem_shared>>
    tpu.wait_dma2 semaphore(%arg26 : memref<!tpu.dma_semaphore, #tpu.memory_space<semaphore_mem>>) src(%arg12 : memref<4096xi32, #tpu.memory_space<vmem>>) dst(%dma_wait3A_216 : memref<4096xi32, #tpu.memory_space<vmem_shared>>)
    %dma_wait3A_217 = tpu.memref_slice %arg17[%add3A_92] : memref<1048576xi32, #tpu.memory_space<vmem_shared>> -> memref<4096xi32, #tpu.memory_space<vmem_shared>>
    %dma_wait3A_218 = tpu.memref_slice %arg17[%add3A_92] : memref<1048576xi32, #tpu.memory_space<vmem_shared>> -> memref<4096xi32, #tpu.memory_space<vmem_shared>>
    tpu.wait_dma2 semaphore(%arg26 : memref<!tpu.dma_semaphore, #tpu.memory_space<semaphore_mem>>) src(%arg12 : memref<4096xi32, #tpu.memory_space<vmem>>) dst(%dma_wait3A_218 : memref<4096xi32, #tpu.memory_space<vmem_shared>>)
    %dma_wait3A_219 = tpu.memref_slice %arg17[%add3A_98] : memref<1048576xi32, #tpu.memory_space<vmem_shared>> -> memref<4096xi32, #tpu.memory_space<vmem_shared>>
    %dma_wait3A_220 = tpu.memref_slice %arg17[%add3A_98] : memref<1048576xi32, #tpu.memory_space<vmem_shared>> -> memref<4096xi32, #tpu.memory_space<vmem_shared>>
    tpu.wait_dma2 semaphore(%arg26 : memref<!tpu.dma_semaphore, #tpu.memory_space<semaphore_mem>>) src(%arg12 : memref<4096xi32, #tpu.memory_space<vmem>>) dst(%dma_wait3A_220 : memref<4096xi32, #tpu.memory_space<vmem_shared>>)
    %barrier3A = arith.constant 0 : index
    tpu.barrier barrier_id(%barrier3A)
    %dma_wait3A_221 = tpu.memref_slice %arg2[%multiple_of3A] : memref<6000000xi32, #tpu.memory_space<hbm>> -> memref<4096xi32, #tpu.memory_space<hbm>>
    %dma_wait3A_222 = tpu.memref_slice %arg2[%multiple_of3A] : memref<6000000xi32, #tpu.memory_space<hbm>> -> memref<4096xi32, #tpu.memory_space<hbm>>
    tpu.wait_dma2 semaphore(%arg18 : memref<!tpu.dma_semaphore, #tpu.memory_space<semaphore_mem>>) src(%dma_wait3A_222 : memref<4096xi32, #tpu.memory_space<hbm>>) dst(%arg6 : memref<4096xi32, #tpu.memory_space<vmem>>)
    %dma_wait3A_223 = tpu.memref_slice %arg2[%add3A_173] : memref<6000000xi32, #tpu.memory_space<hbm>> -> memref<4096xi32, #tpu.memory_space<hbm>>
    %dma_wait3A_224 = tpu.memref_slice %arg2[%add3A_173] : memref<6000000xi32, #tpu.memory_space<hbm>> -> memref<4096xi32, #tpu.memory_space<hbm>>
    tpu.wait_dma2 semaphore(%arg18 : memref<!tpu.dma_semaphore, #tpu.memory_space<semaphore_mem>>) src(%dma_wait3A_224 : memref<4096xi32, #tpu.memory_space<hbm>>) dst(%arg8 : memref<4096xi32, #tpu.memory_space<vmem>>)
    %dma_wait3A_225 = tpu.memref_slice %arg2[%add3A_177] : memref<6000000xi32, #tpu.memory_space<hbm>> -> memref<4096xi32, #tpu.memory_space<hbm>>
    %dma_wait3A_226 = tpu.memref_slice %arg2[%add3A_177] : memref<6000000xi32, #tpu.memory_space<hbm>> -> memref<4096xi32, #tpu.memory_space<hbm>>
    tpu.wait_dma2 semaphore(%arg18 : memref<!tpu.dma_semaphore, #tpu.memory_space<semaphore_mem>>) src(%dma_wait3A_226 : memref<4096xi32, #tpu.memory_space<hbm>>) dst(%arg10 : memref<4096xi32, #tpu.memory_space<vmem>>)
    %scan3A_227 = arith.constant 0 : i32
    %scan3A_228 = arith.constant 0 : i32
    %scan3A_229 = arith.constant 256 : i32
    %scan3A_230 = arith.addi %scan3A_228, %scan3A_229 : i32
    %scan3A_231 = arith.constant 1 : i32
    scf.for %scan3A_749 = %scan3A_228 to %scan3A_230 step %scan3A_231  : i32 {
      %mul3A_750 = arith.constant 16 : i32
      %mul3A_751 = arith.muli %scan3A_749, %mul3A_750 : i32
      %get3A = arith.index_cast %mul3A_751 : i32 to index
      %get3A_752 = tpu.vector_load %arg6[%get3A] {strides = array<i32>} : memref<4096xi32, #tpu.memory_space<vmem>>, vector<16xi32>,
      %get3A_753 = vector.shape_cast %get3A_752 : vector<16xi32> to vector<16xi32>
      %mul3A_754 = arith.constant 25921 : i32
      %mul3A_755 = vector.broadcast %mul3A_754 : i32 to vector<16xi32>
      %mul3A_756 = arith.muli %get3A_753, %mul3A_755 : vector<16xi32>
      %get3A_757 = arith.index_cast %mul3A_751 : i32 to index
      %get3A_758 = tpu.vector_load %arg8[%get3A_757] {strides = array<i32>} : memref<4096xi32, #tpu.memory_space<vmem>>, vector<16xi32>,
      %get3A_759 = vector.shape_cast %get3A_758 : vector<16xi32> to vector<16xi32>
      %mul3A_760 = arith.constant 161 : i32
      %mul3A_761 = vector.broadcast %mul3A_760 : i32 to vector<16xi32>
      %mul3A_762 = arith.muli %get3A_759, %mul3A_761 : vector<16xi32>
      %add3A_763 = arith.addi %mul3A_756, %mul3A_762 : vector<16xi32>
      %get3A_764 = arith.index_cast %mul3A_751 : i32 to index
      %get3A_765 = tpu.vector_load %arg10[%get3A_764] {strides = array<i32>} : memref<4096xi32, #tpu.memory_space<vmem>>, vector<16xi32>,
      %get3A_766 = vector.shape_cast %get3A_765 : vector<16xi32> to vector<16xi32>
      %add3A_767 = arith.addi %add3A_763, %get3A_766 : vector<16xi32>
      %swap3A = arith.index_cast %mul3A_751 : i32 to index
      %swap3A_768 = tpu.vector_load %arg12[%swap3A] {strides = array<i32>} : memref<4096xi32, #tpu.memory_space<vmem>>, vector<16xi32>,
      %swap3A_769 = vector.shape_cast %swap3A_768 : vector<16xi32> to vector<16xi32>
      %swap3A_770 = vector.shape_cast %add3A_767 : vector<16xi32> to vector<16xi32>
      tpu.vector_store %arg12[%swap3A], %swap3A_770 {strides = array<i32>} : memref<4096xi32, #tpu.memory_space<vmem>>, vector<16xi32>,
    }
    %scan3A_232 = arith.constant 256 : i32
    %dma_start3A_233 = arith.constant 0 : i32
    %dma_start3A_234 = tpu.memref_slice %arg3[%dma_start3A_233] : memref<4173281xi32, #tpu.memory_space<hbm>> -> memref<4173281xi32, #tpu.memory_space<hbm>>
    tpu.enqueue_indirect_dma source(%dma_start3A_234 : memref<4173281xi32, #tpu.memory_space<hbm>>) target(%arg14 : memref<4096xi32, #tpu.memory_space<vmem>>) offsets(%arg12 : memref<4096xi32, #tpu.memory_space<vmem>>) semaphore(%arg20 : memref<!tpu.dma_semaphore, #tpu.memory_space<semaphore_mem>>)
    %dma_start3A_235 = tpu.memref_slice %arg2[%multiple_of3A_131] : memref<6000000xi32, #tpu.memory_space<hbm>> -> memref<4096xi32, #tpu.memory_space<hbm>>
    %dma_start3A_236 = tpu.memref_slice %arg2[%multiple_of3A_131] : memref<6000000xi32, #tpu.memory_space<hbm>> -> memref<4096xi32, #tpu.memory_space<hbm>>
    tpu.enqueue_dma source(%dma_start3A_236 : memref<4096xi32, #tpu.memory_space<hbm>>) target(%arg6 : memref<4096xi32, #tpu.memory_space<vmem>>) target_semaphore(%arg18 : memref<!tpu.dma_semaphore, #tpu.memory_space<semaphore_mem>>)
    %add3A_237 = arith.constant 2000000 : i32
    %add3A_238 = arith.addi %multiple_of3A_131, %add3A_237 : i32
    %dma_start3A_239 = tpu.memref_slice %arg2[%add3A_238] : memref<6000000xi32, #tpu.memory_space<hbm>> -> memref<4096xi32, #tpu.memory_space<hbm>>
    %dma_start3A_240 = tpu.memref_slice %arg2[%add3A_238] : memref<6000000xi32, #tpu.memory_space<hbm>> -> memref<4096xi32, #tpu.memory_space<hbm>>
    tpu.enqueue_dma source(%dma_start3A_240 : memref<4096xi32, #tpu.memory_space<hbm>>) target(%arg8 : memref<4096xi32, #tpu.memory_space<vmem>>) target_semaphore(%arg18 : memref<!tpu.dma_semaphore, #tpu.memory_space<semaphore_mem>>)
    %add3A_241 = arith.constant 4000000 : i32
    %add3A_242 = arith.addi %multiple_of3A_131, %add3A_241 : i32
    %dma_start3A_243 = tpu.memref_slice %arg2[%add3A_242] : memref<6000000xi32, #tpu.memory_space<hbm>> -> memref<4096xi32, #tpu.memory_space<hbm>>
    %dma_start3A_244 = tpu.memref_slice %arg2[%add3A_242] : memref<6000000xi32, #tpu.memory_space<hbm>> -> memref<4096xi32, #tpu.memory_space<hbm>>
    tpu.enqueue_dma source(%dma_start3A_244 : memref<4096xi32, #tpu.memory_space<hbm>>) target(%arg10 : memref<4096xi32, #tpu.memory_space<vmem>>) target_semaphore(%arg18 : memref<!tpu.dma_semaphore, #tpu.memory_space<semaphore_mem>>)
    %dma_wait3A_245 = tpu.memref_slice %arg2[%multiple_of3A_128] : memref<6000000xi32, #tpu.memory_space<hbm>> -> memref<4096xi32, #tpu.memory_space<hbm>>
    %dma_wait3A_246 = tpu.memref_slice %arg2[%multiple_of3A_128] : memref<6000000xi32, #tpu.memory_space<hbm>> -> memref<4096xi32, #tpu.memory_space<hbm>>
    tpu.wait_dma2 semaphore(%arg19 : memref<!tpu.dma_semaphore, #tpu.memory_space<semaphore_mem>>) src(%dma_wait3A_246 : memref<4096xi32, #tpu.memory_space<hbm>>) dst(%arg7 : memref<4096xi32, #tpu.memory_space<vmem>>)
    %dma_wait3A_247 = tpu.memref_slice %arg2[%add3A_183] : memref<6000000xi32, #tpu.memory_space<hbm>> -> memref<4096xi32, #tpu.memory_space<hbm>>
    %dma_wait3A_248 = tpu.memref_slice %arg2[%add3A_183] : memref<6000000xi32, #tpu.memory_space<hbm>> -> memref<4096xi32, #tpu.memory_space<hbm>>
    tpu.wait_dma2 semaphore(%arg19 : memref<!tpu.dma_semaphore, #tpu.memory_space<semaphore_mem>>) src(%dma_wait3A_248 : memref<4096xi32, #tpu.memory_space<hbm>>) dst(%arg9 : memref<4096xi32, #tpu.memory_space<vmem>>)
    %dma_wait3A_249 = tpu.memref_slice %arg2[%add3A_187] : memref<6000000xi32, #tpu.memory_space<hbm>> -> memref<4096xi32, #tpu.memory_space<hbm>>
    %dma_wait3A_250 = tpu.memref_slice %arg2[%add3A_187] : memref<6000000xi32, #tpu.memory_space<hbm>> -> memref<4096xi32, #tpu.memory_space<hbm>>
    tpu.wait_dma2 semaphore(%arg19 : memref<!tpu.dma_semaphore, #tpu.memory_space<semaphore_mem>>) src(%dma_wait3A_250 : memref<4096xi32, #tpu.memory_space<hbm>>) dst(%arg11 : memref<4096xi32, #tpu.memory_space<vmem>>)
    %scan3A_251 = arith.constant 0 : i32
    %scan3A_252 = arith.constant 0 : i32
    %scan3A_253 = arith.constant 256 : i32
    %scan3A_254 = arith.addi %scan3A_252, %scan3A_253 : i32
    %scan3A_255 = arith.constant 1 : i32
    scf.for %scan3A_749 = %scan3A_252 to %scan3A_254 step %scan3A_255  : i32 {
      %mul3A_750 = arith.constant 16 : i32
      %mul3A_751 = arith.muli %scan3A_749, %mul3A_750 : i32
      %get3A = arith.index_cast %mul3A_751 : i32 to index
      %get3A_752 = tpu.vector_load %arg7[%get3A] {strides = array<i32>} : memref<4096xi32, #tpu.memory_space<vmem>>, vector<16xi32>,
      %get3A_753 = vector.shape_cast %get3A_752 : vector<16xi32> to vector<16xi32>
      %mul3A_754 = arith.constant 25921 : i32
      %mul3A_755 = vector.broadcast %mul3A_754 : i32 to vector<16xi32>
      %mul3A_756 = arith.muli %get3A_753, %mul3A_755 : vector<16xi32>
      %get3A_757 = arith.index_cast %mul3A_751 : i32 to index
      %get3A_758 = tpu.vector_load %arg9[%get3A_757] {strides = array<i32>} : memref<4096xi32, #tpu.memory_space<vmem>>, vector<16xi32>,
      %get3A_759 = vector.shape_cast %get3A_758 : vector<16xi32> to vector<16xi32>
      %mul3A_760 = arith.constant 161 : i32
      %mul3A_761 = vector.broadcast %mul3A_760 : i32 to vector<16xi32>
      %mul3A_762 = arith.muli %get3A_759, %mul3A_761 : vector<16xi32>
      %add3A_763 = arith.addi %mul3A_756, %mul3A_762 : vector<16xi32>
      %get3A_764 = arith.index_cast %mul3A_751 : i32 to index
      %get3A_765 = tpu.vector_load %arg11[%get3A_764] {strides = array<i32>} : memref<4096xi32, #tpu.memory_space<vmem>>, vector<16xi32>,
      %get3A_766 = vector.shape_cast %get3A_765 : vector<16xi32> to vector<16xi32>
      %add3A_767 = arith.addi %add3A_763, %get3A_766 : vector<16xi32>
      %swap3A = arith.index_cast %mul3A_751 : i32 to index
      %swap3A_768 = tpu.vector_load %arg13[%swap3A] {strides = array<i32>} : memref<4096xi32, #tpu.memory_space<vmem>>, vector<16xi32>,
      %swap3A_769 = vector.shape_cast %swap3A_768 : vector<16xi32> to vector<16xi32>
      %swap3A_770 = vector.shape_cast %add3A_767 : vector<16xi32> to vector<16xi32>
      tpu.vector_store %arg13[%swap3A], %swap3A_770 {strides = array<i32>} : memref<4096xi32, #tpu.memory_space<vmem>>, vector<16xi32>,
    }
    %scan3A_256 = arith.constant 256 : i32
    %dma_wait3A_257 = arith.constant 0 : i32
    %dma_wait3A_258 = tpu.memref_slice %arg3[%dma_wait3A_257] : memref<4173281xi32, #tpu.memory_space<hbm>> -> memref<4173281xi32, #tpu.memory_space<hbm>>
    tpu.wait_indirect_dma semaphore(%arg20 : memref<!tpu.dma_semaphore, #tpu.memory_space<semaphore_mem>>) src(%dma_wait3A_258 : memref<4173281xi32, #tpu.memory_space<hbm>>) dst(%arg14 : memref<4096xi32, #tpu.memory_space<vmem>>)
    %dma_start3A_259 = tpu.memref_slice %arg4[%multiple_of3A] : memref<2000000xi32, #tpu.memory_space<hbm>> -> memref<4096xi32, #tpu.memory_space<hbm>>
    %dma_start3A_260 = tpu.memref_slice %arg4[%multiple_of3A] : memref<2000000xi32, #tpu.memory_space<hbm>> -> memref<4096xi32, #tpu.memory_space<hbm>>
    tpu.enqueue_dma source(%arg14 : memref<4096xi32, #tpu.memory_space<vmem>>) target(%dma_start3A_260 : memref<4096xi32, #tpu.memory_space<hbm>>) target_semaphore(%arg22 : memref<!tpu.dma_semaphore, #tpu.memory_space<semaphore_mem>>)
    %dma_start3A_261 = arith.constant 0 : i32
    %dma_start3A_262 = tpu.memref_slice %arg17[%dma_start3A_261] : memref<1048576xi32, #tpu.memory_space<vmem_shared>> -> memref<1048576xi32, #tpu.memory_space<vmem_shared>>
    tpu.enqueue_indirect_dma source(%arg16 : memref<4096xi32, #tpu.memory_space<vmem>>) target(%dma_start3A_262 : memref<1048576xi32, #tpu.memory_space<vmem_shared>>) offsets(%arg14 : memref<4096xi32, #tpu.memory_space<vmem>>) semaphore(%arg24 : memref<!tpu.dma_semaphore, #tpu.memory_space<semaphore_mem>>)
    %dma_start3A_263 = arith.constant 0 : i32
    %dma_start3A_264 = tpu.memref_slice %arg3[%dma_start3A_263] : memref<4173281xi32, #tpu.memory_space<hbm>> -> memref<4173281xi32, #tpu.memory_space<hbm>>
    tpu.enqueue_indirect_dma source(%dma_start3A_264 : memref<4173281xi32, #tpu.memory_space<hbm>>) target(%arg15 : memref<4096xi32, #tpu.memory_space<vmem>>) offsets(%arg13 : memref<4096xi32, #tpu.memory_space<vmem>>) semaphore(%arg21 : memref<!tpu.dma_semaphore, #tpu.memory_space<semaphore_mem>>)
    %dma_start3A_265 = tpu.memref_slice %arg2[%multiple_of3A_134] : memref<6000000xi32, #tpu.memory_space<hbm>> -> memref<4096xi32, #tpu.memory_space<hbm>>
    %dma_start3A_266 = tpu.memref_slice %arg2[%multiple_of3A_134] : memref<6000000xi32, #tpu.memory_space<hbm>> -> memref<4096xi32, #tpu.memory_space<hbm>>
    tpu.enqueue_dma source(%dma_start3A_266 : memref<4096xi32, #tpu.memory_space<hbm>>) target(%arg7 : memref<4096xi32, #tpu.memory_space<vmem>>) target_semaphore(%arg19 : memref<!tpu.dma_semaphore, #tpu.memory_space<semaphore_mem>>)
    %add3A_267 = arith.constant 2000000 : i32
    %add3A_268 = arith.addi %multiple_of3A_134, %add3A_267 : i32
    %dma_start3A_269 = tpu.memref_slice %arg2[%add3A_268] : memref<6000000xi32, #tpu.memory_space<hbm>> -> memref<4096xi32, #tpu.memory_space<hbm>>
    %dma_start3A_270 = tpu.memref_slice %arg2[%add3A_268] : memref<6000000xi32, #tpu.memory_space<hbm>> -> memref<4096xi32, #tpu.memory_space<hbm>>
    tpu.enqueue_dma source(%dma_start3A_270 : memref<4096xi32, #tpu.memory_space<hbm>>) target(%arg9 : memref<4096xi32, #tpu.memory_space<vmem>>) target_semaphore(%arg19 : memref<!tpu.dma_semaphore, #tpu.memory_space<semaphore_mem>>)
    %add3A_271 = arith.constant 4000000 : i32
    %add3A_272 = arith.addi %multiple_of3A_134, %add3A_271 : i32
    %dma_start3A_273 = tpu.memref_slice %arg2[%add3A_272] : memref<6000000xi32, #tpu.memory_space<hbm>> -> memref<4096xi32, #tpu.memory_space<hbm>>
    %dma_start3A_274 = tpu.memref_slice %arg2[%add3A_272] : memref<6000000xi32, #tpu.memory_space<hbm>> -> memref<4096xi32, #tpu.memory_space<hbm>>
    tpu.enqueue_dma source(%dma_start3A_274 : memref<4096xi32, #tpu.memory_space<hbm>>) target(%arg11 : memref<4096xi32, #tpu.memory_space<vmem>>) target_semaphore(%arg19 : memref<!tpu.dma_semaphore, #tpu.memory_space<semaphore_mem>>)
    %dma_wait3A_275 = tpu.memref_slice %arg2[%multiple_of3A_131] : memref<6000000xi32, #tpu.memory_space<hbm>> -> memref<4096xi32, #tpu.memory_space<hbm>>
    %dma_wait3A_276 = tpu.memref_slice %arg2[%multiple_of3A_131] : memref<6000000xi32, #tpu.memory_space<hbm>> -> memref<4096xi32, #tpu.memory_space<hbm>>
    tpu.wait_dma2 semaphore(%arg18 : memref<!tpu.dma_semaphore, #tpu.memory_space<semaphore_mem>>) src(%dma_wait3A_276 : memref<4096xi32, #tpu.memory_space<hbm>>) dst(%arg6 : memref<4096xi32, #tpu.memory_space<vmem>>)
    %dma_wait3A_277 = tpu.memref_slice %arg2[%add3A_238] : memref<6000000xi32, #tpu.memory_space<hbm>> -> memref<4096xi32, #tpu.memory_space<hbm>>
    %dma_wait3A_278 = tpu.memref_slice %arg2[%add3A_238] : memref<6000000xi32, #tpu.memory_space<hbm>> -> memref<4096xi32, #tpu.memory_space<hbm>>
    tpu.wait_dma2 semaphore(%arg18 : memref<!tpu.dma_semaphore, #tpu.memory_space<semaphore_mem>>) src(%dma_wait3A_278 : memref<4096xi32, #tpu.memory_space<hbm>>) dst(%arg8 : memref<4096xi32, #tpu.memory_space<vmem>>)
    %dma_wait3A_279 = tpu.memref_slice %arg2[%add3A_242] : memref<6000000xi32, #tpu.memory_space<hbm>> -> memref<4096xi32, #tpu.memory_space<hbm>>
    %dma_wait3A_280 = tpu.memref_slice %arg2[%add3A_242] : memref<6000000xi32, #tpu.memory_space<hbm>> -> memref<4096xi32, #tpu.memory_space<hbm>>
    tpu.wait_dma2 semaphore(%arg18 : memref<!tpu.dma_semaphore, #tpu.memory_space<semaphore_mem>>) src(%dma_wait3A_280 : memref<4096xi32, #tpu.memory_space<hbm>>) dst(%arg10 : memref<4096xi32, #tpu.memory_space<vmem>>)
    %scan3A_281 = arith.constant 0 : i32
    %scan3A_282 = arith.constant 0 : i32
    %scan3A_283 = arith.constant 256 : i32
    %scan3A_284 = arith.addi %scan3A_282, %scan3A_283 : i32
    %scan3A_285 = arith.constant 1 : i32
    scf.for %scan3A_749 = %scan3A_282 to %scan3A_284 step %scan3A_285  : i32 {
      %mul3A_750 = arith.constant 16 : i32
      %mul3A_751 = arith.muli %scan3A_749, %mul3A_750 : i32
      %get3A = arith.index_cast %mul3A_751 : i32 to index
      %get3A_752 = tpu.vector_load %arg6[%get3A] {strides = array<i32>} : memref<4096xi32, #tpu.memory_space<vmem>>, vector<16xi32>,
      %get3A_753 = vector.shape_cast %get3A_752 : vector<16xi32> to vector<16xi32>
      %mul3A_754 = arith.constant 25921 : i32
      %mul3A_755 = vector.broadcast %mul3A_754 : i32 to vector<16xi32>
      %mul3A_756 = arith.muli %get3A_753, %mul3A_755 : vector<16xi32>
      %get3A_757 = arith.index_cast %mul3A_751 : i32 to index
      %get3A_758 = tpu.vector_load %arg8[%get3A_757] {strides = array<i32>} : memref<4096xi32, #tpu.memory_space<vmem>>, vector<16xi32>,
      %get3A_759 = vector.shape_cast %get3A_758 : vector<16xi32> to vector<16xi32>
      %mul3A_760 = arith.constant 161 : i32
      %mul3A_761 = vector.broadcast %mul3A_760 : i32 to vector<16xi32>
      %mul3A_762 = arith.muli %get3A_759, %mul3A_761 : vector<16xi32>
      %add3A_763 = arith.addi %mul3A_756, %mul3A_762 : vector<16xi32>
      %get3A_764 = arith.index_cast %mul3A_751 : i32 to index
      %get3A_765 = tpu.vector_load %arg10[%get3A_764] {strides = array<i32>} : memref<4096xi32, #tpu.memory_space<vmem>>, vector<16xi32>,
      %get3A_766 = vector.shape_cast %get3A_765 : vector<16xi32> to vector<16xi32>
      %add3A_767 = arith.addi %add3A_763, %get3A_766 : vector<16xi32>
      %swap3A = arith.index_cast %mul3A_751 : i32 to index
      %swap3A_768 = tpu.vector_load %arg12[%swap3A] {strides = array<i32>} : memref<4096xi32, #tpu.memory_space<vmem>>, vector<16xi32>,
      %swap3A_769 = vector.shape_cast %swap3A_768 : vector<16xi32> to vector<16xi32>
      %swap3A_770 = vector.shape_cast %add3A_767 : vector<16xi32> to vector<16xi32>
      tpu.vector_store %arg12[%swap3A], %swap3A_770 {strides = array<i32>} : memref<4096xi32, #tpu.memory_space<vmem>>, vector<16xi32>,
    }
    %scan3A_286 = arith.constant 256 : i32
    %dma_wait3A_287 = arith.constant 0 : i32
    %dma_wait3A_288 = tpu.memref_slice %arg3[%dma_wait3A_287] : memref<4173281xi32, #tpu.memory_space<hbm>> -> memref<4173281xi32, #tpu.memory_space<hbm>>
    tpu.wait_indirect_dma semaphore(%arg21 : memref<!tpu.dma_semaphore, #tpu.memory_space<semaphore_mem>>) src(%dma_wait3A_288 : memref<4173281xi32, #tpu.memory_space<hbm>>) dst(%arg15 : memref<4096xi32, #tpu.memory_space<vmem>>)
    %dma_start3A_289 = tpu.memref_slice %arg4[%multiple_of3A_128] : memref<2000000xi32, #tpu.memory_space<hbm>> -> memref<4096xi32, #tpu.memory_space<hbm>>
    %dma_start3A_290 = tpu.memref_slice %arg4[%multiple_of3A_128] : memref<2000000xi32, #tpu.memory_space<hbm>> -> memref<4096xi32, #tpu.memory_space<hbm>>
    tpu.enqueue_dma source(%arg15 : memref<4096xi32, #tpu.memory_space<vmem>>) target(%dma_start3A_290 : memref<4096xi32, #tpu.memory_space<hbm>>) target_semaphore(%arg23 : memref<!tpu.dma_semaphore, #tpu.memory_space<semaphore_mem>>)
    %dma_start3A_291 = arith.constant 0 : i32
    %dma_start3A_292 = tpu.memref_slice %arg17[%dma_start3A_291] : memref<1048576xi32, #tpu.memory_space<vmem_shared>> -> memref<1048576xi32, #tpu.memory_space<vmem_shared>>
    tpu.enqueue_indirect_dma source(%arg16 : memref<4096xi32, #tpu.memory_space<vmem>>) target(%dma_start3A_292 : memref<1048576xi32, #tpu.memory_space<vmem_shared>>) offsets(%arg15 : memref<4096xi32, #tpu.memory_space<vmem>>) semaphore(%arg25 : memref<!tpu.dma_semaphore, #tpu.memory_space<semaphore_mem>>)
    %dma_wait3A_293 = tpu.memref_slice %arg4[%multiple_of3A] : memref<2000000xi32, #tpu.memory_space<hbm>> -> memref<4096xi32, #tpu.memory_space<hbm>>
    %dma_wait3A_294 = tpu.memref_slice %arg4[%multiple_of3A] : memref<2000000xi32, #tpu.memory_space<hbm>> -> memref<4096xi32, #tpu.memory_space<hbm>>
    tpu.wait_dma2 semaphore(%arg22 : memref<!tpu.dma_semaphore, #tpu.memory_space<semaphore_mem>>) src(%arg14 : memref<4096xi32, #tpu.memory_space<vmem>>) dst(%dma_wait3A_294 : memref<4096xi32, #tpu.memory_space<hbm>>)
    %dma_wait3A_295 = arith.constant 0 : i32
    %dma_wait3A_296 = tpu.memref_slice %arg17[%dma_wait3A_295] : memref<1048576xi32, #tpu.memory_space<vmem_shared>> -> memref<1048576xi32, #tpu.memory_space<vmem_shared>>
    tpu.wait_indirect_dma semaphore(%arg24 : memref<!tpu.dma_semaphore, #tpu.memory_space<semaphore_mem>>) src(%arg16 : memref<4096xi32, #tpu.memory_space<vmem>>) dst(%dma_wait3A_296 : memref<1048576xi32, #tpu.memory_space<vmem_shared>>)
    %dma_start3A_297 = arith.constant 0 : i32
    %dma_start3A_298 = tpu.memref_slice %arg3[%dma_start3A_297] : memref<4173281xi32, #tpu.memory_space<hbm>> -> memref<4173281xi32, #tpu.memory_space<hbm>>
    tpu.enqueue_indirect_dma source(%dma_start3A_298 : memref<4173281xi32, #tpu.memory_space<hbm>>) target(%arg14 : memref<4096xi32, #tpu.memory_space<vmem>>) offsets(%arg12 : memref<4096xi32, #tpu.memory_space<vmem>>) semaphore(%arg20 : memref<!tpu.dma_semaphore, #tpu.memory_space<semaphore_mem>>)
    %dma_start3A_299 = tpu.memref_slice %arg2[%multiple_of3A_137] : memref<6000000xi32, #tpu.memory_space<hbm>> -> memref<4096xi32, #tpu.memory_space<hbm>>
    %dma_start3A_300 = tpu.memref_slice %arg2[%multiple_of3A_137] : memref<6000000xi32, #tpu.memory_space<hbm>> -> memref<4096xi32, #tpu.memory_space<hbm>>
    tpu.enqueue_dma source(%dma_start3A_300 : memref<4096xi32, #tpu.memory_space<hbm>>) target(%arg6 : memref<4096xi32, #tpu.memory_space<vmem>>) target_semaphore(%arg18 : memref<!tpu.dma_semaphore, #tpu.memory_space<semaphore_mem>>)
    %add3A_301 = arith.constant 2000000 : i32
    %add3A_302 = arith.addi %multiple_of3A_137, %add3A_301 : i32
    %dma_start3A_303 = tpu.memref_slice %arg2[%add3A_302] : memref<6000000xi32, #tpu.memory_space<hbm>> -> memref<4096xi32, #tpu.memory_space<hbm>>
    %dma_start3A_304 = tpu.memref_slice %arg2[%add3A_302] : memref<6000000xi32, #tpu.memory_space<hbm>> -> memref<4096xi32, #tpu.memory_space<hbm>>
    tpu.enqueue_dma source(%dma_start3A_304 : memref<4096xi32, #tpu.memory_space<hbm>>) target(%arg8 : memref<4096xi32, #tpu.memory_space<vmem>>) target_semaphore(%arg18 : memref<!tpu.dma_semaphore, #tpu.memory_space<semaphore_mem>>)
    %add3A_305 = arith.constant 4000000 : i32
    %add3A_306 = arith.addi %multiple_of3A_137, %add3A_305 : i32
    %dma_start3A_307 = tpu.memref_slice %arg2[%add3A_306] : memref<6000000xi32, #tpu.memory_space<hbm>> -> memref<4096xi32, #tpu.memory_space<hbm>>
    %dma_start3A_308 = tpu.memref_slice %arg2[%add3A_306] : memref<6000000xi32, #tpu.memory_space<hbm>> -> memref<4096xi32, #tpu.memory_space<hbm>>
    tpu.enqueue_dma source(%dma_start3A_308 : memref<4096xi32, #tpu.memory_space<hbm>>) target(%arg10 : memref<4096xi32, #tpu.memory_space<vmem>>) target_semaphore(%arg18 : memref<!tpu.dma_semaphore, #tpu.memory_space<semaphore_mem>>)
    %dma_wait3A_309 = tpu.memref_slice %arg2[%multiple_of3A_134] : memref<6000000xi32, #tpu.memory_space<hbm>> -> memref<4096xi32, #tpu.memory_space<hbm>>
    %dma_wait3A_310 = tpu.memref_slice %arg2[%multiple_of3A_134] : memref<6000000xi32, #tpu.memory_space<hbm>> -> memref<4096xi32, #tpu.memory_space<hbm>>
    tpu.wait_dma2 semaphore(%arg19 : memref<!tpu.dma_semaphore, #tpu.memory_space<semaphore_mem>>) src(%dma_wait3A_310 : memref<4096xi32, #tpu.memory_space<hbm>>) dst(%arg7 : memref<4096xi32, #tpu.memory_space<vmem>>)
    %dma_wait3A_311 = tpu.memref_slice %arg2[%add3A_268] : memref<6000000xi32, #tpu.memory_space<hbm>> -> memref<4096xi32, #tpu.memory_space<hbm>>
    %dma_wait3A_312 = tpu.memref_slice %arg2[%add3A_268] : memref<6000000xi32, #tpu.memory_space<hbm>> -> memref<4096xi32, #tpu.memory_space<hbm>>
    tpu.wait_dma2 semaphore(%arg19 : memref<!tpu.dma_semaphore, #tpu.memory_space<semaphore_mem>>) src(%dma_wait3A_312 : memref<4096xi32, #tpu.memory_space<hbm>>) dst(%arg9 : memref<4096xi32, #tpu.memory_space<vmem>>)
    %dma_wait3A_313 = tpu.memref_slice %arg2[%add3A_272] : memref<6000000xi32, #tpu.memory_space<hbm>> -> memref<4096xi32, #tpu.memory_space<hbm>>
    %dma_wait3A_314 = tpu.memref_slice %arg2[%add3A_272] : memref<6000000xi32, #tpu.memory_space<hbm>> -> memref<4096xi32, #tpu.memory_space<hbm>>
    tpu.wait_dma2 semaphore(%arg19 : memref<!tpu.dma_semaphore, #tpu.memory_space<semaphore_mem>>) src(%dma_wait3A_314 : memref<4096xi32, #tpu.memory_space<hbm>>) dst(%arg11 : memref<4096xi32, #tpu.memory_space<vmem>>)
    %scan3A_315 = arith.constant 0 : i32
    %scan3A_316 = arith.constant 0 : i32
    %scan3A_317 = arith.constant 256 : i32
    %scan3A_318 = arith.addi %scan3A_316, %scan3A_317 : i32
    %scan3A_319 = arith.constant 1 : i32
    scf.for %scan3A_749 = %scan3A_316 to %scan3A_318 step %scan3A_319  : i32 {
      %mul3A_750 = arith.constant 16 : i32
      %mul3A_751 = arith.muli %scan3A_749, %mul3A_750 : i32
      %get3A = arith.index_cast %mul3A_751 : i32 to index
      %get3A_752 = tpu.vector_load %arg7[%get3A] {strides = array<i32>} : memref<4096xi32, #tpu.memory_space<vmem>>, vector<16xi32>,
      %get3A_753 = vector.shape_cast %get3A_752 : vector<16xi32> to vector<16xi32>
      %mul3A_754 = arith.constant 25921 : i32
      %mul3A_755 = vector.broadcast %mul3A_754 : i32 to vector<16xi32>
      %mul3A_756 = arith.muli %get3A_753, %mul3A_755 : vector<16xi32>
      %get3A_757 = arith.index_cast %mul3A_751 : i32 to index
      %get3A_758 = tpu.vector_load %arg9[%get3A_757] {strides = array<i32>} : memref<4096xi32, #tpu.memory_space<vmem>>, vector<16xi32>,
      %get3A_759 = vector.shape_cast %get3A_758 : vector<16xi32> to vector<16xi32>
      %mul3A_760 = arith.constant 161 : i32
      %mul3A_761 = vector.broadcast %mul3A_760 : i32 to vector<16xi32>
      %mul3A_762 = arith.muli %get3A_759, %mul3A_761 : vector<16xi32>
      %add3A_763 = arith.addi %mul3A_756, %mul3A_762 : vector<16xi32>
      %get3A_764 = arith.index_cast %mul3A_751 : i32 to index
      %get3A_765 = tpu.vector_load %arg11[%get3A_764] {strides = array<i32>} : memref<4096xi32, #tpu.memory_space<vmem>>, vector<16xi32>,
      %get3A_766 = vector.shape_cast %get3A_765 : vector<16xi32> to vector<16xi32>
      %add3A_767 = arith.addi %add3A_763, %get3A_766 : vector<16xi32>
      %swap3A = arith.index_cast %mul3A_751 : i32 to index
      %swap3A_768 = tpu.vector_load %arg13[%swap3A] {strides = array<i32>} : memref<4096xi32, #tpu.memory_space<vmem>>, vector<16xi32>,
      %swap3A_769 = vector.shape_cast %swap3A_768 : vector<16xi32> to vector<16xi32>
      %swap3A_770 = vector.shape_cast %add3A_767 : vector<16xi32> to vector<16xi32>
      tpu.vector_store %arg13[%swap3A], %swap3A_770 {strides = array<i32>} : memref<4096xi32, #tpu.memory_space<vmem>>, vector<16xi32>,
    }
    %scan3A_320 = arith.constant 256 : i32
    %dma_wait3A_321 = arith.constant 0 : i32
    %dma_wait3A_322 = tpu.memref_slice %arg3[%dma_wait3A_321] : memref<4173281xi32, #tpu.memory_space<hbm>> -> memref<4173281xi32, #tpu.memory_space<hbm>>
    tpu.wait_indirect_dma semaphore(%arg20 : memref<!tpu.dma_semaphore, #tpu.memory_space<semaphore_mem>>) src(%dma_wait3A_322 : memref<4173281xi32, #tpu.memory_space<hbm>>) dst(%arg14 : memref<4096xi32, #tpu.memory_space<vmem>>)
    %dma_start3A_323 = tpu.memref_slice %arg4[%multiple_of3A_131] : memref<2000000xi32, #tpu.memory_space<hbm>> -> memref<4096xi32, #tpu.memory_space<hbm>>
    %dma_start3A_324 = tpu.memref_slice %arg4[%multiple_of3A_131] : memref<2000000xi32, #tpu.memory_space<hbm>> -> memref<4096xi32, #tpu.memory_space<hbm>>
    tpu.enqueue_dma source(%arg14 : memref<4096xi32, #tpu.memory_space<vmem>>) target(%dma_start3A_324 : memref<4096xi32, #tpu.memory_space<hbm>>) target_semaphore(%arg22 : memref<!tpu.dma_semaphore, #tpu.memory_space<semaphore_mem>>)
    %dma_start3A_325 = arith.constant 0 : i32
    %dma_start3A_326 = tpu.memref_slice %arg17[%dma_start3A_325] : memref<1048576xi32, #tpu.memory_space<vmem_shared>> -> memref<1048576xi32, #tpu.memory_space<vmem_shared>>
    tpu.enqueue_indirect_dma source(%arg16 : memref<4096xi32, #tpu.memory_space<vmem>>) target(%dma_start3A_326 : memref<1048576xi32, #tpu.memory_space<vmem_shared>>) offsets(%arg14 : memref<4096xi32, #tpu.memory_space<vmem>>) semaphore(%arg24 : memref<!tpu.dma_semaphore, #tpu.memory_space<semaphore_mem>>)
    %dma_wait3A_327 = tpu.memref_slice %arg4[%multiple_of3A_128] : memref<2000000xi32, #tpu.memory_space<hbm>> -> memref<4096xi32, #tpu.memory_space<hbm>>
    %dma_wait3A_328 = tpu.memref_slice %arg4[%multiple_of3A_128] : memref<2000000xi32, #tpu.memory_space<hbm>> -> memref<4096xi32, #tpu.memory_space<hbm>>
    tpu.wait_dma2 semaphore(%arg23 : memref<!tpu.dma_semaphore, #tpu.memory_space<semaphore_mem>>) src(%arg15 : memref<4096xi32, #tpu.memory_space<vmem>>) dst(%dma_wait3A_328 : memref<4096xi32, #tpu.memory_space<hbm>>)
    %dma_wait3A_329 = arith.constant 0 : i32
    %dma_wait3A_330 = tpu.memref_slice %arg17[%dma_wait3A_329] : memref<1048576xi32, #tpu.memory_space<vmem_shared>> -> memref<1048576xi32, #tpu.memory_space<vmem_shared>>
    tpu.wait_indirect_dma semaphore(%arg25 : memref<!tpu.dma_semaphore, #tpu.memory_space<semaphore_mem>>) src(%arg16 : memref<4096xi32, #tpu.memory_space<vmem>>) dst(%dma_wait3A_330 : memref<1048576xi32, #tpu.memory_space<vmem_shared>>)
    %dma_start3A_331 = arith.constant 0 : i32
    %dma_start3A_332 = tpu.memref_slice %arg3[%dma_start3A_331] : memref<4173281xi32, #tpu.memory_space<hbm>> -> memref<4173281xi32, #tpu.memory_space<hbm>>
    tpu.enqueue_indirect_dma source(%dma_start3A_332 : memref<4173281xi32, #tpu.memory_space<hbm>>) target(%arg15 : memref<4096xi32, #tpu.memory_space<vmem>>) offsets(%arg13 : memref<4096xi32, #tpu.memory_space<vmem>>) semaphore(%arg21 : memref<!tpu.dma_semaphore, #tpu.memory_space<semaphore_mem>>)
    %dma_start3A_333 = tpu.memref_slice %arg2[%multiple_of3A_140] : memref<6000000xi32, #tpu.memory_space<hbm>> -> memref<4096xi32, #tpu.memory_space<hbm>>
    %dma_start3A_334 = tpu.memref_slice %arg2[%multiple_of3A_140] : memref<6000000xi32, #tpu.memory_space<hbm>> -> memref<4096xi32, #tpu.memory_space<hbm>>
    tpu.enqueue_dma source(%dma_start3A_334 : memref<4096xi32, #tpu.memory_space<hbm>>) target(%arg7 : memref<4096xi32, #tpu.memory_space<vmem>>) target_semaphore(%arg19 : memref<!tpu.dma_semaphore, #tpu.memory_space<semaphore_mem>>)
    %add3A_335 = arith.constant 2000000 : i32
    %add3A_336 = arith.addi %multiple_of3A_140, %add3A_335 : i32
    %dma_start3A_337 = tpu.memref_slice %arg2[%add3A_336] : memref<6000000xi32, #tpu.memory_space<hbm>> -> memref<4096xi32, #tpu.memory_space<hbm>>
    %dma_start3A_338 = tpu.memref_slice %arg2[%add3A_336] : memref<6000000xi32, #tpu.memory_space<hbm>> -> memref<4096xi32, #tpu.memory_space<hbm>>
    tpu.enqueue_dma source(%dma_start3A_338 : memref<4096xi32, #tpu.memory_space<hbm>>) target(%arg9 : memref<4096xi32, #tpu.memory_space<vmem>>) target_semaphore(%arg19 : memref<!tpu.dma_semaphore, #tpu.memory_space<semaphore_mem>>)
    %add3A_339 = arith.constant 4000000 : i32
    %add3A_340 = arith.addi %multiple_of3A_140, %add3A_339 : i32
    %dma_start3A_341 = tpu.memref_slice %arg2[%add3A_340] : memref<6000000xi32, #tpu.memory_space<hbm>> -> memref<4096xi32, #tpu.memory_space<hbm>>
    %dma_start3A_342 = tpu.memref_slice %arg2[%add3A_340] : memref<6000000xi32, #tpu.memory_space<hbm>> -> memref<4096xi32, #tpu.memory_space<hbm>>
    tpu.enqueue_dma source(%dma_start3A_342 : memref<4096xi32, #tpu.memory_space<hbm>>) target(%arg11 : memref<4096xi32, #tpu.memory_space<vmem>>) target_semaphore(%arg19 : memref<!tpu.dma_semaphore, #tpu.memory_space<semaphore_mem>>)
    %dma_wait3A_343 = tpu.memref_slice %arg2[%multiple_of3A_137] : memref<6000000xi32, #tpu.memory_space<hbm>> -> memref<4096xi32, #tpu.memory_space<hbm>>
    %dma_wait3A_344 = tpu.memref_slice %arg2[%multiple_of3A_137] : memref<6000000xi32, #tpu.memory_space<hbm>> -> memref<4096xi32, #tpu.memory_space<hbm>>
    tpu.wait_dma2 semaphore(%arg18 : memref<!tpu.dma_semaphore, #tpu.memory_space<semaphore_mem>>) src(%dma_wait3A_344 : memref<4096xi32, #tpu.memory_space<hbm>>) dst(%arg6 : memref<4096xi32, #tpu.memory_space<vmem>>)
    %dma_wait3A_345 = tpu.memref_slice %arg2[%add3A_302] : memref<6000000xi32, #tpu.memory_space<hbm>> -> memref<4096xi32, #tpu.memory_space<hbm>>
    %dma_wait3A_346 = tpu.memref_slice %arg2[%add3A_302] : memref<6000000xi32, #tpu.memory_space<hbm>> -> memref<4096xi32, #tpu.memory_space<hbm>>
    tpu.wait_dma2 semaphore(%arg18 : memref<!tpu.dma_semaphore, #tpu.memory_space<semaphore_mem>>) src(%dma_wait3A_346 : memref<4096xi32, #tpu.memory_space<hbm>>) dst(%arg8 : memref<4096xi32, #tpu.memory_space<vmem>>)
    %dma_wait3A_347 = tpu.memref_slice %arg2[%add3A_306] : memref<6000000xi32, #tpu.memory_space<hbm>> -> memref<4096xi32, #tpu.memory_space<hbm>>
    %dma_wait3A_348 = tpu.memref_slice %arg2[%add3A_306] : memref<6000000xi32, #tpu.memory_space<hbm>> -> memref<4096xi32, #tpu.memory_space<hbm>>
    tpu.wait_dma2 semaphore(%arg18 : memref<!tpu.dma_semaphore, #tpu.memory_space<semaphore_mem>>) src(%dma_wait3A_348 : memref<4096xi32, #tpu.memory_space<hbm>>) dst(%arg10 : memref<4096xi32, #tpu.memory_space<vmem>>)
    %scan3A_349 = arith.constant 0 : i32
    %scan3A_350 = arith.constant 0 : i32
    %scan3A_351 = arith.constant 256 : i32
    %scan3A_352 = arith.addi %scan3A_350, %scan3A_351 : i32
    %scan3A_353 = arith.constant 1 : i32
    scf.for %scan3A_749 = %scan3A_350 to %scan3A_352 step %scan3A_353  : i32 {
      %mul3A_750 = arith.constant 16 : i32
      %mul3A_751 = arith.muli %scan3A_749, %mul3A_750 : i32
      %get3A = arith.index_cast %mul3A_751 : i32 to index
      %get3A_752 = tpu.vector_load %arg6[%get3A] {strides = array<i32>} : memref<4096xi32, #tpu.memory_space<vmem>>, vector<16xi32>,
      %get3A_753 = vector.shape_cast %get3A_752 : vector<16xi32> to vector<16xi32>
      %mul3A_754 = arith.constant 25921 : i32
      %mul3A_755 = vector.broadcast %mul3A_754 : i32 to vector<16xi32>
      %mul3A_756 = arith.muli %get3A_753, %mul3A_755 : vector<16xi32>
      %get3A_757 = arith.index_cast %mul3A_751 : i32 to index
      %get3A_758 = tpu.vector_load %arg8[%get3A_757] {strides = array<i32>} : memref<4096xi32, #tpu.memory_space<vmem>>, vector<16xi32>,
      %get3A_759 = vector.shape_cast %get3A_758 : vector<16xi32> to vector<16xi32>
      %mul3A_760 = arith.constant 161 : i32
      %mul3A_761 = vector.broadcast %mul3A_760 : i32 to vector<16xi32>
      %mul3A_762 = arith.muli %get3A_759, %mul3A_761 : vector<16xi32>
      %add3A_763 = arith.addi %mul3A_756, %mul3A_762 : vector<16xi32>
      %get3A_764 = arith.index_cast %mul3A_751 : i32 to index
      %get3A_765 = tpu.vector_load %arg10[%get3A_764] {strides = array<i32>} : memref<4096xi32, #tpu.memory_space<vmem>>, vector<16xi32>,
      %get3A_766 = vector.shape_cast %get3A_765 : vector<16xi32> to vector<16xi32>
      %add3A_767 = arith.addi %add3A_763, %get3A_766 : vector<16xi32>
      %swap3A = arith.index_cast %mul3A_751 : i32 to index
      %swap3A_768 = tpu.vector_load %arg12[%swap3A] {strides = array<i32>} : memref<4096xi32, #tpu.memory_space<vmem>>, vector<16xi32>,
      %swap3A_769 = vector.shape_cast %swap3A_768 : vector<16xi32> to vector<16xi32>
      %swap3A_770 = vector.shape_cast %add3A_767 : vector<16xi32> to vector<16xi32>
      tpu.vector_store %arg12[%swap3A], %swap3A_770 {strides = array<i32>} : memref<4096xi32, #tpu.memory_space<vmem>>, vector<16xi32>,
    }
    %scan3A_354 = arith.constant 256 : i32
    %dma_wait3A_355 = arith.constant 0 : i32
    %dma_wait3A_356 = tpu.memref_slice %arg3[%dma_wait3A_355] : memref<4173281xi32, #tpu.memory_space<hbm>> -> memref<4173281xi32, #tpu.memory_space<hbm>>
    tpu.wait_indirect_dma semaphore(%arg21 : memref<!tpu.dma_semaphore, #tpu.memory_space<semaphore_mem>>) src(%dma_wait3A_356 : memref<4173281xi32, #tpu.memory_space<hbm>>) dst(%arg15 : memref<4096xi32, #tpu.memory_space<vmem>>)
    %dma_start3A_357 = tpu.memref_slice %arg4[%multiple_of3A_134] : memref<2000000xi32, #tpu.memory_space<hbm>> -> memref<4096xi32, #tpu.memory_space<hbm>>
    %dma_start3A_358 = tpu.memref_slice %arg4[%multiple_of3A_134] : memref<2000000xi32, #tpu.memory_space<hbm>> -> memref<4096xi32, #tpu.memory_space<hbm>>
    tpu.enqueue_dma source(%arg15 : memref<4096xi32, #tpu.memory_space<vmem>>) target(%dma_start3A_358 : memref<4096xi32, #tpu.memory_space<hbm>>) target_semaphore(%arg23 : memref<!tpu.dma_semaphore, #tpu.memory_space<semaphore_mem>>)
    %dma_start3A_359 = arith.constant 0 : i32
    %dma_start3A_360 = tpu.memref_slice %arg17[%dma_start3A_359] : memref<1048576xi32, #tpu.memory_space<vmem_shared>> -> memref<1048576xi32, #tpu.memory_space<vmem_shared>>
    tpu.enqueue_indirect_dma source(%arg16 : memref<4096xi32, #tpu.memory_space<vmem>>) target(%dma_start3A_360 : memref<1048576xi32, #tpu.memory_space<vmem_shared>>) offsets(%arg15 : memref<4096xi32, #tpu.memory_space<vmem>>) semaphore(%arg25 : memref<!tpu.dma_semaphore, #tpu.memory_space<semaphore_mem>>)
    %dma_wait3A_361 = tpu.memref_slice %arg4[%multiple_of3A_131] : memref<2000000xi32, #tpu.memory_space<hbm>> -> memref<4096xi32, #tpu.memory_space<hbm>>
    %dma_wait3A_362 = tpu.memref_slice %arg4[%multiple_of3A_131] : memref<2000000xi32, #tpu.memory_space<hbm>> -> memref<4096xi32, #tpu.memory_space<hbm>>
    tpu.wait_dma2 semaphore(%arg22 : memref<!tpu.dma_semaphore, #tpu.memory_space<semaphore_mem>>) src(%arg14 : memref<4096xi32, #tpu.memory_space<vmem>>) dst(%dma_wait3A_362 : memref<4096xi32, #tpu.memory_space<hbm>>)
    %dma_wait3A_363 = arith.constant 0 : i32
    %dma_wait3A_364 = tpu.memref_slice %arg17[%dma_wait3A_363] : memref<1048576xi32, #tpu.memory_space<vmem_shared>> -> memref<1048576xi32, #tpu.memory_space<vmem_shared>>
    tpu.wait_indirect_dma semaphore(%arg24 : memref<!tpu.dma_semaphore, #tpu.memory_space<semaphore_mem>>) src(%arg16 : memref<4096xi32, #tpu.memory_space<vmem>>) dst(%dma_wait3A_364 : memref<1048576xi32, #tpu.memory_space<vmem_shared>>)
    %dma_start3A_365 = arith.constant 0 : i32
    %dma_start3A_366 = tpu.memref_slice %arg3[%dma_start3A_365] : memref<4173281xi32, #tpu.memory_space<hbm>> -> memref<4173281xi32, #tpu.memory_space<hbm>>
    tpu.enqueue_indirect_dma source(%dma_start3A_366 : memref<4173281xi32, #tpu.memory_space<hbm>>) target(%arg14 : memref<4096xi32, #tpu.memory_space<vmem>>) offsets(%arg12 : memref<4096xi32, #tpu.memory_space<vmem>>) semaphore(%arg20 : memref<!tpu.dma_semaphore, #tpu.memory_space<semaphore_mem>>)
    %dma_start3A_367 = tpu.memref_slice %arg2[%multiple_of3A_143] : memref<6000000xi32, #tpu.memory_space<hbm>> -> memref<4096xi32, #tpu.memory_space<hbm>>
    %dma_start3A_368 = tpu.memref_slice %arg2[%multiple_of3A_143] : memref<6000000xi32, #tpu.memory_space<hbm>> -> memref<4096xi32, #tpu.memory_space<hbm>>
    tpu.enqueue_dma source(%dma_start3A_368 : memref<4096xi32, #tpu.memory_space<hbm>>) target(%arg6 : memref<4096xi32, #tpu.memory_space<vmem>>) target_semaphore(%arg18 : memref<!tpu.dma_semaphore, #tpu.memory_space<semaphore_mem>>)
    %add3A_369 = arith.constant 2000000 : i32
    %add3A_370 = arith.addi %multiple_of3A_143, %add3A_369 : i32
    %dma_start3A_371 = tpu.memref_slice %arg2[%add3A_370] : memref<6000000xi32, #tpu.memory_space<hbm>> -> memref<4096xi32, #tpu.memory_space<hbm>>
    %dma_start3A_372 = tpu.memref_slice %arg2[%add3A_370] : memref<6000000xi32, #tpu.memory_space<hbm>> -> memref<4096xi32, #tpu.memory_space<hbm>>
    tpu.enqueue_dma source(%dma_start3A_372 : memref<4096xi32, #tpu.memory_space<hbm>>) target(%arg8 : memref<4096xi32, #tpu.memory_space<vmem>>) target_semaphore(%arg18 : memref<!tpu.dma_semaphore, #tpu.memory_space<semaphore_mem>>)
    %add3A_373 = arith.constant 4000000 : i32
    %add3A_374 = arith.addi %multiple_of3A_143, %add3A_373 : i32
    %dma_start3A_375 = tpu.memref_slice %arg2[%add3A_374] : memref<6000000xi32, #tpu.memory_space<hbm>> -> memref<4096xi32, #tpu.memory_space<hbm>>
    %dma_start3A_376 = tpu.memref_slice %arg2[%add3A_374] : memref<6000000xi32, #tpu.memory_space<hbm>> -> memref<4096xi32, #tpu.memory_space<hbm>>
    tpu.enqueue_dma source(%dma_start3A_376 : memref<4096xi32, #tpu.memory_space<hbm>>) target(%arg10 : memref<4096xi32, #tpu.memory_space<vmem>>) target_semaphore(%arg18 : memref<!tpu.dma_semaphore, #tpu.memory_space<semaphore_mem>>)
    %dma_wait3A_377 = tpu.memref_slice %arg2[%multiple_of3A_140] : memref<6000000xi32, #tpu.memory_space<hbm>> -> memref<4096xi32, #tpu.memory_space<hbm>>
    %dma_wait3A_378 = tpu.memref_slice %arg2[%multiple_of3A_140] : memref<6000000xi32, #tpu.memory_space<hbm>> -> memref<4096xi32, #tpu.memory_space<hbm>>
    tpu.wait_dma2 semaphore(%arg19 : memref<!tpu.dma_semaphore, #tpu.memory_space<semaphore_mem>>) src(%dma_wait3A_378 : memref<4096xi32, #tpu.memory_space<hbm>>) dst(%arg7 : memref<4096xi32, #tpu.memory_space<vmem>>)
    %dma_wait3A_379 = tpu.memref_slice %arg2[%add3A_336] : memref<6000000xi32, #tpu.memory_space<hbm>> -> memref<4096xi32, #tpu.memory_space<hbm>>
    %dma_wait3A_380 = tpu.memref_slice %arg2[%add3A_336] : memref<6000000xi32, #tpu.memory_space<hbm>> -> memref<4096xi32, #tpu.memory_space<hbm>>
    tpu.wait_dma2 semaphore(%arg19 : memref<!tpu.dma_semaphore, #tpu.memory_space<semaphore_mem>>) src(%dma_wait3A_380 : memref<4096xi32, #tpu.memory_space<hbm>>) dst(%arg9 : memref<4096xi32, #tpu.memory_space<vmem>>)
    %dma_wait3A_381 = tpu.memref_slice %arg2[%add3A_340] : memref<6000000xi32, #tpu.memory_space<hbm>> -> memref<4096xi32, #tpu.memory_space<hbm>>
    %dma_wait3A_382 = tpu.memref_slice %arg2[%add3A_340] : memref<6000000xi32, #tpu.memory_space<hbm>> -> memref<4096xi32, #tpu.memory_space<hbm>>
    tpu.wait_dma2 semaphore(%arg19 : memref<!tpu.dma_semaphore, #tpu.memory_space<semaphore_mem>>) src(%dma_wait3A_382 : memref<4096xi32, #tpu.memory_space<hbm>>) dst(%arg11 : memref<4096xi32, #tpu.memory_space<vmem>>)
    %scan3A_383 = arith.constant 0 : i32
    %scan3A_384 = arith.constant 0 : i32
    %scan3A_385 = arith.constant 256 : i32
    %scan3A_386 = arith.addi %scan3A_384, %scan3A_385 : i32
    %scan3A_387 = arith.constant 1 : i32
    scf.for %scan3A_749 = %scan3A_384 to %scan3A_386 step %scan3A_387  : i32 {
      %mul3A_750 = arith.constant 16 : i32
      %mul3A_751 = arith.muli %scan3A_749, %mul3A_750 : i32
      %get3A = arith.index_cast %mul3A_751 : i32 to index
      %get3A_752 = tpu.vector_load %arg7[%get3A] {strides = array<i32>} : memref<4096xi32, #tpu.memory_space<vmem>>, vector<16xi32>,
      %get3A_753 = vector.shape_cast %get3A_752 : vector<16xi32> to vector<16xi32>
      %mul3A_754 = arith.constant 25921 : i32
      %mul3A_755 = vector.broadcast %mul3A_754 : i32 to vector<16xi32>
      %mul3A_756 = arith.muli %get3A_753, %mul3A_755 : vector<16xi32>
      %get3A_757 = arith.index_cast %mul3A_751 : i32 to index
      %get3A_758 = tpu.vector_load %arg9[%get3A_757] {strides = array<i32>} : memref<4096xi32, #tpu.memory_space<vmem>>, vector<16xi32>,
      %get3A_759 = vector.shape_cast %get3A_758 : vector<16xi32> to vector<16xi32>
      %mul3A_760 = arith.constant 161 : i32
      %mul3A_761 = vector.broadcast %mul3A_760 : i32 to vector<16xi32>
      %mul3A_762 = arith.muli %get3A_759, %mul3A_761 : vector<16xi32>
      %add3A_763 = arith.addi %mul3A_756, %mul3A_762 : vector<16xi32>
      %get3A_764 = arith.index_cast %mul3A_751 : i32 to index
      %get3A_765 = tpu.vector_load %arg11[%get3A_764] {strides = array<i32>} : memref<4096xi32, #tpu.memory_space<vmem>>, vector<16xi32>,
      %get3A_766 = vector.shape_cast %get3A_765 : vector<16xi32> to vector<16xi32>
      %add3A_767 = arith.addi %add3A_763, %get3A_766 : vector<16xi32>
      %swap3A = arith.index_cast %mul3A_751 : i32 to index
      %swap3A_768 = tpu.vector_load %arg13[%swap3A] {strides = array<i32>} : memref<4096xi32, #tpu.memory_space<vmem>>, vector<16xi32>,
      %swap3A_769 = vector.shape_cast %swap3A_768 : vector<16xi32> to vector<16xi32>
      %swap3A_770 = vector.shape_cast %add3A_767 : vector<16xi32> to vector<16xi32>
      tpu.vector_store %arg13[%swap3A], %swap3A_770 {strides = array<i32>} : memref<4096xi32, #tpu.memory_space<vmem>>, vector<16xi32>,
    }
    %scan3A_388 = arith.constant 256 : i32
    %dma_wait3A_389 = arith.constant 0 : i32
    %dma_wait3A_390 = tpu.memref_slice %arg3[%dma_wait3A_389] : memref<4173281xi32, #tpu.memory_space<hbm>> -> memref<4173281xi32, #tpu.memory_space<hbm>>
    tpu.wait_indirect_dma semaphore(%arg20 : memref<!tpu.dma_semaphore, #tpu.memory_space<semaphore_mem>>) src(%dma_wait3A_390 : memref<4173281xi32, #tpu.memory_space<hbm>>) dst(%arg14 : memref<4096xi32, #tpu.memory_space<vmem>>)
    %dma_start3A_391 = tpu.memref_slice %arg4[%multiple_of3A_137] : memref<2000000xi32, #tpu.memory_space<hbm>> -> memref<4096xi32, #tpu.memory_space<hbm>>
    %dma_start3A_392 = tpu.memref_slice %arg4[%multiple_of3A_137] : memref<2000000xi32, #tpu.memory_space<hbm>> -> memref<4096xi32, #tpu.memory_space<hbm>>
    tpu.enqueue_dma source(%arg14 : memref<4096xi32, #tpu.memory_space<vmem>>) target(%dma_start3A_392 : memref<4096xi32, #tpu.memory_space<hbm>>) target_semaphore(%arg22 : memref<!tpu.dma_semaphore, #tpu.memory_space<semaphore_mem>>)
    %dma_start3A_393 = arith.constant 0 : i32
    %dma_start3A_394 = tpu.memref_slice %arg17[%dma_start3A_393] : memref<1048576xi32, #tpu.memory_space<vmem_shared>> -> memref<1048576xi32, #tpu.memory_space<vmem_shared>>
    tpu.enqueue_indirect_dma source(%arg16 : memref<4096xi32, #tpu.memory_space<vmem>>) target(%dma_start3A_394 : memref<1048576xi32, #tpu.memory_space<vmem_shared>>) offsets(%arg14 : memref<4096xi32, #tpu.memory_space<vmem>>) semaphore(%arg24 : memref<!tpu.dma_semaphore, #tpu.memory_space<semaphore_mem>>)
    %dma_wait3A_395 = tpu.memref_slice %arg4[%multiple_of3A_134] : memref<2000000xi32, #tpu.memory_space<hbm>> -> memref<4096xi32, #tpu.memory_space<hbm>>
    %dma_wait3A_396 = tpu.memref_slice %arg4[%multiple_of3A_134] : memref<2000000xi32, #tpu.memory_space<hbm>> -> memref<4096xi32, #tpu.memory_space<hbm>>
    tpu.wait_dma2 semaphore(%arg23 : memref<!tpu.dma_semaphore, #tpu.memory_space<semaphore_mem>>) src(%arg15 : memref<4096xi32, #tpu.memory_space<vmem>>) dst(%dma_wait3A_396 : memref<4096xi32, #tpu.memory_space<hbm>>)
    %dma_wait3A_397 = arith.constant 0 : i32
    %dma_wait3A_398 = tpu.memref_slice %arg17[%dma_wait3A_397] : memref<1048576xi32, #tpu.memory_space<vmem_shared>> -> memref<1048576xi32, #tpu.memory_space<vmem_shared>>
    tpu.wait_indirect_dma semaphore(%arg25 : memref<!tpu.dma_semaphore, #tpu.memory_space<semaphore_mem>>) src(%arg16 : memref<4096xi32, #tpu.memory_space<vmem>>) dst(%dma_wait3A_398 : memref<1048576xi32, #tpu.memory_space<vmem_shared>>)
    %dma_start3A_399 = arith.constant 0 : i32
    %dma_start3A_400 = tpu.memref_slice %arg3[%dma_start3A_399] : memref<4173281xi32, #tpu.memory_space<hbm>> -> memref<4173281xi32, #tpu.memory_space<hbm>>
    tpu.enqueue_indirect_dma source(%dma_start3A_400 : memref<4173281xi32, #tpu.memory_space<hbm>>) target(%arg15 : memref<4096xi32, #tpu.memory_space<vmem>>) offsets(%arg13 : memref<4096xi32, #tpu.memory_space<vmem>>) semaphore(%arg21 : memref<!tpu.dma_semaphore, #tpu.memory_space<semaphore_mem>>)
    %dma_start3A_401 = tpu.memref_slice %arg2[%multiple_of3A_146] : memref<6000000xi32, #tpu.memory_space<hbm>> -> memref<4096xi32, #tpu.memory_space<hbm>>
    %dma_start3A_402 = tpu.memref_slice %arg2[%multiple_of3A_146] : memref<6000000xi32, #tpu.memory_space<hbm>> -> memref<4096xi32, #tpu.memory_space<hbm>>
    tpu.enqueue_dma source(%dma_start3A_402 : memref<4096xi32, #tpu.memory_space<hbm>>) target(%arg7 : memref<4096xi32, #tpu.memory_space<vmem>>) target_semaphore(%arg19 : memref<!tpu.dma_semaphore, #tpu.memory_space<semaphore_mem>>)
    %add3A_403 = arith.constant 2000000 : i32
    %add3A_404 = arith.addi %multiple_of3A_146, %add3A_403 : i32
    %dma_start3A_405 = tpu.memref_slice %arg2[%add3A_404] : memref<6000000xi32, #tpu.memory_space<hbm>> -> memref<4096xi32, #tpu.memory_space<hbm>>
    %dma_start3A_406 = tpu.memref_slice %arg2[%add3A_404] : memref<6000000xi32, #tpu.memory_space<hbm>> -> memref<4096xi32, #tpu.memory_space<hbm>>
    tpu.enqueue_dma source(%dma_start3A_406 : memref<4096xi32, #tpu.memory_space<hbm>>) target(%arg9 : memref<4096xi32, #tpu.memory_space<vmem>>) target_semaphore(%arg19 : memref<!tpu.dma_semaphore, #tpu.memory_space<semaphore_mem>>)
    %add3A_407 = arith.constant 4000000 : i32
    %add3A_408 = arith.addi %multiple_of3A_146, %add3A_407 : i32
    %dma_start3A_409 = tpu.memref_slice %arg2[%add3A_408] : memref<6000000xi32, #tpu.memory_space<hbm>> -> memref<4096xi32, #tpu.memory_space<hbm>>
    %dma_start3A_410 = tpu.memref_slice %arg2[%add3A_408] : memref<6000000xi32, #tpu.memory_space<hbm>> -> memref<4096xi32, #tpu.memory_space<hbm>>
    tpu.enqueue_dma source(%dma_start3A_410 : memref<4096xi32, #tpu.memory_space<hbm>>) target(%arg11 : memref<4096xi32, #tpu.memory_space<vmem>>) target_semaphore(%arg19 : memref<!tpu.dma_semaphore, #tpu.memory_space<semaphore_mem>>)
    %dma_wait3A_411 = tpu.memref_slice %arg2[%multiple_of3A_143] : memref<6000000xi32, #tpu.memory_space<hbm>> -> memref<4096xi32, #tpu.memory_space<hbm>>
    %dma_wait3A_412 = tpu.memref_slice %arg2[%multiple_of3A_143] : memref<6000000xi32, #tpu.memory_space<hbm>> -> memref<4096xi32, #tpu.memory_space<hbm>>
    tpu.wait_dma2 semaphore(%arg18 : memref<!tpu.dma_semaphore, #tpu.memory_space<semaphore_mem>>) src(%dma_wait3A_412 : memref<4096xi32, #tpu.memory_space<hbm>>) dst(%arg6 : memref<4096xi32, #tpu.memory_space<vmem>>)
    %dma_wait3A_413 = tpu.memref_slice %arg2[%add3A_370] : memref<6000000xi32, #tpu.memory_space<hbm>> -> memref<4096xi32, #tpu.memory_space<hbm>>
    %dma_wait3A_414 = tpu.memref_slice %arg2[%add3A_370] : memref<6000000xi32, #tpu.memory_space<hbm>> -> memref<4096xi32, #tpu.memory_space<hbm>>
    tpu.wait_dma2 semaphore(%arg18 : memref<!tpu.dma_semaphore, #tpu.memory_space<semaphore_mem>>) src(%dma_wait3A_414 : memref<4096xi32, #tpu.memory_space<hbm>>) dst(%arg8 : memref<4096xi32, #tpu.memory_space<vmem>>)
    %dma_wait3A_415 = tpu.memref_slice %arg2[%add3A_374] : memref<6000000xi32, #tpu.memory_space<hbm>> -> memref<4096xi32, #tpu.memory_space<hbm>>
    %dma_wait3A_416 = tpu.memref_slice %arg2[%add3A_374] : memref<6000000xi32, #tpu.memory_space<hbm>> -> memref<4096xi32, #tpu.memory_space<hbm>>
    tpu.wait_dma2 semaphore(%arg18 : memref<!tpu.dma_semaphore, #tpu.memory_space<semaphore_mem>>) src(%dma_wait3A_416 : memref<4096xi32, #tpu.memory_space<hbm>>) dst(%arg10 : memref<4096xi32, #tpu.memory_space<vmem>>)
    %scan3A_417 = arith.constant 0 : i32
    %scan3A_418 = arith.constant 0 : i32
    %scan3A_419 = arith.constant 256 : i32
    %scan3A_420 = arith.addi %scan3A_418, %scan3A_419 : i32
    %scan3A_421 = arith.constant 1 : i32
    scf.for %scan3A_749 = %scan3A_418 to %scan3A_420 step %scan3A_421  : i32 {
      %mul3A_750 = arith.constant 16 : i32
      %mul3A_751 = arith.muli %scan3A_749, %mul3A_750 : i32
      %get3A = arith.index_cast %mul3A_751 : i32 to index
      %get3A_752 = tpu.vector_load %arg6[%get3A] {strides = array<i32>} : memref<4096xi32, #tpu.memory_space<vmem>>, vector<16xi32>,
      %get3A_753 = vector.shape_cast %get3A_752 : vector<16xi32> to vector<16xi32>
      %mul3A_754 = arith.constant 25921 : i32
      %mul3A_755 = vector.broadcast %mul3A_754 : i32 to vector<16xi32>
      %mul3A_756 = arith.muli %get3A_753, %mul3A_755 : vector<16xi32>
      %get3A_757 = arith.index_cast %mul3A_751 : i32 to index
      %get3A_758 = tpu.vector_load %arg8[%get3A_757] {strides = array<i32>} : memref<4096xi32, #tpu.memory_space<vmem>>, vector<16xi32>,
      %get3A_759 = vector.shape_cast %get3A_758 : vector<16xi32> to vector<16xi32>
      %mul3A_760 = arith.constant 161 : i32
      %mul3A_761 = vector.broadcast %mul3A_760 : i32 to vector<16xi32>
      %mul3A_762 = arith.muli %get3A_759, %mul3A_761 : vector<16xi32>
      %add3A_763 = arith.addi %mul3A_756, %mul3A_762 : vector<16xi32>
      %get3A_764 = arith.index_cast %mul3A_751 : i32 to index
      %get3A_765 = tpu.vector_load %arg10[%get3A_764] {strides = array<i32>} : memref<4096xi32, #tpu.memory_space<vmem>>, vector<16xi32>,
      %get3A_766 = vector.shape_cast %get3A_765 : vector<16xi32> to vector<16xi32>
      %add3A_767 = arith.addi %add3A_763, %get3A_766 : vector<16xi32>
      %swap3A = arith.index_cast %mul3A_751 : i32 to index
      %swap3A_768 = tpu.vector_load %arg12[%swap3A] {strides = array<i32>} : memref<4096xi32, #tpu.memory_space<vmem>>, vector<16xi32>,
      %swap3A_769 = vector.shape_cast %swap3A_768 : vector<16xi32> to vector<16xi32>
      %swap3A_770 = vector.shape_cast %add3A_767 : vector<16xi32> to vector<16xi32>
      tpu.vector_store %arg12[%swap3A], %swap3A_770 {strides = array<i32>} : memref<4096xi32, #tpu.memory_space<vmem>>, vector<16xi32>,
    }
    %scan3A_422 = arith.constant 256 : i32
    %dma_wait3A_423 = arith.constant 0 : i32
    %dma_wait3A_424 = tpu.memref_slice %arg3[%dma_wait3A_423] : memref<4173281xi32, #tpu.memory_space<hbm>> -> memref<4173281xi32, #tpu.memory_space<hbm>>
    tpu.wait_indirect_dma semaphore(%arg21 : memref<!tpu.dma_semaphore, #tpu.memory_space<semaphore_mem>>) src(%dma_wait3A_424 : memref<4173281xi32, #tpu.memory_space<hbm>>) dst(%arg15 : memref<4096xi32, #tpu.memory_space<vmem>>)
    %dma_start3A_425 = tpu.memref_slice %arg4[%multiple_of3A_140] : memref<2000000xi32, #tpu.memory_space<hbm>> -> memref<4096xi32, #tpu.memory_space<hbm>>
    %dma_start3A_426 = tpu.memref_slice %arg4[%multiple_of3A_140] : memref<2000000xi32, #tpu.memory_space<hbm>> -> memref<4096xi32, #tpu.memory_space<hbm>>
    tpu.enqueue_dma source(%arg15 : memref<4096xi32, #tpu.memory_space<vmem>>) target(%dma_start3A_426 : memref<4096xi32, #tpu.memory_space<hbm>>) target_semaphore(%arg23 : memref<!tpu.dma_semaphore, #tpu.memory_space<semaphore_mem>>)
    %dma_start3A_427 = arith.constant 0 : i32
    %dma_start3A_428 = tpu.memref_slice %arg17[%dma_start3A_427] : memref<1048576xi32, #tpu.memory_space<vmem_shared>> -> memref<1048576xi32, #tpu.memory_space<vmem_shared>>
    tpu.enqueue_indirect_dma source(%arg16 : memref<4096xi32, #tpu.memory_space<vmem>>) target(%dma_start3A_428 : memref<1048576xi32, #tpu.memory_space<vmem_shared>>) offsets(%arg15 : memref<4096xi32, #tpu.memory_space<vmem>>) semaphore(%arg25 : memref<!tpu.dma_semaphore, #tpu.memory_space<semaphore_mem>>)
    %dma_wait3A_429 = tpu.memref_slice %arg4[%multiple_of3A_137] : memref<2000000xi32, #tpu.memory_space<hbm>> -> memref<4096xi32, #tpu.memory_space<hbm>>
    %dma_wait3A_430 = tpu.memref_slice %arg4[%multiple_of3A_137] : memref<2000000xi32, #tpu.memory_space<hbm>> -> memref<4096xi32, #tpu.memory_space<hbm>>
    tpu.wait_dma2 semaphore(%arg22 : memref<!tpu.dma_semaphore, #tpu.memory_space<semaphore_mem>>) src(%arg14 : memref<4096xi32, #tpu.memory_space<vmem>>) dst(%dma_wait3A_430 : memref<4096xi32, #tpu.memory_space<hbm>>)
    %dma_wait3A_431 = arith.constant 0 : i32
    %dma_wait3A_432 = tpu.memref_slice %arg17[%dma_wait3A_431] : memref<1048576xi32, #tpu.memory_space<vmem_shared>> -> memref<1048576xi32, #tpu.memory_space<vmem_shared>>
    tpu.wait_indirect_dma semaphore(%arg24 : memref<!tpu.dma_semaphore, #tpu.memory_space<semaphore_mem>>) src(%arg16 : memref<4096xi32, #tpu.memory_space<vmem>>) dst(%dma_wait3A_432 : memref<1048576xi32, #tpu.memory_space<vmem_shared>>)
    %dma_start3A_433 = arith.constant 0 : i32
    %dma_start3A_434 = tpu.memref_slice %arg3[%dma_start3A_433] : memref<4173281xi32, #tpu.memory_space<hbm>> -> memref<4173281xi32, #tpu.memory_space<hbm>>
    tpu.enqueue_indirect_dma source(%dma_start3A_434 : memref<4173281xi32, #tpu.memory_space<hbm>>) target(%arg14 : memref<4096xi32, #tpu.memory_space<vmem>>) offsets(%arg12 : memref<4096xi32, #tpu.memory_space<vmem>>) semaphore(%arg20 : memref<!tpu.dma_semaphore, #tpu.memory_space<semaphore_mem>>)
    %dma_start3A_435 = tpu.memref_slice %arg2[%multiple_of3A_149] : memref<6000000xi32, #tpu.memory_space<hbm>> -> memref<4096xi32, #tpu.memory_space<hbm>>
    %dma_start3A_436 = tpu.memref_slice %arg2[%multiple_of3A_149] : memref<6000000xi32, #tpu.memory_space<hbm>> -> memref<4096xi32, #tpu.memory_space<hbm>>
    tpu.enqueue_dma source(%dma_start3A_436 : memref<4096xi32, #tpu.memory_space<hbm>>) target(%arg6 : memref<4096xi32, #tpu.memory_space<vmem>>) target_semaphore(%arg18 : memref<!tpu.dma_semaphore, #tpu.memory_space<semaphore_mem>>)
    %add3A_437 = arith.constant 2000000 : i32
    %add3A_438 = arith.addi %multiple_of3A_149, %add3A_437 : i32
    %dma_start3A_439 = tpu.memref_slice %arg2[%add3A_438] : memref<6000000xi32, #tpu.memory_space<hbm>> -> memref<4096xi32, #tpu.memory_space<hbm>>
    %dma_start3A_440 = tpu.memref_slice %arg2[%add3A_438] : memref<6000000xi32, #tpu.memory_space<hbm>> -> memref<4096xi32, #tpu.memory_space<hbm>>
    tpu.enqueue_dma source(%dma_start3A_440 : memref<4096xi32, #tpu.memory_space<hbm>>) target(%arg8 : memref<4096xi32, #tpu.memory_space<vmem>>) target_semaphore(%arg18 : memref<!tpu.dma_semaphore, #tpu.memory_space<semaphore_mem>>)
    %add3A_441 = arith.constant 4000000 : i32
    %add3A_442 = arith.addi %multiple_of3A_149, %add3A_441 : i32
    %dma_start3A_443 = tpu.memref_slice %arg2[%add3A_442] : memref<6000000xi32, #tpu.memory_space<hbm>> -> memref<4096xi32, #tpu.memory_space<hbm>>
    %dma_start3A_444 = tpu.memref_slice %arg2[%add3A_442] : memref<6000000xi32, #tpu.memory_space<hbm>> -> memref<4096xi32, #tpu.memory_space<hbm>>
    tpu.enqueue_dma source(%dma_start3A_444 : memref<4096xi32, #tpu.memory_space<hbm>>) target(%arg10 : memref<4096xi32, #tpu.memory_space<vmem>>) target_semaphore(%arg18 : memref<!tpu.dma_semaphore, #tpu.memory_space<semaphore_mem>>)
    %dma_wait3A_445 = tpu.memref_slice %arg2[%multiple_of3A_146] : memref<6000000xi32, #tpu.memory_space<hbm>> -> memref<4096xi32, #tpu.memory_space<hbm>>
    %dma_wait3A_446 = tpu.memref_slice %arg2[%multiple_of3A_146] : memref<6000000xi32, #tpu.memory_space<hbm>> -> memref<4096xi32, #tpu.memory_space<hbm>>
    tpu.wait_dma2 semaphore(%arg19 : memref<!tpu.dma_semaphore, #tpu.memory_space<semaphore_mem>>) src(%dma_wait3A_446 : memref<4096xi32, #tpu.memory_space<hbm>>) dst(%arg7 : memref<4096xi32, #tpu.memory_space<vmem>>)
    %dma_wait3A_447 = tpu.memref_slice %arg2[%add3A_404] : memref<6000000xi32, #tpu.memory_space<hbm>> -> memref<4096xi32, #tpu.memory_space<hbm>>
    %dma_wait3A_448 = tpu.memref_slice %arg2[%add3A_404] : memref<6000000xi32, #tpu.memory_space<hbm>> -> memref<4096xi32, #tpu.memory_space<hbm>>
    tpu.wait_dma2 semaphore(%arg19 : memref<!tpu.dma_semaphore, #tpu.memory_space<semaphore_mem>>) src(%dma_wait3A_448 : memref<4096xi32, #tpu.memory_space<hbm>>) dst(%arg9 : memref<4096xi32, #tpu.memory_space<vmem>>)
    %dma_wait3A_449 = tpu.memref_slice %arg2[%add3A_408] : memref<6000000xi32, #tpu.memory_space<hbm>> -> memref<4096xi32, #tpu.memory_space<hbm>>
    %dma_wait3A_450 = tpu.memref_slice %arg2[%add3A_408] : memref<6000000xi32, #tpu.memory_space<hbm>> -> memref<4096xi32, #tpu.memory_space<hbm>>
    tpu.wait_dma2 semaphore(%arg19 : memref<!tpu.dma_semaphore, #tpu.memory_space<semaphore_mem>>) src(%dma_wait3A_450 : memref<4096xi32, #tpu.memory_space<hbm>>) dst(%arg11 : memref<4096xi32, #tpu.memory_space<vmem>>)
    %scan3A_451 = arith.constant 0 : i32
    %scan3A_452 = arith.constant 0 : i32
    %scan3A_453 = arith.constant 256 : i32
    %scan3A_454 = arith.addi %scan3A_452, %scan3A_453 : i32
    %scan3A_455 = arith.constant 1 : i32
    scf.for %scan3A_749 = %scan3A_452 to %scan3A_454 step %scan3A_455  : i32 {
      %mul3A_750 = arith.constant 16 : i32
      %mul3A_751 = arith.muli %scan3A_749, %mul3A_750 : i32
      %get3A = arith.index_cast %mul3A_751 : i32 to index
      %get3A_752 = tpu.vector_load %arg7[%get3A] {strides = array<i32>} : memref<4096xi32, #tpu.memory_space<vmem>>, vector<16xi32>,
      %get3A_753 = vector.shape_cast %get3A_752 : vector<16xi32> to vector<16xi32>
      %mul3A_754 = arith.constant 25921 : i32
      %mul3A_755 = vector.broadcast %mul3A_754 : i32 to vector<16xi32>
      %mul3A_756 = arith.muli %get3A_753, %mul3A_755 : vector<16xi32>
      %get3A_757 = arith.index_cast %mul3A_751 : i32 to index
      %get3A_758 = tpu.vector_load %arg9[%get3A_757] {strides = array<i32>} : memref<4096xi32, #tpu.memory_space<vmem>>, vector<16xi32>,
      %get3A_759 = vector.shape_cast %get3A_758 : vector<16xi32> to vector<16xi32>
      %mul3A_760 = arith.constant 161 : i32
      %mul3A_761 = vector.broadcast %mul3A_760 : i32 to vector<16xi32>
      %mul3A_762 = arith.muli %get3A_759, %mul3A_761 : vector<16xi32>
      %add3A_763 = arith.addi %mul3A_756, %mul3A_762 : vector<16xi32>
      %get3A_764 = arith.index_cast %mul3A_751 : i32 to index
      %get3A_765 = tpu.vector_load %arg11[%get3A_764] {strides = array<i32>} : memref<4096xi32, #tpu.memory_space<vmem>>, vector<16xi32>,
      %get3A_766 = vector.shape_cast %get3A_765 : vector<16xi32> to vector<16xi32>
      %add3A_767 = arith.addi %add3A_763, %get3A_766 : vector<16xi32>
      %swap3A = arith.index_cast %mul3A_751 : i32 to index
      %swap3A_768 = tpu.vector_load %arg13[%swap3A] {strides = array<i32>} : memref<4096xi32, #tpu.memory_space<vmem>>, vector<16xi32>,
      %swap3A_769 = vector.shape_cast %swap3A_768 : vector<16xi32> to vector<16xi32>
      %swap3A_770 = vector.shape_cast %add3A_767 : vector<16xi32> to vector<16xi32>
      tpu.vector_store %arg13[%swap3A], %swap3A_770 {strides = array<i32>} : memref<4096xi32, #tpu.memory_space<vmem>>, vector<16xi32>,
    }
    %scan3A_456 = arith.constant 256 : i32
    %dma_wait3A_457 = arith.constant 0 : i32
    %dma_wait3A_458 = tpu.memref_slice %arg3[%dma_wait3A_457] : memref<4173281xi32, #tpu.memory_space<hbm>> -> memref<4173281xi32, #tpu.memory_space<hbm>>
    tpu.wait_indirect_dma semaphore(%arg20 : memref<!tpu.dma_semaphore, #tpu.memory_space<semaphore_mem>>) src(%dma_wait3A_458 : memref<4173281xi32, #tpu.memory_space<hbm>>) dst(%arg14 : memref<4096xi32, #tpu.memory_space<vmem>>)
    %dma_start3A_459 = tpu.memref_slice %arg4[%multiple_of3A_143] : memref<2000000xi32, #tpu.memory_space<hbm>> -> memref<4096xi32, #tpu.memory_space<hbm>>
    %dma_start3A_460 = tpu.memref_slice %arg4[%multiple_of3A_143] : memref<2000000xi32, #tpu.memory_space<hbm>> -> memref<4096xi32, #tpu.memory_space<hbm>>
    tpu.enqueue_dma source(%arg14 : memref<4096xi32, #tpu.memory_space<vmem>>) target(%dma_start3A_460 : memref<4096xi32, #tpu.memory_space<hbm>>) target_semaphore(%arg22 : memref<!tpu.dma_semaphore, #tpu.memory_space<semaphore_mem>>)
    %dma_start3A_461 = arith.constant 0 : i32
    %dma_start3A_462 = tpu.memref_slice %arg17[%dma_start3A_461] : memref<1048576xi32, #tpu.memory_space<vmem_shared>> -> memref<1048576xi32, #tpu.memory_space<vmem_shared>>
    tpu.enqueue_indirect_dma source(%arg16 : memref<4096xi32, #tpu.memory_space<vmem>>) target(%dma_start3A_462 : memref<1048576xi32, #tpu.memory_space<vmem_shared>>) offsets(%arg14 : memref<4096xi32, #tpu.memory_space<vmem>>) semaphore(%arg24 : memref<!tpu.dma_semaphore, #tpu.memory_space<semaphore_mem>>)
    %dma_wait3A_463 = tpu.memref_slice %arg4[%multiple_of3A_140] : memref<2000000xi32, #tpu.memory_space<hbm>> -> memref<4096xi32, #tpu.memory_space<hbm>>
    %dma_wait3A_464 = tpu.memref_slice %arg4[%multiple_of3A_140] : memref<2000000xi32, #tpu.memory_space<hbm>> -> memref<4096xi32, #tpu.memory_space<hbm>>
    tpu.wait_dma2 semaphore(%arg23 : memref<!tpu.dma_semaphore, #tpu.memory_space<semaphore_mem>>) src(%arg15 : memref<4096xi32, #tpu.memory_space<vmem>>) dst(%dma_wait3A_464 : memref<4096xi32, #tpu.memory_space<hbm>>)
    %dma_wait3A_465 = arith.constant 0 : i32
    %dma_wait3A_466 = tpu.memref_slice %arg17[%dma_wait3A_465] : memref<1048576xi32, #tpu.memory_space<vmem_shared>> -> memref<1048576xi32, #tpu.memory_space<vmem_shared>>
    tpu.wait_indirect_dma semaphore(%arg25 : memref<!tpu.dma_semaphore, #tpu.memory_space<semaphore_mem>>) src(%arg16 : memref<4096xi32, #tpu.memory_space<vmem>>) dst(%dma_wait3A_466 : memref<1048576xi32, #tpu.memory_space<vmem_shared>>)
    %dma_start3A_467 = arith.constant 0 : i32
    %dma_start3A_468 = tpu.memref_slice %arg3[%dma_start3A_467] : memref<4173281xi32, #tpu.memory_space<hbm>> -> memref<4173281xi32, #tpu.memory_space<hbm>>
    tpu.enqueue_indirect_dma source(%dma_start3A_468 : memref<4173281xi32, #tpu.memory_space<hbm>>) target(%arg15 : memref<4096xi32, #tpu.memory_space<vmem>>) offsets(%arg13 : memref<4096xi32, #tpu.memory_space<vmem>>) semaphore(%arg21 : memref<!tpu.dma_semaphore, #tpu.memory_space<semaphore_mem>>)
    %dma_start3A_469 = tpu.memref_slice %arg2[%multiple_of3A_152] : memref<6000000xi32, #tpu.memory_space<hbm>> -> memref<4096xi32, #tpu.memory_space<hbm>>
    %dma_start3A_470 = tpu.memref_slice %arg2[%multiple_of3A_152] : memref<6000000xi32, #tpu.memory_space<hbm>> -> memref<4096xi32, #tpu.memory_space<hbm>>
    tpu.enqueue_dma source(%dma_start3A_470 : memref<4096xi32, #tpu.memory_space<hbm>>) target(%arg7 : memref<4096xi32, #tpu.memory_space<vmem>>) target_semaphore(%arg19 : memref<!tpu.dma_semaphore, #tpu.memory_space<semaphore_mem>>)
    %add3A_471 = arith.constant 2000000 : i32
    %add3A_472 = arith.addi %multiple_of3A_152, %add3A_471 : i32
    %dma_start3A_473 = tpu.memref_slice %arg2[%add3A_472] : memref<6000000xi32, #tpu.memory_space<hbm>> -> memref<4096xi32, #tpu.memory_space<hbm>>
    %dma_start3A_474 = tpu.memref_slice %arg2[%add3A_472] : memref<6000000xi32, #tpu.memory_space<hbm>> -> memref<4096xi32, #tpu.memory_space<hbm>>
    tpu.enqueue_dma source(%dma_start3A_474 : memref<4096xi32, #tpu.memory_space<hbm>>) target(%arg9 : memref<4096xi32, #tpu.memory_space<vmem>>) target_semaphore(%arg19 : memref<!tpu.dma_semaphore, #tpu.memory_space<semaphore_mem>>)
    %add3A_475 = arith.constant 4000000 : i32
    %add3A_476 = arith.addi %multiple_of3A_152, %add3A_475 : i32
    %dma_start3A_477 = tpu.memref_slice %arg2[%add3A_476] : memref<6000000xi32, #tpu.memory_space<hbm>> -> memref<4096xi32, #tpu.memory_space<hbm>>
    %dma_start3A_478 = tpu.memref_slice %arg2[%add3A_476] : memref<6000000xi32, #tpu.memory_space<hbm>> -> memref<4096xi32, #tpu.memory_space<hbm>>
    tpu.enqueue_dma source(%dma_start3A_478 : memref<4096xi32, #tpu.memory_space<hbm>>) target(%arg11 : memref<4096xi32, #tpu.memory_space<vmem>>) target_semaphore(%arg19 : memref<!tpu.dma_semaphore, #tpu.memory_space<semaphore_mem>>)
    %dma_wait3A_479 = tpu.memref_slice %arg2[%multiple_of3A_149] : memref<6000000xi32, #tpu.memory_space<hbm>> -> memref<4096xi32, #tpu.memory_space<hbm>>
    %dma_wait3A_480 = tpu.memref_slice %arg2[%multiple_of3A_149] : memref<6000000xi32, #tpu.memory_space<hbm>> -> memref<4096xi32, #tpu.memory_space<hbm>>
    tpu.wait_dma2 semaphore(%arg18 : memref<!tpu.dma_semaphore, #tpu.memory_space<semaphore_mem>>) src(%dma_wait3A_480 : memref<4096xi32, #tpu.memory_space<hbm>>) dst(%arg6 : memref<4096xi32, #tpu.memory_space<vmem>>)
    %dma_wait3A_481 = tpu.memref_slice %arg2[%add3A_438] : memref<6000000xi32, #tpu.memory_space<hbm>> -> memref<4096xi32, #tpu.memory_space<hbm>>
    %dma_wait3A_482 = tpu.memref_slice %arg2[%add3A_438] : memref<6000000xi32, #tpu.memory_space<hbm>> -> memref<4096xi32, #tpu.memory_space<hbm>>
    tpu.wait_dma2 semaphore(%arg18 : memref<!tpu.dma_semaphore, #tpu.memory_space<semaphore_mem>>) src(%dma_wait3A_482 : memref<4096xi32, #tpu.memory_space<hbm>>) dst(%arg8 : memref<4096xi32, #tpu.memory_space<vmem>>)
    %dma_wait3A_483 = tpu.memref_slice %arg2[%add3A_442] : memref<6000000xi32, #tpu.memory_space<hbm>> -> memref<4096xi32, #tpu.memory_space<hbm>>
    %dma_wait3A_484 = tpu.memref_slice %arg2[%add3A_442] : memref<6000000xi32, #tpu.memory_space<hbm>> -> memref<4096xi32, #tpu.memory_space<hbm>>
    tpu.wait_dma2 semaphore(%arg18 : memref<!tpu.dma_semaphore, #tpu.memory_space<semaphore_mem>>) src(%dma_wait3A_484 : memref<4096xi32, #tpu.memory_space<hbm>>) dst(%arg10 : memref<4096xi32, #tpu.memory_space<vmem>>)
    %scan3A_485 = arith.constant 0 : i32
    %scan3A_486 = arith.constant 0 : i32
    %scan3A_487 = arith.constant 256 : i32
    %scan3A_488 = arith.addi %scan3A_486, %scan3A_487 : i32
    %scan3A_489 = arith.constant 1 : i32
    scf.for %scan3A_749 = %scan3A_486 to %scan3A_488 step %scan3A_489  : i32 {
      %mul3A_750 = arith.constant 16 : i32
      %mul3A_751 = arith.muli %scan3A_749, %mul3A_750 : i32
      %get3A = arith.index_cast %mul3A_751 : i32 to index
      %get3A_752 = tpu.vector_load %arg6[%get3A] {strides = array<i32>} : memref<4096xi32, #tpu.memory_space<vmem>>, vector<16xi32>,
      %get3A_753 = vector.shape_cast %get3A_752 : vector<16xi32> to vector<16xi32>
      %mul3A_754 = arith.constant 25921 : i32
      %mul3A_755 = vector.broadcast %mul3A_754 : i32 to vector<16xi32>
      %mul3A_756 = arith.muli %get3A_753, %mul3A_755 : vector<16xi32>
      %get3A_757 = arith.index_cast %mul3A_751 : i32 to index
      %get3A_758 = tpu.vector_load %arg8[%get3A_757] {strides = array<i32>} : memref<4096xi32, #tpu.memory_space<vmem>>, vector<16xi32>,
      %get3A_759 = vector.shape_cast %get3A_758 : vector<16xi32> to vector<16xi32>
      %mul3A_760 = arith.constant 161 : i32
      %mul3A_761 = vector.broadcast %mul3A_760 : i32 to vector<16xi32>
      %mul3A_762 = arith.muli %get3A_759, %mul3A_761 : vector<16xi32>
      %add3A_763 = arith.addi %mul3A_756, %mul3A_762 : vector<16xi32>
      %get3A_764 = arith.index_cast %mul3A_751 : i32 to index
      %get3A_765 = tpu.vector_load %arg10[%get3A_764] {strides = array<i32>} : memref<4096xi32, #tpu.memory_space<vmem>>, vector<16xi32>,
      %get3A_766 = vector.shape_cast %get3A_765 : vector<16xi32> to vector<16xi32>
      %add3A_767 = arith.addi %add3A_763, %get3A_766 : vector<16xi32>
      %swap3A = arith.index_cast %mul3A_751 : i32 to index
      %swap3A_768 = tpu.vector_load %arg12[%swap3A] {strides = array<i32>} : memref<4096xi32, #tpu.memory_space<vmem>>, vector<16xi32>,
      %swap3A_769 = vector.shape_cast %swap3A_768 : vector<16xi32> to vector<16xi32>
      %swap3A_770 = vector.shape_cast %add3A_767 : vector<16xi32> to vector<16xi32>
      tpu.vector_store %arg12[%swap3A], %swap3A_770 {strides = array<i32>} : memref<4096xi32, #tpu.memory_space<vmem>>, vector<16xi32>,
    }
    %scan3A_490 = arith.constant 256 : i32
    %dma_wait3A_491 = arith.constant 0 : i32
    %dma_wait3A_492 = tpu.memref_slice %arg3[%dma_wait3A_491] : memref<4173281xi32, #tpu.memory_space<hbm>> -> memref<4173281xi32, #tpu.memory_space<hbm>>
    tpu.wait_indirect_dma semaphore(%arg21 : memref<!tpu.dma_semaphore, #tpu.memory_space<semaphore_mem>>) src(%dma_wait3A_492 : memref<4173281xi32, #tpu.memory_space<hbm>>) dst(%arg15 : memref<4096xi32, #tpu.memory_space<vmem>>)
    %dma_start3A_493 = tpu.memref_slice %arg4[%multiple_of3A_146] : memref<2000000xi32, #tpu.memory_space<hbm>> -> memref<4096xi32, #tpu.memory_space<hbm>>
    %dma_start3A_494 = tpu.memref_slice %arg4[%multiple_of3A_146] : memref<2000000xi32, #tpu.memory_space<hbm>> -> memref<4096xi32, #tpu.memory_space<hbm>>
    tpu.enqueue_dma source(%arg15 : memref<4096xi32, #tpu.memory_space<vmem>>) target(%dma_start3A_494 : memref<4096xi32, #tpu.memory_space<hbm>>) target_semaphore(%arg23 : memref<!tpu.dma_semaphore, #tpu.memory_space<semaphore_mem>>)
    %dma_start3A_495 = arith.constant 0 : i32
    %dma_start3A_496 = tpu.memref_slice %arg17[%dma_start3A_495] : memref<1048576xi32, #tpu.memory_space<vmem_shared>> -> memref<1048576xi32, #tpu.memory_space<vmem_shared>>
    tpu.enqueue_indirect_dma source(%arg16 : memref<4096xi32, #tpu.memory_space<vmem>>) target(%dma_start3A_496 : memref<1048576xi32, #tpu.memory_space<vmem_shared>>) offsets(%arg15 : memref<4096xi32, #tpu.memory_space<vmem>>) semaphore(%arg25 : memref<!tpu.dma_semaphore, #tpu.memory_space<semaphore_mem>>)
    %dma_wait3A_497 = tpu.memref_slice %arg4[%multiple_of3A_143] : memref<2000000xi32, #tpu.memory_space<hbm>> -> memref<4096xi32, #tpu.memory_space<hbm>>
    %dma_wait3A_498 = tpu.memref_slice %arg4[%multiple_of3A_143] : memref<2000000xi32, #tpu.memory_space<hbm>> -> memref<4096xi32, #tpu.memory_space<hbm>>
    tpu.wait_dma2 semaphore(%arg22 : memref<!tpu.dma_semaphore, #tpu.memory_space<semaphore_mem>>) src(%arg14 : memref<4096xi32, #tpu.memory_space<vmem>>) dst(%dma_wait3A_498 : memref<4096xi32, #tpu.memory_space<hbm>>)
    %dma_wait3A_499 = arith.constant 0 : i32
    %dma_wait3A_500 = tpu.memref_slice %arg17[%dma_wait3A_499] : memref<1048576xi32, #tpu.memory_space<vmem_shared>> -> memref<1048576xi32, #tpu.memory_space<vmem_shared>>
    tpu.wait_indirect_dma semaphore(%arg24 : memref<!tpu.dma_semaphore, #tpu.memory_space<semaphore_mem>>) src(%arg16 : memref<4096xi32, #tpu.memory_space<vmem>>) dst(%dma_wait3A_500 : memref<1048576xi32, #tpu.memory_space<vmem_shared>>)
    %dma_start3A_501 = arith.constant 0 : i32
    %dma_start3A_502 = tpu.memref_slice %arg3[%dma_start3A_501] : memref<4173281xi32, #tpu.memory_space<hbm>> -> memref<4173281xi32, #tpu.memory_space<hbm>>
    tpu.enqueue_indirect_dma source(%dma_start3A_502 : memref<4173281xi32, #tpu.memory_space<hbm>>) target(%arg14 : memref<4096xi32, #tpu.memory_space<vmem>>) offsets(%arg12 : memref<4096xi32, #tpu.memory_space<vmem>>) semaphore(%arg20 : memref<!tpu.dma_semaphore, #tpu.memory_space<semaphore_mem>>)
    %dma_start3A_503 = tpu.memref_slice %arg2[%multiple_of3A_155] : memref<6000000xi32, #tpu.memory_space<hbm>> -> memref<4096xi32, #tpu.memory_space<hbm>>
    %dma_start3A_504 = tpu.memref_slice %arg2[%multiple_of3A_155] : memref<6000000xi32, #tpu.memory_space<hbm>> -> memref<4096xi32, #tpu.memory_space<hbm>>
    tpu.enqueue_dma source(%dma_start3A_504 : memref<4096xi32, #tpu.memory_space<hbm>>) target(%arg6 : memref<4096xi32, #tpu.memory_space<vmem>>) target_semaphore(%arg18 : memref<!tpu.dma_semaphore, #tpu.memory_space<semaphore_mem>>)
    %add3A_505 = arith.constant 2000000 : i32
    %add3A_506 = arith.addi %multiple_of3A_155, %add3A_505 : i32
    %dma_start3A_507 = tpu.memref_slice %arg2[%add3A_506] : memref<6000000xi32, #tpu.memory_space<hbm>> -> memref<4096xi32, #tpu.memory_space<hbm>>
    %dma_start3A_508 = tpu.memref_slice %arg2[%add3A_506] : memref<6000000xi32, #tpu.memory_space<hbm>> -> memref<4096xi32, #tpu.memory_space<hbm>>
    tpu.enqueue_dma source(%dma_start3A_508 : memref<4096xi32, #tpu.memory_space<hbm>>) target(%arg8 : memref<4096xi32, #tpu.memory_space<vmem>>) target_semaphore(%arg18 : memref<!tpu.dma_semaphore, #tpu.memory_space<semaphore_mem>>)
    %add3A_509 = arith.constant 4000000 : i32
    %add3A_510 = arith.addi %multiple_of3A_155, %add3A_509 : i32
    %dma_start3A_511 = tpu.memref_slice %arg2[%add3A_510] : memref<6000000xi32, #tpu.memory_space<hbm>> -> memref<4096xi32, #tpu.memory_space<hbm>>
    %dma_start3A_512 = tpu.memref_slice %arg2[%add3A_510] : memref<6000000xi32, #tpu.memory_space<hbm>> -> memref<4096xi32, #tpu.memory_space<hbm>>
    tpu.enqueue_dma source(%dma_start3A_512 : memref<4096xi32, #tpu.memory_space<hbm>>) target(%arg10 : memref<4096xi32, #tpu.memory_space<vmem>>) target_semaphore(%arg18 : memref<!tpu.dma_semaphore, #tpu.memory_space<semaphore_mem>>)
    %dma_wait3A_513 = tpu.memref_slice %arg2[%multiple_of3A_152] : memref<6000000xi32, #tpu.memory_space<hbm>> -> memref<4096xi32, #tpu.memory_space<hbm>>
    %dma_wait3A_514 = tpu.memref_slice %arg2[%multiple_of3A_152] : memref<6000000xi32, #tpu.memory_space<hbm>> -> memref<4096xi32, #tpu.memory_space<hbm>>
    tpu.wait_dma2 semaphore(%arg19 : memref<!tpu.dma_semaphore, #tpu.memory_space<semaphore_mem>>) src(%dma_wait3A_514 : memref<4096xi32, #tpu.memory_space<hbm>>) dst(%arg7 : memref<4096xi32, #tpu.memory_space<vmem>>)
    %dma_wait3A_515 = tpu.memref_slice %arg2[%add3A_472] : memref<6000000xi32, #tpu.memory_space<hbm>> -> memref<4096xi32, #tpu.memory_space<hbm>>
    %dma_wait3A_516 = tpu.memref_slice %arg2[%add3A_472] : memref<6000000xi32, #tpu.memory_space<hbm>> -> memref<4096xi32, #tpu.memory_space<hbm>>
    tpu.wait_dma2 semaphore(%arg19 : memref<!tpu.dma_semaphore, #tpu.memory_space<semaphore_mem>>) src(%dma_wait3A_516 : memref<4096xi32, #tpu.memory_space<hbm>>) dst(%arg9 : memref<4096xi32, #tpu.memory_space<vmem>>)
    %dma_wait3A_517 = tpu.memref_slice %arg2[%add3A_476] : memref<6000000xi32, #tpu.memory_space<hbm>> -> memref<4096xi32, #tpu.memory_space<hbm>>
    %dma_wait3A_518 = tpu.memref_slice %arg2[%add3A_476] : memref<6000000xi32, #tpu.memory_space<hbm>> -> memref<4096xi32, #tpu.memory_space<hbm>>
    tpu.wait_dma2 semaphore(%arg19 : memref<!tpu.dma_semaphore, #tpu.memory_space<semaphore_mem>>) src(%dma_wait3A_518 : memref<4096xi32, #tpu.memory_space<hbm>>) dst(%arg11 : memref<4096xi32, #tpu.memory_space<vmem>>)
    %scan3A_519 = arith.constant 0 : i32
    %scan3A_520 = arith.constant 0 : i32
    %scan3A_521 = arith.constant 256 : i32
    %scan3A_522 = arith.addi %scan3A_520, %scan3A_521 : i32
    %scan3A_523 = arith.constant 1 : i32
    scf.for %scan3A_749 = %scan3A_520 to %scan3A_522 step %scan3A_523  : i32 {
      %mul3A_750 = arith.constant 16 : i32
      %mul3A_751 = arith.muli %scan3A_749, %mul3A_750 : i32
      %get3A = arith.index_cast %mul3A_751 : i32 to index
      %get3A_752 = tpu.vector_load %arg7[%get3A] {strides = array<i32>} : memref<4096xi32, #tpu.memory_space<vmem>>, vector<16xi32>,
      %get3A_753 = vector.shape_cast %get3A_752 : vector<16xi32> to vector<16xi32>
      %mul3A_754 = arith.constant 25921 : i32
      %mul3A_755 = vector.broadcast %mul3A_754 : i32 to vector<16xi32>
      %mul3A_756 = arith.muli %get3A_753, %mul3A_755 : vector<16xi32>
      %get3A_757 = arith.index_cast %mul3A_751 : i32 to index
      %get3A_758 = tpu.vector_load %arg9[%get3A_757] {strides = array<i32>} : memref<4096xi32, #tpu.memory_space<vmem>>, vector<16xi32>,
      %get3A_759 = vector.shape_cast %get3A_758 : vector<16xi32> to vector<16xi32>
      %mul3A_760 = arith.constant 161 : i32
      %mul3A_761 = vector.broadcast %mul3A_760 : i32 to vector<16xi32>
      %mul3A_762 = arith.muli %get3A_759, %mul3A_761 : vector<16xi32>
      %add3A_763 = arith.addi %mul3A_756, %mul3A_762 : vector<16xi32>
      %get3A_764 = arith.index_cast %mul3A_751 : i32 to index
      %get3A_765 = tpu.vector_load %arg11[%get3A_764] {strides = array<i32>} : memref<4096xi32, #tpu.memory_space<vmem>>, vector<16xi32>,
      %get3A_766 = vector.shape_cast %get3A_765 : vector<16xi32> to vector<16xi32>
      %add3A_767 = arith.addi %add3A_763, %get3A_766 : vector<16xi32>
      %swap3A = arith.index_cast %mul3A_751 : i32 to index
      %swap3A_768 = tpu.vector_load %arg13[%swap3A] {strides = array<i32>} : memref<4096xi32, #tpu.memory_space<vmem>>, vector<16xi32>,
      %swap3A_769 = vector.shape_cast %swap3A_768 : vector<16xi32> to vector<16xi32>
      %swap3A_770 = vector.shape_cast %add3A_767 : vector<16xi32> to vector<16xi32>
      tpu.vector_store %arg13[%swap3A], %swap3A_770 {strides = array<i32>} : memref<4096xi32, #tpu.memory_space<vmem>>, vector<16xi32>,
    }
    %scan3A_524 = arith.constant 256 : i32
    %dma_wait3A_525 = arith.constant 0 : i32
    %dma_wait3A_526 = tpu.memref_slice %arg3[%dma_wait3A_525] : memref<4173281xi32, #tpu.memory_space<hbm>> -> memref<4173281xi32, #tpu.memory_space<hbm>>
    tpu.wait_indirect_dma semaphore(%arg20 : memref<!tpu.dma_semaphore, #tpu.memory_space<semaphore_mem>>) src(%dma_wait3A_526 : memref<4173281xi32, #tpu.memory_space<hbm>>) dst(%arg14 : memref<4096xi32, #tpu.memory_space<vmem>>)
    %dma_start3A_527 = tpu.memref_slice %arg4[%multiple_of3A_149] : memref<2000000xi32, #tpu.memory_space<hbm>> -> memref<4096xi32, #tpu.memory_space<hbm>>
    %dma_start3A_528 = tpu.memref_slice %arg4[%multiple_of3A_149] : memref<2000000xi32, #tpu.memory_space<hbm>> -> memref<4096xi32, #tpu.memory_space<hbm>>
    tpu.enqueue_dma source(%arg14 : memref<4096xi32, #tpu.memory_space<vmem>>) target(%dma_start3A_528 : memref<4096xi32, #tpu.memory_space<hbm>>) target_semaphore(%arg22 : memref<!tpu.dma_semaphore, #tpu.memory_space<semaphore_mem>>)
    %dma_start3A_529 = arith.constant 0 : i32
    %dma_start3A_530 = tpu.memref_slice %arg17[%dma_start3A_529] : memref<1048576xi32, #tpu.memory_space<vmem_shared>> -> memref<1048576xi32, #tpu.memory_space<vmem_shared>>
    tpu.enqueue_indirect_dma source(%arg16 : memref<4096xi32, #tpu.memory_space<vmem>>) target(%dma_start3A_530 : memref<1048576xi32, #tpu.memory_space<vmem_shared>>) offsets(%arg14 : memref<4096xi32, #tpu.memory_space<vmem>>) semaphore(%arg24 : memref<!tpu.dma_semaphore, #tpu.memory_space<semaphore_mem>>)
    %dma_wait3A_531 = tpu.memref_slice %arg4[%multiple_of3A_146] : memref<2000000xi32, #tpu.memory_space<hbm>> -> memref<4096xi32, #tpu.memory_space<hbm>>
    %dma_wait3A_532 = tpu.memref_slice %arg4[%multiple_of3A_146] : memref<2000000xi32, #tpu.memory_space<hbm>> -> memref<4096xi32, #tpu.memory_space<hbm>>
    tpu.wait_dma2 semaphore(%arg23 : memref<!tpu.dma_semaphore, #tpu.memory_space<semaphore_mem>>) src(%arg15 : memref<4096xi32, #tpu.memory_space<vmem>>) dst(%dma_wait3A_532 : memref<4096xi32, #tpu.memory_space<hbm>>)
    %dma_wait3A_533 = arith.constant 0 : i32
    %dma_wait3A_534 = tpu.memref_slice %arg17[%dma_wait3A_533] : memref<1048576xi32, #tpu.memory_space<vmem_shared>> -> memref<1048576xi32, #tpu.memory_space<vmem_shared>>
    tpu.wait_indirect_dma semaphore(%arg25 : memref<!tpu.dma_semaphore, #tpu.memory_space<semaphore_mem>>) src(%arg16 : memref<4096xi32, #tpu.memory_space<vmem>>) dst(%dma_wait3A_534 : memref<1048576xi32, #tpu.memory_space<vmem_shared>>)
    %dma_start3A_535 = arith.constant 0 : i32
    %dma_start3A_536 = tpu.memref_slice %arg3[%dma_start3A_535] : memref<4173281xi32, #tpu.memory_space<hbm>> -> memref<4173281xi32, #tpu.memory_space<hbm>>
    tpu.enqueue_indirect_dma source(%dma_start3A_536 : memref<4173281xi32, #tpu.memory_space<hbm>>) target(%arg15 : memref<4096xi32, #tpu.memory_space<vmem>>) offsets(%arg13 : memref<4096xi32, #tpu.memory_space<vmem>>) semaphore(%arg21 : memref<!tpu.dma_semaphore, #tpu.memory_space<semaphore_mem>>)
    %dma_start3A_537 = tpu.memref_slice %arg2[%multiple_of3A_158] : memref<6000000xi32, #tpu.memory_space<hbm>> -> memref<4096xi32, #tpu.memory_space<hbm>>
    %dma_start3A_538 = tpu.memref_slice %arg2[%multiple_of3A_158] : memref<6000000xi32, #tpu.memory_space<hbm>> -> memref<4096xi32, #tpu.memory_space<hbm>>
    tpu.enqueue_dma source(%dma_start3A_538 : memref<4096xi32, #tpu.memory_space<hbm>>) target(%arg7 : memref<4096xi32, #tpu.memory_space<vmem>>) target_semaphore(%arg19 : memref<!tpu.dma_semaphore, #tpu.memory_space<semaphore_mem>>)
    %add3A_539 = arith.constant 2000000 : i32
    %add3A_540 = arith.addi %multiple_of3A_158, %add3A_539 : i32
    %dma_start3A_541 = tpu.memref_slice %arg2[%add3A_540] : memref<6000000xi32, #tpu.memory_space<hbm>> -> memref<4096xi32, #tpu.memory_space<hbm>>
    %dma_start3A_542 = tpu.memref_slice %arg2[%add3A_540] : memref<6000000xi32, #tpu.memory_space<hbm>> -> memref<4096xi32, #tpu.memory_space<hbm>>
    tpu.enqueue_dma source(%dma_start3A_542 : memref<4096xi32, #tpu.memory_space<hbm>>) target(%arg9 : memref<4096xi32, #tpu.memory_space<vmem>>) target_semaphore(%arg19 : memref<!tpu.dma_semaphore, #tpu.memory_space<semaphore_mem>>)
    %add3A_543 = arith.constant 4000000 : i32
    %add3A_544 = arith.addi %multiple_of3A_158, %add3A_543 : i32
    %dma_start3A_545 = tpu.memref_slice %arg2[%add3A_544] : memref<6000000xi32, #tpu.memory_space<hbm>> -> memref<4096xi32, #tpu.memory_space<hbm>>
    %dma_start3A_546 = tpu.memref_slice %arg2[%add3A_544] : memref<6000000xi32, #tpu.memory_space<hbm>> -> memref<4096xi32, #tpu.memory_space<hbm>>
    tpu.enqueue_dma source(%dma_start3A_546 : memref<4096xi32, #tpu.memory_space<hbm>>) target(%arg11 : memref<4096xi32, #tpu.memory_space<vmem>>) target_semaphore(%arg19 : memref<!tpu.dma_semaphore, #tpu.memory_space<semaphore_mem>>)
    %dma_wait3A_547 = tpu.memref_slice %arg2[%multiple_of3A_155] : memref<6000000xi32, #tpu.memory_space<hbm>> -> memref<4096xi32, #tpu.memory_space<hbm>>
    %dma_wait3A_548 = tpu.memref_slice %arg2[%multiple_of3A_155] : memref<6000000xi32, #tpu.memory_space<hbm>> -> memref<4096xi32, #tpu.memory_space<hbm>>
    tpu.wait_dma2 semaphore(%arg18 : memref<!tpu.dma_semaphore, #tpu.memory_space<semaphore_mem>>) src(%dma_wait3A_548 : memref<4096xi32, #tpu.memory_space<hbm>>) dst(%arg6 : memref<4096xi32, #tpu.memory_space<vmem>>)
    %dma_wait3A_549 = tpu.memref_slice %arg2[%add3A_506] : memref<6000000xi32, #tpu.memory_space<hbm>> -> memref<4096xi32, #tpu.memory_space<hbm>>
    %dma_wait3A_550 = tpu.memref_slice %arg2[%add3A_506] : memref<6000000xi32, #tpu.memory_space<hbm>> -> memref<4096xi32, #tpu.memory_space<hbm>>
    tpu.wait_dma2 semaphore(%arg18 : memref<!tpu.dma_semaphore, #tpu.memory_space<semaphore_mem>>) src(%dma_wait3A_550 : memref<4096xi32, #tpu.memory_space<hbm>>) dst(%arg8 : memref<4096xi32, #tpu.memory_space<vmem>>)
    %dma_wait3A_551 = tpu.memref_slice %arg2[%add3A_510] : memref<6000000xi32, #tpu.memory_space<hbm>> -> memref<4096xi32, #tpu.memory_space<hbm>>
    %dma_wait3A_552 = tpu.memref_slice %arg2[%add3A_510] : memref<6000000xi32, #tpu.memory_space<hbm>> -> memref<4096xi32, #tpu.memory_space<hbm>>
    tpu.wait_dma2 semaphore(%arg18 : memref<!tpu.dma_semaphore, #tpu.memory_space<semaphore_mem>>) src(%dma_wait3A_552 : memref<4096xi32, #tpu.memory_space<hbm>>) dst(%arg10 : memref<4096xi32, #tpu.memory_space<vmem>>)
    %scan3A_553 = arith.constant 0 : i32
    %scan3A_554 = arith.constant 0 : i32
    %scan3A_555 = arith.constant 256 : i32
    %scan3A_556 = arith.addi %scan3A_554, %scan3A_555 : i32
    %scan3A_557 = arith.constant 1 : i32
    scf.for %scan3A_749 = %scan3A_554 to %scan3A_556 step %scan3A_557  : i32 {
      %mul3A_750 = arith.constant 16 : i32
      %mul3A_751 = arith.muli %scan3A_749, %mul3A_750 : i32
      %get3A = arith.index_cast %mul3A_751 : i32 to index
      %get3A_752 = tpu.vector_load %arg6[%get3A] {strides = array<i32>} : memref<4096xi32, #tpu.memory_space<vmem>>, vector<16xi32>,
      %get3A_753 = vector.shape_cast %get3A_752 : vector<16xi32> to vector<16xi32>
      %mul3A_754 = arith.constant 25921 : i32
      %mul3A_755 = vector.broadcast %mul3A_754 : i32 to vector<16xi32>
      %mul3A_756 = arith.muli %get3A_753, %mul3A_755 : vector<16xi32>
      %get3A_757 = arith.index_cast %mul3A_751 : i32 to index
      %get3A_758 = tpu.vector_load %arg8[%get3A_757] {strides = array<i32>} : memref<4096xi32, #tpu.memory_space<vmem>>, vector<16xi32>,
      %get3A_759 = vector.shape_cast %get3A_758 : vector<16xi32> to vector<16xi32>
      %mul3A_760 = arith.constant 161 : i32
      %mul3A_761 = vector.broadcast %mul3A_760 : i32 to vector<16xi32>
      %mul3A_762 = arith.muli %get3A_759, %mul3A_761 : vector<16xi32>
      %add3A_763 = arith.addi %mul3A_756, %mul3A_762 : vector<16xi32>
      %get3A_764 = arith.index_cast %mul3A_751 : i32 to index
      %get3A_765 = tpu.vector_load %arg10[%get3A_764] {strides = array<i32>} : memref<4096xi32, #tpu.memory_space<vmem>>, vector<16xi32>,
      %get3A_766 = vector.shape_cast %get3A_765 : vector<16xi32> to vector<16xi32>
      %add3A_767 = arith.addi %add3A_763, %get3A_766 : vector<16xi32>
      %swap3A = arith.index_cast %mul3A_751 : i32 to index
      %swap3A_768 = tpu.vector_load %arg12[%swap3A] {strides = array<i32>} : memref<4096xi32, #tpu.memory_space<vmem>>, vector<16xi32>,
      %swap3A_769 = vector.shape_cast %swap3A_768 : vector<16xi32> to vector<16xi32>
      %swap3A_770 = vector.shape_cast %add3A_767 : vector<16xi32> to vector<16xi32>
      tpu.vector_store %arg12[%swap3A], %swap3A_770 {strides = array<i32>} : memref<4096xi32, #tpu.memory_space<vmem>>, vector<16xi32>,
    }
    %scan3A_558 = arith.constant 256 : i32
    %dma_wait3A_559 = arith.constant 0 : i32
    %dma_wait3A_560 = tpu.memref_slice %arg3[%dma_wait3A_559] : memref<4173281xi32, #tpu.memory_space<hbm>> -> memref<4173281xi32, #tpu.memory_space<hbm>>
    tpu.wait_indirect_dma semaphore(%arg21 : memref<!tpu.dma_semaphore, #tpu.memory_space<semaphore_mem>>) src(%dma_wait3A_560 : memref<4173281xi32, #tpu.memory_space<hbm>>) dst(%arg15 : memref<4096xi32, #tpu.memory_space<vmem>>)
    %dma_start3A_561 = tpu.memref_slice %arg4[%multiple_of3A_152] : memref<2000000xi32, #tpu.memory_space<hbm>> -> memref<4096xi32, #tpu.memory_space<hbm>>
    %dma_start3A_562 = tpu.memref_slice %arg4[%multiple_of3A_152] : memref<2000000xi32, #tpu.memory_space<hbm>> -> memref<4096xi32, #tpu.memory_space<hbm>>
    tpu.enqueue_dma source(%arg15 : memref<4096xi32, #tpu.memory_space<vmem>>) target(%dma_start3A_562 : memref<4096xi32, #tpu.memory_space<hbm>>) target_semaphore(%arg23 : memref<!tpu.dma_semaphore, #tpu.memory_space<semaphore_mem>>)
    %dma_start3A_563 = arith.constant 0 : i32
    %dma_start3A_564 = tpu.memref_slice %arg17[%dma_start3A_563] : memref<1048576xi32, #tpu.memory_space<vmem_shared>> -> memref<1048576xi32, #tpu.memory_space<vmem_shared>>
    tpu.enqueue_indirect_dma source(%arg16 : memref<4096xi32, #tpu.memory_space<vmem>>) target(%dma_start3A_564 : memref<1048576xi32, #tpu.memory_space<vmem_shared>>) offsets(%arg15 : memref<4096xi32, #tpu.memory_space<vmem>>) semaphore(%arg25 : memref<!tpu.dma_semaphore, #tpu.memory_space<semaphore_mem>>)
    %dma_wait3A_565 = tpu.memref_slice %arg4[%multiple_of3A_149] : memref<2000000xi32, #tpu.memory_space<hbm>> -> memref<4096xi32, #tpu.memory_space<hbm>>
    %dma_wait3A_566 = tpu.memref_slice %arg4[%multiple_of3A_149] : memref<2000000xi32, #tpu.memory_space<hbm>> -> memref<4096xi32, #tpu.memory_space<hbm>>
    tpu.wait_dma2 semaphore(%arg22 : memref<!tpu.dma_semaphore, #tpu.memory_space<semaphore_mem>>) src(%arg14 : memref<4096xi32, #tpu.memory_space<vmem>>) dst(%dma_wait3A_566 : memref<4096xi32, #tpu.memory_space<hbm>>)
    %dma_wait3A_567 = arith.constant 0 : i32
    %dma_wait3A_568 = tpu.memref_slice %arg17[%dma_wait3A_567] : memref<1048576xi32, #tpu.memory_space<vmem_shared>> -> memref<1048576xi32, #tpu.memory_space<vmem_shared>>
    tpu.wait_indirect_dma semaphore(%arg24 : memref<!tpu.dma_semaphore, #tpu.memory_space<semaphore_mem>>) src(%arg16 : memref<4096xi32, #tpu.memory_space<vmem>>) dst(%dma_wait3A_568 : memref<1048576xi32, #tpu.memory_space<vmem_shared>>)
    %dma_start3A_569 = arith.constant 0 : i32
    %dma_start3A_570 = tpu.memref_slice %arg3[%dma_start3A_569] : memref<4173281xi32, #tpu.memory_space<hbm>> -> memref<4173281xi32, #tpu.memory_space<hbm>>
    tpu.enqueue_indirect_dma source(%dma_start3A_570 : memref<4173281xi32, #tpu.memory_space<hbm>>) target(%arg14 : memref<4096xi32, #tpu.memory_space<vmem>>) offsets(%arg12 : memref<4096xi32, #tpu.memory_space<vmem>>) semaphore(%arg20 : memref<!tpu.dma_semaphore, #tpu.memory_space<semaphore_mem>>)
    %dma_start3A_571 = tpu.memref_slice %arg2[%multiple_of3A_161] : memref<6000000xi32, #tpu.memory_space<hbm>> -> memref<4096xi32, #tpu.memory_space<hbm>>
    %dma_start3A_572 = tpu.memref_slice %arg2[%multiple_of3A_161] : memref<6000000xi32, #tpu.memory_space<hbm>> -> memref<4096xi32, #tpu.memory_space<hbm>>
    tpu.enqueue_dma source(%dma_start3A_572 : memref<4096xi32, #tpu.memory_space<hbm>>) target(%arg6 : memref<4096xi32, #tpu.memory_space<vmem>>) target_semaphore(%arg18 : memref<!tpu.dma_semaphore, #tpu.memory_space<semaphore_mem>>)
    %add3A_573 = arith.constant 2000000 : i32
    %add3A_574 = arith.addi %multiple_of3A_161, %add3A_573 : i32
    %dma_start3A_575 = tpu.memref_slice %arg2[%add3A_574] : memref<6000000xi32, #tpu.memory_space<hbm>> -> memref<4096xi32, #tpu.memory_space<hbm>>
    %dma_start3A_576 = tpu.memref_slice %arg2[%add3A_574] : memref<6000000xi32, #tpu.memory_space<hbm>> -> memref<4096xi32, #tpu.memory_space<hbm>>
    tpu.enqueue_dma source(%dma_start3A_576 : memref<4096xi32, #tpu.memory_space<hbm>>) target(%arg8 : memref<4096xi32, #tpu.memory_space<vmem>>) target_semaphore(%arg18 : memref<!tpu.dma_semaphore, #tpu.memory_space<semaphore_mem>>)
    %add3A_577 = arith.constant 4000000 : i32
    %add3A_578 = arith.addi %multiple_of3A_161, %add3A_577 : i32
    %dma_start3A_579 = tpu.memref_slice %arg2[%add3A_578] : memref<6000000xi32, #tpu.memory_space<hbm>> -> memref<4096xi32, #tpu.memory_space<hbm>>
    %dma_start3A_580 = tpu.memref_slice %arg2[%add3A_578] : memref<6000000xi32, #tpu.memory_space<hbm>> -> memref<4096xi32, #tpu.memory_space<hbm>>
    tpu.enqueue_dma source(%dma_start3A_580 : memref<4096xi32, #tpu.memory_space<hbm>>) target(%arg10 : memref<4096xi32, #tpu.memory_space<vmem>>) target_semaphore(%arg18 : memref<!tpu.dma_semaphore, #tpu.memory_space<semaphore_mem>>)
    %dma_wait3A_581 = tpu.memref_slice %arg2[%multiple_of3A_158] : memref<6000000xi32, #tpu.memory_space<hbm>> -> memref<4096xi32, #tpu.memory_space<hbm>>
    %dma_wait3A_582 = tpu.memref_slice %arg2[%multiple_of3A_158] : memref<6000000xi32, #tpu.memory_space<hbm>> -> memref<4096xi32, #tpu.memory_space<hbm>>
    tpu.wait_dma2 semaphore(%arg19 : memref<!tpu.dma_semaphore, #tpu.memory_space<semaphore_mem>>) src(%dma_wait3A_582 : memref<4096xi32, #tpu.memory_space<hbm>>) dst(%arg7 : memref<4096xi32, #tpu.memory_space<vmem>>)
    %dma_wait3A_583 = tpu.memref_slice %arg2[%add3A_540] : memref<6000000xi32, #tpu.memory_space<hbm>> -> memref<4096xi32, #tpu.memory_space<hbm>>
    %dma_wait3A_584 = tpu.memref_slice %arg2[%add3A_540] : memref<6000000xi32, #tpu.memory_space<hbm>> -> memref<4096xi32, #tpu.memory_space<hbm>>
    tpu.wait_dma2 semaphore(%arg19 : memref<!tpu.dma_semaphore, #tpu.memory_space<semaphore_mem>>) src(%dma_wait3A_584 : memref<4096xi32, #tpu.memory_space<hbm>>) dst(%arg9 : memref<4096xi32, #tpu.memory_space<vmem>>)
    %dma_wait3A_585 = tpu.memref_slice %arg2[%add3A_544] : memref<6000000xi32, #tpu.memory_space<hbm>> -> memref<4096xi32, #tpu.memory_space<hbm>>
    %dma_wait3A_586 = tpu.memref_slice %arg2[%add3A_544] : memref<6000000xi32, #tpu.memory_space<hbm>> -> memref<4096xi32, #tpu.memory_space<hbm>>
    tpu.wait_dma2 semaphore(%arg19 : memref<!tpu.dma_semaphore, #tpu.memory_space<semaphore_mem>>) src(%dma_wait3A_586 : memref<4096xi32, #tpu.memory_space<hbm>>) dst(%arg11 : memref<4096xi32, #tpu.memory_space<vmem>>)
    %scan3A_587 = arith.constant 0 : i32
    %scan3A_588 = arith.constant 0 : i32
    %scan3A_589 = arith.constant 256 : i32
    %scan3A_590 = arith.addi %scan3A_588, %scan3A_589 : i32
    %scan3A_591 = arith.constant 1 : i32
    scf.for %scan3A_749 = %scan3A_588 to %scan3A_590 step %scan3A_591  : i32 {
      %mul3A_750 = arith.constant 16 : i32
      %mul3A_751 = arith.muli %scan3A_749, %mul3A_750 : i32
      %get3A = arith.index_cast %mul3A_751 : i32 to index
      %get3A_752 = tpu.vector_load %arg7[%get3A] {strides = array<i32>} : memref<4096xi32, #tpu.memory_space<vmem>>, vector<16xi32>,
      %get3A_753 = vector.shape_cast %get3A_752 : vector<16xi32> to vector<16xi32>
      %mul3A_754 = arith.constant 25921 : i32
      %mul3A_755 = vector.broadcast %mul3A_754 : i32 to vector<16xi32>
      %mul3A_756 = arith.muli %get3A_753, %mul3A_755 : vector<16xi32>
      %get3A_757 = arith.index_cast %mul3A_751 : i32 to index
      %get3A_758 = tpu.vector_load %arg9[%get3A_757] {strides = array<i32>} : memref<4096xi32, #tpu.memory_space<vmem>>, vector<16xi32>,
      %get3A_759 = vector.shape_cast %get3A_758 : vector<16xi32> to vector<16xi32>
      %mul3A_760 = arith.constant 161 : i32
      %mul3A_761 = vector.broadcast %mul3A_760 : i32 to vector<16xi32>
      %mul3A_762 = arith.muli %get3A_759, %mul3A_761 : vector<16xi32>
      %add3A_763 = arith.addi %mul3A_756, %mul3A_762 : vector<16xi32>
      %get3A_764 = arith.index_cast %mul3A_751 : i32 to index
      %get3A_765 = tpu.vector_load %arg11[%get3A_764] {strides = array<i32>} : memref<4096xi32, #tpu.memory_space<vmem>>, vector<16xi32>,
      %get3A_766 = vector.shape_cast %get3A_765 : vector<16xi32> to vector<16xi32>
      %add3A_767 = arith.addi %add3A_763, %get3A_766 : vector<16xi32>
      %swap3A = arith.index_cast %mul3A_751 : i32 to index
      %swap3A_768 = tpu.vector_load %arg13[%swap3A] {strides = array<i32>} : memref<4096xi32, #tpu.memory_space<vmem>>, vector<16xi32>,
      %swap3A_769 = vector.shape_cast %swap3A_768 : vector<16xi32> to vector<16xi32>
      %swap3A_770 = vector.shape_cast %add3A_767 : vector<16xi32> to vector<16xi32>
      tpu.vector_store %arg13[%swap3A], %swap3A_770 {strides = array<i32>} : memref<4096xi32, #tpu.memory_space<vmem>>, vector<16xi32>,
    }
    %scan3A_592 = arith.constant 256 : i32
    %dma_wait3A_593 = arith.constant 0 : i32
    %dma_wait3A_594 = tpu.memref_slice %arg3[%dma_wait3A_593] : memref<4173281xi32, #tpu.memory_space<hbm>> -> memref<4173281xi32, #tpu.memory_space<hbm>>
    tpu.wait_indirect_dma semaphore(%arg20 : memref<!tpu.dma_semaphore, #tpu.memory_space<semaphore_mem>>) src(%dma_wait3A_594 : memref<4173281xi32, #tpu.memory_space<hbm>>) dst(%arg14 : memref<4096xi32, #tpu.memory_space<vmem>>)
    %dma_start3A_595 = tpu.memref_slice %arg4[%multiple_of3A_155] : memref<2000000xi32, #tpu.memory_space<hbm>> -> memref<4096xi32, #tpu.memory_space<hbm>>
    %dma_start3A_596 = tpu.memref_slice %arg4[%multiple_of3A_155] : memref<2000000xi32, #tpu.memory_space<hbm>> -> memref<4096xi32, #tpu.memory_space<hbm>>
    tpu.enqueue_dma source(%arg14 : memref<4096xi32, #tpu.memory_space<vmem>>) target(%dma_start3A_596 : memref<4096xi32, #tpu.memory_space<hbm>>) target_semaphore(%arg22 : memref<!tpu.dma_semaphore, #tpu.memory_space<semaphore_mem>>)
    %dma_start3A_597 = arith.constant 0 : i32
    %dma_start3A_598 = tpu.memref_slice %arg17[%dma_start3A_597] : memref<1048576xi32, #tpu.memory_space<vmem_shared>> -> memref<1048576xi32, #tpu.memory_space<vmem_shared>>
    tpu.enqueue_indirect_dma source(%arg16 : memref<4096xi32, #tpu.memory_space<vmem>>) target(%dma_start3A_598 : memref<1048576xi32, #tpu.memory_space<vmem_shared>>) offsets(%arg14 : memref<4096xi32, #tpu.memory_space<vmem>>) semaphore(%arg24 : memref<!tpu.dma_semaphore, #tpu.memory_space<semaphore_mem>>)
    %dma_wait3A_599 = tpu.memref_slice %arg4[%multiple_of3A_152] : memref<2000000xi32, #tpu.memory_space<hbm>> -> memref<4096xi32, #tpu.memory_space<hbm>>
    %dma_wait3A_600 = tpu.memref_slice %arg4[%multiple_of3A_152] : memref<2000000xi32, #tpu.memory_space<hbm>> -> memref<4096xi32, #tpu.memory_space<hbm>>
    tpu.wait_dma2 semaphore(%arg23 : memref<!tpu.dma_semaphore, #tpu.memory_space<semaphore_mem>>) src(%arg15 : memref<4096xi32, #tpu.memory_space<vmem>>) dst(%dma_wait3A_600 : memref<4096xi32, #tpu.memory_space<hbm>>)
    %dma_wait3A_601 = arith.constant 0 : i32
    %dma_wait3A_602 = tpu.memref_slice %arg17[%dma_wait3A_601] : memref<1048576xi32, #tpu.memory_space<vmem_shared>> -> memref<1048576xi32, #tpu.memory_space<vmem_shared>>
    tpu.wait_indirect_dma semaphore(%arg25 : memref<!tpu.dma_semaphore, #tpu.memory_space<semaphore_mem>>) src(%arg16 : memref<4096xi32, #tpu.memory_space<vmem>>) dst(%dma_wait3A_602 : memref<1048576xi32, #tpu.memory_space<vmem_shared>>)
    %dma_start3A_603 = arith.constant 0 : i32
    %dma_start3A_604 = tpu.memref_slice %arg3[%dma_start3A_603] : memref<4173281xi32, #tpu.memory_space<hbm>> -> memref<4173281xi32, #tpu.memory_space<hbm>>
    tpu.enqueue_indirect_dma source(%dma_start3A_604 : memref<4173281xi32, #tpu.memory_space<hbm>>) target(%arg15 : memref<4096xi32, #tpu.memory_space<vmem>>) offsets(%arg13 : memref<4096xi32, #tpu.memory_space<vmem>>) semaphore(%arg21 : memref<!tpu.dma_semaphore, #tpu.memory_space<semaphore_mem>>)
    %dma_start3A_605 = tpu.memref_slice %arg2[%multiple_of3A_164] : memref<6000000xi32, #tpu.memory_space<hbm>> -> memref<4096xi32, #tpu.memory_space<hbm>>
    %dma_start3A_606 = tpu.memref_slice %arg2[%multiple_of3A_164] : memref<6000000xi32, #tpu.memory_space<hbm>> -> memref<4096xi32, #tpu.memory_space<hbm>>
    tpu.enqueue_dma source(%dma_start3A_606 : memref<4096xi32, #tpu.memory_space<hbm>>) target(%arg7 : memref<4096xi32, #tpu.memory_space<vmem>>) target_semaphore(%arg19 : memref<!tpu.dma_semaphore, #tpu.memory_space<semaphore_mem>>)
    %add3A_607 = arith.constant 2000000 : i32
    %add3A_608 = arith.addi %multiple_of3A_164, %add3A_607 : i32
    %dma_start3A_609 = tpu.memref_slice %arg2[%add3A_608] : memref<6000000xi32, #tpu.memory_space<hbm>> -> memref<4096xi32, #tpu.memory_space<hbm>>
    %dma_start3A_610 = tpu.memref_slice %arg2[%add3A_608] : memref<6000000xi32, #tpu.memory_space<hbm>> -> memref<4096xi32, #tpu.memory_space<hbm>>
    tpu.enqueue_dma source(%dma_start3A_610 : memref<4096xi32, #tpu.memory_space<hbm>>) target(%arg9 : memref<4096xi32, #tpu.memory_space<vmem>>) target_semaphore(%arg19 : memref<!tpu.dma_semaphore, #tpu.memory_space<semaphore_mem>>)
    %add3A_611 = arith.constant 4000000 : i32
    %add3A_612 = arith.addi %multiple_of3A_164, %add3A_611 : i32
    %dma_start3A_613 = tpu.memref_slice %arg2[%add3A_612] : memref<6000000xi32, #tpu.memory_space<hbm>> -> memref<4096xi32, #tpu.memory_space<hbm>>
    %dma_start3A_614 = tpu.memref_slice %arg2[%add3A_612] : memref<6000000xi32, #tpu.memory_space<hbm>> -> memref<4096xi32, #tpu.memory_space<hbm>>
    tpu.enqueue_dma source(%dma_start3A_614 : memref<4096xi32, #tpu.memory_space<hbm>>) target(%arg11 : memref<4096xi32, #tpu.memory_space<vmem>>) target_semaphore(%arg19 : memref<!tpu.dma_semaphore, #tpu.memory_space<semaphore_mem>>)
    %dma_wait3A_615 = tpu.memref_slice %arg2[%multiple_of3A_161] : memref<6000000xi32, #tpu.memory_space<hbm>> -> memref<4096xi32, #tpu.memory_space<hbm>>
    %dma_wait3A_616 = tpu.memref_slice %arg2[%multiple_of3A_161] : memref<6000000xi32, #tpu.memory_space<hbm>> -> memref<4096xi32, #tpu.memory_space<hbm>>
    tpu.wait_dma2 semaphore(%arg18 : memref<!tpu.dma_semaphore, #tpu.memory_space<semaphore_mem>>) src(%dma_wait3A_616 : memref<4096xi32, #tpu.memory_space<hbm>>) dst(%arg6 : memref<4096xi32, #tpu.memory_space<vmem>>)
    %dma_wait3A_617 = tpu.memref_slice %arg2[%add3A_574] : memref<6000000xi32, #tpu.memory_space<hbm>> -> memref<4096xi32, #tpu.memory_space<hbm>>
    %dma_wait3A_618 = tpu.memref_slice %arg2[%add3A_574] : memref<6000000xi32, #tpu.memory_space<hbm>> -> memref<4096xi32, #tpu.memory_space<hbm>>
    tpu.wait_dma2 semaphore(%arg18 : memref<!tpu.dma_semaphore, #tpu.memory_space<semaphore_mem>>) src(%dma_wait3A_618 : memref<4096xi32, #tpu.memory_space<hbm>>) dst(%arg8 : memref<4096xi32, #tpu.memory_space<vmem>>)
    %dma_wait3A_619 = tpu.memref_slice %arg2[%add3A_578] : memref<6000000xi32, #tpu.memory_space<hbm>> -> memref<4096xi32, #tpu.memory_space<hbm>>
    %dma_wait3A_620 = tpu.memref_slice %arg2[%add3A_578] : memref<6000000xi32, #tpu.memory_space<hbm>> -> memref<4096xi32, #tpu.memory_space<hbm>>
    tpu.wait_dma2 semaphore(%arg18 : memref<!tpu.dma_semaphore, #tpu.memory_space<semaphore_mem>>) src(%dma_wait3A_620 : memref<4096xi32, #tpu.memory_space<hbm>>) dst(%arg10 : memref<4096xi32, #tpu.memory_space<vmem>>)
    %scan3A_621 = arith.constant 0 : i32
    %scan3A_622 = arith.constant 0 : i32
    %scan3A_623 = arith.constant 256 : i32
    %scan3A_624 = arith.addi %scan3A_622, %scan3A_623 : i32
    %scan3A_625 = arith.constant 1 : i32
    scf.for %scan3A_749 = %scan3A_622 to %scan3A_624 step %scan3A_625  : i32 {
      %mul3A_750 = arith.constant 16 : i32
      %mul3A_751 = arith.muli %scan3A_749, %mul3A_750 : i32
      %get3A = arith.index_cast %mul3A_751 : i32 to index
      %get3A_752 = tpu.vector_load %arg6[%get3A] {strides = array<i32>} : memref<4096xi32, #tpu.memory_space<vmem>>, vector<16xi32>,
      %get3A_753 = vector.shape_cast %get3A_752 : vector<16xi32> to vector<16xi32>
      %mul3A_754 = arith.constant 25921 : i32
      %mul3A_755 = vector.broadcast %mul3A_754 : i32 to vector<16xi32>
      %mul3A_756 = arith.muli %get3A_753, %mul3A_755 : vector<16xi32>
      %get3A_757 = arith.index_cast %mul3A_751 : i32 to index
      %get3A_758 = tpu.vector_load %arg8[%get3A_757] {strides = array<i32>} : memref<4096xi32, #tpu.memory_space<vmem>>, vector<16xi32>,
      %get3A_759 = vector.shape_cast %get3A_758 : vector<16xi32> to vector<16xi32>
      %mul3A_760 = arith.constant 161 : i32
      %mul3A_761 = vector.broadcast %mul3A_760 : i32 to vector<16xi32>
      %mul3A_762 = arith.muli %get3A_759, %mul3A_761 : vector<16xi32>
      %add3A_763 = arith.addi %mul3A_756, %mul3A_762 : vector<16xi32>
      %get3A_764 = arith.index_cast %mul3A_751 : i32 to index
      %get3A_765 = tpu.vector_load %arg10[%get3A_764] {strides = array<i32>} : memref<4096xi32, #tpu.memory_space<vmem>>, vector<16xi32>,
      %get3A_766 = vector.shape_cast %get3A_765 : vector<16xi32> to vector<16xi32>
      %add3A_767 = arith.addi %add3A_763, %get3A_766 : vector<16xi32>
      %swap3A = arith.index_cast %mul3A_751 : i32 to index
      %swap3A_768 = tpu.vector_load %arg12[%swap3A] {strides = array<i32>} : memref<4096xi32, #tpu.memory_space<vmem>>, vector<16xi32>,
      %swap3A_769 = vector.shape_cast %swap3A_768 : vector<16xi32> to vector<16xi32>
      %swap3A_770 = vector.shape_cast %add3A_767 : vector<16xi32> to vector<16xi32>
      tpu.vector_store %arg12[%swap3A], %swap3A_770 {strides = array<i32>} : memref<4096xi32, #tpu.memory_space<vmem>>, vector<16xi32>,
    }
    %scan3A_626 = arith.constant 256 : i32
    %dma_wait3A_627 = arith.constant 0 : i32
    %dma_wait3A_628 = tpu.memref_slice %arg3[%dma_wait3A_627] : memref<4173281xi32, #tpu.memory_space<hbm>> -> memref<4173281xi32, #tpu.memory_space<hbm>>
    tpu.wait_indirect_dma semaphore(%arg21 : memref<!tpu.dma_semaphore, #tpu.memory_space<semaphore_mem>>) src(%dma_wait3A_628 : memref<4173281xi32, #tpu.memory_space<hbm>>) dst(%arg15 : memref<4096xi32, #tpu.memory_space<vmem>>)
    %dma_start3A_629 = tpu.memref_slice %arg4[%multiple_of3A_158] : memref<2000000xi32, #tpu.memory_space<hbm>> -> memref<4096xi32, #tpu.memory_space<hbm>>
    %dma_start3A_630 = tpu.memref_slice %arg4[%multiple_of3A_158] : memref<2000000xi32, #tpu.memory_space<hbm>> -> memref<4096xi32, #tpu.memory_space<hbm>>
    tpu.enqueue_dma source(%arg15 : memref<4096xi32, #tpu.memory_space<vmem>>) target(%dma_start3A_630 : memref<4096xi32, #tpu.memory_space<hbm>>) target_semaphore(%arg23 : memref<!tpu.dma_semaphore, #tpu.memory_space<semaphore_mem>>)
    %dma_start3A_631 = arith.constant 0 : i32
    %dma_start3A_632 = tpu.memref_slice %arg17[%dma_start3A_631] : memref<1048576xi32, #tpu.memory_space<vmem_shared>> -> memref<1048576xi32, #tpu.memory_space<vmem_shared>>
    tpu.enqueue_indirect_dma source(%arg16 : memref<4096xi32, #tpu.memory_space<vmem>>) target(%dma_start3A_632 : memref<1048576xi32, #tpu.memory_space<vmem_shared>>) offsets(%arg15 : memref<4096xi32, #tpu.memory_space<vmem>>) semaphore(%arg25 : memref<!tpu.dma_semaphore, #tpu.memory_space<semaphore_mem>>)
    %dma_wait3A_633 = tpu.memref_slice %arg4[%multiple_of3A_155] : memref<2000000xi32, #tpu.memory_space<hbm>> -> memref<4096xi32, #tpu.memory_space<hbm>>
    %dma_wait3A_634 = tpu.memref_slice %arg4[%multiple_of3A_155] : memref<2000000xi32, #tpu.memory_space<hbm>> -> memref<4096xi32, #tpu.memory_space<hbm>>
    tpu.wait_dma2 semaphore(%arg22 : memref<!tpu.dma_semaphore, #tpu.memory_space<semaphore_mem>>) src(%arg14 : memref<4096xi32, #tpu.memory_space<vmem>>) dst(%dma_wait3A_634 : memref<4096xi32, #tpu.memory_space<hbm>>)
    %dma_wait3A_635 = arith.constant 0 : i32
    %dma_wait3A_636 = tpu.memref_slice %arg17[%dma_wait3A_635] : memref<1048576xi32, #tpu.memory_space<vmem_shared>> -> memref<1048576xi32, #tpu.memory_space<vmem_shared>>
    tpu.wait_indirect_dma semaphore(%arg24 : memref<!tpu.dma_semaphore, #tpu.memory_space<semaphore_mem>>) src(%arg16 : memref<4096xi32, #tpu.memory_space<vmem>>) dst(%dma_wait3A_636 : memref<1048576xi32, #tpu.memory_space<vmem_shared>>)
    %dma_start3A_637 = arith.constant 0 : i32
    %dma_start3A_638 = tpu.memref_slice %arg3[%dma_start3A_637] : memref<4173281xi32, #tpu.memory_space<hbm>> -> memref<4173281xi32, #tpu.memory_space<hbm>>
    tpu.enqueue_indirect_dma source(%dma_start3A_638 : memref<4173281xi32, #tpu.memory_space<hbm>>) target(%arg14 : memref<4096xi32, #tpu.memory_space<vmem>>) offsets(%arg12 : memref<4096xi32, #tpu.memory_space<vmem>>) semaphore(%arg20 : memref<!tpu.dma_semaphore, #tpu.memory_space<semaphore_mem>>)
    %dma_start3A_639 = tpu.memref_slice %arg2[%multiple_of3A_167] : memref<6000000xi32, #tpu.memory_space<hbm>> -> memref<4096xi32, #tpu.memory_space<hbm>>
    %dma_start3A_640 = tpu.memref_slice %arg2[%multiple_of3A_167] : memref<6000000xi32, #tpu.memory_space<hbm>> -> memref<4096xi32, #tpu.memory_space<hbm>>
    tpu.enqueue_dma source(%dma_start3A_640 : memref<4096xi32, #tpu.memory_space<hbm>>) target(%arg6 : memref<4096xi32, #tpu.memory_space<vmem>>) target_semaphore(%arg18 : memref<!tpu.dma_semaphore, #tpu.memory_space<semaphore_mem>>)
    %add3A_641 = arith.constant 2000000 : i32
    %add3A_642 = arith.addi %multiple_of3A_167, %add3A_641 : i32
    %dma_start3A_643 = tpu.memref_slice %arg2[%add3A_642] : memref<6000000xi32, #tpu.memory_space<hbm>> -> memref<4096xi32, #tpu.memory_space<hbm>>
    %dma_start3A_644 = tpu.memref_slice %arg2[%add3A_642] : memref<6000000xi32, #tpu.memory_space<hbm>> -> memref<4096xi32, #tpu.memory_space<hbm>>
    tpu.enqueue_dma source(%dma_start3A_644 : memref<4096xi32, #tpu.memory_space<hbm>>) target(%arg8 : memref<4096xi32, #tpu.memory_space<vmem>>) target_semaphore(%arg18 : memref<!tpu.dma_semaphore, #tpu.memory_space<semaphore_mem>>)
    %add3A_645 = arith.constant 4000000 : i32
    %add3A_646 = arith.addi %multiple_of3A_167, %add3A_645 : i32
    %dma_start3A_647 = tpu.memref_slice %arg2[%add3A_646] : memref<6000000xi32, #tpu.memory_space<hbm>> -> memref<4096xi32, #tpu.memory_space<hbm>>
    %dma_start3A_648 = tpu.memref_slice %arg2[%add3A_646] : memref<6000000xi32, #tpu.memory_space<hbm>> -> memref<4096xi32, #tpu.memory_space<hbm>>
    tpu.enqueue_dma source(%dma_start3A_648 : memref<4096xi32, #tpu.memory_space<hbm>>) target(%arg10 : memref<4096xi32, #tpu.memory_space<vmem>>) target_semaphore(%arg18 : memref<!tpu.dma_semaphore, #tpu.memory_space<semaphore_mem>>)
    %dma_wait3A_649 = tpu.memref_slice %arg2[%multiple_of3A_164] : memref<6000000xi32, #tpu.memory_space<hbm>> -> memref<4096xi32, #tpu.memory_space<hbm>>
    %dma_wait3A_650 = tpu.memref_slice %arg2[%multiple_of3A_164] : memref<6000000xi32, #tpu.memory_space<hbm>> -> memref<4096xi32, #tpu.memory_space<hbm>>
    tpu.wait_dma2 semaphore(%arg19 : memref<!tpu.dma_semaphore, #tpu.memory_space<semaphore_mem>>) src(%dma_wait3A_650 : memref<4096xi32, #tpu.memory_space<hbm>>) dst(%arg7 : memref<4096xi32, #tpu.memory_space<vmem>>)
    %dma_wait3A_651 = tpu.memref_slice %arg2[%add3A_608] : memref<6000000xi32, #tpu.memory_space<hbm>> -> memref<4096xi32, #tpu.memory_space<hbm>>
    %dma_wait3A_652 = tpu.memref_slice %arg2[%add3A_608] : memref<6000000xi32, #tpu.memory_space<hbm>> -> memref<4096xi32, #tpu.memory_space<hbm>>
    tpu.wait_dma2 semaphore(%arg19 : memref<!tpu.dma_semaphore, #tpu.memory_space<semaphore_mem>>) src(%dma_wait3A_652 : memref<4096xi32, #tpu.memory_space<hbm>>) dst(%arg9 : memref<4096xi32, #tpu.memory_space<vmem>>)
    %dma_wait3A_653 = tpu.memref_slice %arg2[%add3A_612] : memref<6000000xi32, #tpu.memory_space<hbm>> -> memref<4096xi32, #tpu.memory_space<hbm>>
    %dma_wait3A_654 = tpu.memref_slice %arg2[%add3A_612] : memref<6000000xi32, #tpu.memory_space<hbm>> -> memref<4096xi32, #tpu.memory_space<hbm>>
    tpu.wait_dma2 semaphore(%arg19 : memref<!tpu.dma_semaphore, #tpu.memory_space<semaphore_mem>>) src(%dma_wait3A_654 : memref<4096xi32, #tpu.memory_space<hbm>>) dst(%arg11 : memref<4096xi32, #tpu.memory_space<vmem>>)
    %scan3A_655 = arith.constant 0 : i32
    %scan3A_656 = arith.constant 0 : i32
    %scan3A_657 = arith.constant 256 : i32
    %scan3A_658 = arith.addi %scan3A_656, %scan3A_657 : i32
    %scan3A_659 = arith.constant 1 : i32
    scf.for %scan3A_749 = %scan3A_656 to %scan3A_658 step %scan3A_659  : i32 {
      %mul3A_750 = arith.constant 16 : i32
      %mul3A_751 = arith.muli %scan3A_749, %mul3A_750 : i32
      %get3A = arith.index_cast %mul3A_751 : i32 to index
      %get3A_752 = tpu.vector_load %arg7[%get3A] {strides = array<i32>} : memref<4096xi32, #tpu.memory_space<vmem>>, vector<16xi32>,
      %get3A_753 = vector.shape_cast %get3A_752 : vector<16xi32> to vector<16xi32>
      %mul3A_754 = arith.constant 25921 : i32
      %mul3A_755 = vector.broadcast %mul3A_754 : i32 to vector<16xi32>
      %mul3A_756 = arith.muli %get3A_753, %mul3A_755 : vector<16xi32>
      %get3A_757 = arith.index_cast %mul3A_751 : i32 to index
      %get3A_758 = tpu.vector_load %arg9[%get3A_757] {strides = array<i32>} : memref<4096xi32, #tpu.memory_space<vmem>>, vector<16xi32>,
      %get3A_759 = vector.shape_cast %get3A_758 : vector<16xi32> to vector<16xi32>
      %mul3A_760 = arith.constant 161 : i32
      %mul3A_761 = vector.broadcast %mul3A_760 : i32 to vector<16xi32>
      %mul3A_762 = arith.muli %get3A_759, %mul3A_761 : vector<16xi32>
      %add3A_763 = arith.addi %mul3A_756, %mul3A_762 : vector<16xi32>
      %get3A_764 = arith.index_cast %mul3A_751 : i32 to index
      %get3A_765 = tpu.vector_load %arg11[%get3A_764] {strides = array<i32>} : memref<4096xi32, #tpu.memory_space<vmem>>, vector<16xi32>,
      %get3A_766 = vector.shape_cast %get3A_765 : vector<16xi32> to vector<16xi32>
      %add3A_767 = arith.addi %add3A_763, %get3A_766 : vector<16xi32>
      %swap3A = arith.index_cast %mul3A_751 : i32 to index
      %swap3A_768 = tpu.vector_load %arg13[%swap3A] {strides = array<i32>} : memref<4096xi32, #tpu.memory_space<vmem>>, vector<16xi32>,
      %swap3A_769 = vector.shape_cast %swap3A_768 : vector<16xi32> to vector<16xi32>
      %swap3A_770 = vector.shape_cast %add3A_767 : vector<16xi32> to vector<16xi32>
      tpu.vector_store %arg13[%swap3A], %swap3A_770 {strides = array<i32>} : memref<4096xi32, #tpu.memory_space<vmem>>, vector<16xi32>,
    }
    %scan3A_660 = arith.constant 256 : i32
    %dma_wait3A_661 = arith.constant 0 : i32
    %dma_wait3A_662 = tpu.memref_slice %arg3[%dma_wait3A_661] : memref<4173281xi32, #tpu.memory_space<hbm>> -> memref<4173281xi32, #tpu.memory_space<hbm>>
    tpu.wait_indirect_dma semaphore(%arg20 : memref<!tpu.dma_semaphore, #tpu.memory_space<semaphore_mem>>) src(%dma_wait3A_662 : memref<4173281xi32, #tpu.memory_space<hbm>>) dst(%arg14 : memref<4096xi32, #tpu.memory_space<vmem>>)
    %dma_start3A_663 = tpu.memref_slice %arg4[%multiple_of3A_161] : memref<2000000xi32, #tpu.memory_space<hbm>> -> memref<4096xi32, #tpu.memory_space<hbm>>
    %dma_start3A_664 = tpu.memref_slice %arg4[%multiple_of3A_161] : memref<2000000xi32, #tpu.memory_space<hbm>> -> memref<4096xi32, #tpu.memory_space<hbm>>
    tpu.enqueue_dma source(%arg14 : memref<4096xi32, #tpu.memory_space<vmem>>) target(%dma_start3A_664 : memref<4096xi32, #tpu.memory_space<hbm>>) target_semaphore(%arg22 : memref<!tpu.dma_semaphore, #tpu.memory_space<semaphore_mem>>)
    %dma_start3A_665 = arith.constant 0 : i32
    %dma_start3A_666 = tpu.memref_slice %arg17[%dma_start3A_665] : memref<1048576xi32, #tpu.memory_space<vmem_shared>> -> memref<1048576xi32, #tpu.memory_space<vmem_shared>>
    tpu.enqueue_indirect_dma source(%arg16 : memref<4096xi32, #tpu.memory_space<vmem>>) target(%dma_start3A_666 : memref<1048576xi32, #tpu.memory_space<vmem_shared>>) offsets(%arg14 : memref<4096xi32, #tpu.memory_space<vmem>>) semaphore(%arg24 : memref<!tpu.dma_semaphore, #tpu.memory_space<semaphore_mem>>)
    %dma_wait3A_667 = tpu.memref_slice %arg4[%multiple_of3A_158] : memref<2000000xi32, #tpu.memory_space<hbm>> -> memref<4096xi32, #tpu.memory_space<hbm>>
    %dma_wait3A_668 = tpu.memref_slice %arg4[%multiple_of3A_158] : memref<2000000xi32, #tpu.memory_space<hbm>> -> memref<4096xi32, #tpu.memory_space<hbm>>
    tpu.wait_dma2 semaphore(%arg23 : memref<!tpu.dma_semaphore, #tpu.memory_space<semaphore_mem>>) src(%arg15 : memref<4096xi32, #tpu.memory_space<vmem>>) dst(%dma_wait3A_668 : memref<4096xi32, #tpu.memory_space<hbm>>)
    %dma_wait3A_669 = arith.constant 0 : i32
    %dma_wait3A_670 = tpu.memref_slice %arg17[%dma_wait3A_669] : memref<1048576xi32, #tpu.memory_space<vmem_shared>> -> memref<1048576xi32, #tpu.memory_space<vmem_shared>>
    tpu.wait_indirect_dma semaphore(%arg25 : memref<!tpu.dma_semaphore, #tpu.memory_space<semaphore_mem>>) src(%arg16 : memref<4096xi32, #tpu.memory_space<vmem>>) dst(%dma_wait3A_670 : memref<1048576xi32, #tpu.memory_space<vmem_shared>>)
    %dma_start3A_671 = arith.constant 0 : i32
    %dma_start3A_672 = tpu.memref_slice %arg3[%dma_start3A_671] : memref<4173281xi32, #tpu.memory_space<hbm>> -> memref<4173281xi32, #tpu.memory_space<hbm>>
    tpu.enqueue_indirect_dma source(%dma_start3A_672 : memref<4173281xi32, #tpu.memory_space<hbm>>) target(%arg15 : memref<4096xi32, #tpu.memory_space<vmem>>) offsets(%arg13 : memref<4096xi32, #tpu.memory_space<vmem>>) semaphore(%arg21 : memref<!tpu.dma_semaphore, #tpu.memory_space<semaphore_mem>>)
    %dma_start3A_673 = tpu.memref_slice %arg2[%multiple_of3A_169] : memref<6000000xi32, #tpu.memory_space<hbm>> -> memref<4096xi32, #tpu.memory_space<hbm>>
    %dma_start3A_674 = tpu.memref_slice %arg2[%multiple_of3A_169] : memref<6000000xi32, #tpu.memory_space<hbm>> -> memref<4096xi32, #tpu.memory_space<hbm>>
    tpu.enqueue_dma source(%dma_start3A_674 : memref<4096xi32, #tpu.memory_space<hbm>>) target(%arg7 : memref<4096xi32, #tpu.memory_space<vmem>>) target_semaphore(%arg19 : memref<!tpu.dma_semaphore, #tpu.memory_space<semaphore_mem>>)
    %add3A_675 = arith.constant 2000000 : i32
    %add3A_676 = arith.addi %multiple_of3A_169, %add3A_675 : i32
    %dma_start3A_677 = tpu.memref_slice %arg2[%add3A_676] : memref<6000000xi32, #tpu.memory_space<hbm>> -> memref<4096xi32, #tpu.memory_space<hbm>>
    %dma_start3A_678 = tpu.memref_slice %arg2[%add3A_676] : memref<6000000xi32, #tpu.memory_space<hbm>> -> memref<4096xi32, #tpu.memory_space<hbm>>
    tpu.enqueue_dma source(%dma_start3A_678 : memref<4096xi32, #tpu.memory_space<hbm>>) target(%arg9 : memref<4096xi32, #tpu.memory_space<vmem>>) target_semaphore(%arg19 : memref<!tpu.dma_semaphore, #tpu.memory_space<semaphore_mem>>)
    %add3A_679 = arith.constant 4000000 : i32
    %add3A_680 = arith.addi %multiple_of3A_169, %add3A_679 : i32
    %dma_start3A_681 = tpu.memref_slice %arg2[%add3A_680] : memref<6000000xi32, #tpu.memory_space<hbm>> -> memref<4096xi32, #tpu.memory_space<hbm>>
    %dma_start3A_682 = tpu.memref_slice %arg2[%add3A_680] : memref<6000000xi32, #tpu.memory_space<hbm>> -> memref<4096xi32, #tpu.memory_space<hbm>>
    tpu.enqueue_dma source(%dma_start3A_682 : memref<4096xi32, #tpu.memory_space<hbm>>) target(%arg11 : memref<4096xi32, #tpu.memory_space<vmem>>) target_semaphore(%arg19 : memref<!tpu.dma_semaphore, #tpu.memory_space<semaphore_mem>>)
    %dma_wait3A_683 = tpu.memref_slice %arg2[%multiple_of3A_167] : memref<6000000xi32, #tpu.memory_space<hbm>> -> memref<4096xi32, #tpu.memory_space<hbm>>
    %dma_wait3A_684 = tpu.memref_slice %arg2[%multiple_of3A_167] : memref<6000000xi32, #tpu.memory_space<hbm>> -> memref<4096xi32, #tpu.memory_space<hbm>>
    tpu.wait_dma2 semaphore(%arg18 : memref<!tpu.dma_semaphore, #tpu.memory_space<semaphore_mem>>) src(%dma_wait3A_684 : memref<4096xi32, #tpu.memory_space<hbm>>) dst(%arg6 : memref<4096xi32, #tpu.memory_space<vmem>>)
    %dma_wait3A_685 = tpu.memref_slice %arg2[%add3A_642] : memref<6000000xi32, #tpu.memory_space<hbm>> -> memref<4096xi32, #tpu.memory_space<hbm>>
    %dma_wait3A_686 = tpu.memref_slice %arg2[%add3A_642] : memref<6000000xi32, #tpu.memory_space<hbm>> -> memref<4096xi32, #tpu.memory_space<hbm>>
    tpu.wait_dma2 semaphore(%arg18 : memref<!tpu.dma_semaphore, #tpu.memory_space<semaphore_mem>>) src(%dma_wait3A_686 : memref<4096xi32, #tpu.memory_space<hbm>>) dst(%arg8 : memref<4096xi32, #tpu.memory_space<vmem>>)
    %dma_wait3A_687 = tpu.memref_slice %arg2[%add3A_646] : memref<6000000xi32, #tpu.memory_space<hbm>> -> memref<4096xi32, #tpu.memory_space<hbm>>
    %dma_wait3A_688 = tpu.memref_slice %arg2[%add3A_646] : memref<6000000xi32, #tpu.memory_space<hbm>> -> memref<4096xi32, #tpu.memory_space<hbm>>
    tpu.wait_dma2 semaphore(%arg18 : memref<!tpu.dma_semaphore, #tpu.memory_space<semaphore_mem>>) src(%dma_wait3A_688 : memref<4096xi32, #tpu.memory_space<hbm>>) dst(%arg10 : memref<4096xi32, #tpu.memory_space<vmem>>)
    %scan3A_689 = arith.constant 0 : i32
    %scan3A_690 = arith.constant 0 : i32
    %scan3A_691 = arith.constant 256 : i32
    %scan3A_692 = arith.addi %scan3A_690, %scan3A_691 : i32
    %scan3A_693 = arith.constant 1 : i32
    scf.for %scan3A_749 = %scan3A_690 to %scan3A_692 step %scan3A_693  : i32 {
      %mul3A_750 = arith.constant 16 : i32
      %mul3A_751 = arith.muli %scan3A_749, %mul3A_750 : i32
      %get3A = arith.index_cast %mul3A_751 : i32 to index
      %get3A_752 = tpu.vector_load %arg6[%get3A] {strides = array<i32>} : memref<4096xi32, #tpu.memory_space<vmem>>, vector<16xi32>,
      %get3A_753 = vector.shape_cast %get3A_752 : vector<16xi32> to vector<16xi32>
      %mul3A_754 = arith.constant 25921 : i32
      %mul3A_755 = vector.broadcast %mul3A_754 : i32 to vector<16xi32>
      %mul3A_756 = arith.muli %get3A_753, %mul3A_755 : vector<16xi32>
      %get3A_757 = arith.index_cast %mul3A_751 : i32 to index
      %get3A_758 = tpu.vector_load %arg8[%get3A_757] {strides = array<i32>} : memref<4096xi32, #tpu.memory_space<vmem>>, vector<16xi32>,
      %get3A_759 = vector.shape_cast %get3A_758 : vector<16xi32> to vector<16xi32>
      %mul3A_760 = arith.constant 161 : i32
      %mul3A_761 = vector.broadcast %mul3A_760 : i32 to vector<16xi32>
      %mul3A_762 = arith.muli %get3A_759, %mul3A_761 : vector<16xi32>
      %add3A_763 = arith.addi %mul3A_756, %mul3A_762 : vector<16xi32>
      %get3A_764 = arith.index_cast %mul3A_751 : i32 to index
      %get3A_765 = tpu.vector_load %arg10[%get3A_764] {strides = array<i32>} : memref<4096xi32, #tpu.memory_space<vmem>>, vector<16xi32>,
      %get3A_766 = vector.shape_cast %get3A_765 : vector<16xi32> to vector<16xi32>
      %add3A_767 = arith.addi %add3A_763, %get3A_766 : vector<16xi32>
      %swap3A = arith.index_cast %mul3A_751 : i32 to index
      %swap3A_768 = tpu.vector_load %arg12[%swap3A] {strides = array<i32>} : memref<4096xi32, #tpu.memory_space<vmem>>, vector<16xi32>,
      %swap3A_769 = vector.shape_cast %swap3A_768 : vector<16xi32> to vector<16xi32>
      %swap3A_770 = vector.shape_cast %add3A_767 : vector<16xi32> to vector<16xi32>
      tpu.vector_store %arg12[%swap3A], %swap3A_770 {strides = array<i32>} : memref<4096xi32, #tpu.memory_space<vmem>>, vector<16xi32>,
    }
    %scan3A_694 = arith.constant 256 : i32
    %dma_wait3A_695 = arith.constant 0 : i32
    %dma_wait3A_696 = tpu.memref_slice %arg3[%dma_wait3A_695] : memref<4173281xi32, #tpu.memory_space<hbm>> -> memref<4173281xi32, #tpu.memory_space<hbm>>
    tpu.wait_indirect_dma semaphore(%arg21 : memref<!tpu.dma_semaphore, #tpu.memory_space<semaphore_mem>>) src(%dma_wait3A_696 : memref<4173281xi32, #tpu.memory_space<hbm>>) dst(%arg15 : memref<4096xi32, #tpu.memory_space<vmem>>)
    %dma_start3A_697 = tpu.memref_slice %arg4[%multiple_of3A_164] : memref<2000000xi32, #tpu.memory_space<hbm>> -> memref<4096xi32, #tpu.memory_space<hbm>>
    %dma_start3A_698 = tpu.memref_slice %arg4[%multiple_of3A_164] : memref<2000000xi32, #tpu.memory_space<hbm>> -> memref<4096xi32, #tpu.memory_space<hbm>>
    tpu.enqueue_dma source(%arg15 : memref<4096xi32, #tpu.memory_space<vmem>>) target(%dma_start3A_698 : memref<4096xi32, #tpu.memory_space<hbm>>) target_semaphore(%arg23 : memref<!tpu.dma_semaphore, #tpu.memory_space<semaphore_mem>>)
    %dma_start3A_699 = arith.constant 0 : i32
    %dma_start3A_700 = tpu.memref_slice %arg17[%dma_start3A_699] : memref<1048576xi32, #tpu.memory_space<vmem_shared>> -> memref<1048576xi32, #tpu.memory_space<vmem_shared>>
    tpu.enqueue_indirect_dma source(%arg16 : memref<4096xi32, #tpu.memory_space<vmem>>) target(%dma_start3A_700 : memref<1048576xi32, #tpu.memory_space<vmem_shared>>) offsets(%arg15 : memref<4096xi32, #tpu.memory_space<vmem>>) semaphore(%arg25 : memref<!tpu.dma_semaphore, #tpu.memory_space<semaphore_mem>>)
    %dma_wait3A_701 = tpu.memref_slice %arg4[%multiple_of3A_161] : memref<2000000xi32, #tpu.memory_space<hbm>> -> memref<4096xi32, #tpu.memory_space<hbm>>
    %dma_wait3A_702 = tpu.memref_slice %arg4[%multiple_of3A_161] : memref<2000000xi32, #tpu.memory_space<hbm>> -> memref<4096xi32, #tpu.memory_space<hbm>>
    tpu.wait_dma2 semaphore(%arg22 : memref<!tpu.dma_semaphore, #tpu.memory_space<semaphore_mem>>) src(%arg14 : memref<4096xi32, #tpu.memory_space<vmem>>) dst(%dma_wait3A_702 : memref<4096xi32, #tpu.memory_space<hbm>>)
    %dma_wait3A_703 = arith.constant 0 : i32
    %dma_wait3A_704 = tpu.memref_slice %arg17[%dma_wait3A_703] : memref<1048576xi32, #tpu.memory_space<vmem_shared>> -> memref<1048576xi32, #tpu.memory_space<vmem_shared>>
    tpu.wait_indirect_dma semaphore(%arg24 : memref<!tpu.dma_semaphore, #tpu.memory_space<semaphore_mem>>) src(%arg16 : memref<4096xi32, #tpu.memory_space<vmem>>) dst(%dma_wait3A_704 : memref<1048576xi32, #tpu.memory_space<vmem_shared>>)
    %dma_start3A_705 = arith.constant 0 : i32
    %dma_start3A_706 = tpu.memref_slice %arg3[%dma_start3A_705] : memref<4173281xi32, #tpu.memory_space<hbm>> -> memref<4173281xi32, #tpu.memory_space<hbm>>
    tpu.enqueue_indirect_dma source(%dma_start3A_706 : memref<4173281xi32, #tpu.memory_space<hbm>>) target(%arg14 : memref<4096xi32, #tpu.memory_space<vmem>>) offsets(%arg12 : memref<4096xi32, #tpu.memory_space<vmem>>) semaphore(%arg20 : memref<!tpu.dma_semaphore, #tpu.memory_space<semaphore_mem>>)
    %dma_wait3A_707 = tpu.memref_slice %arg2[%multiple_of3A_169] : memref<6000000xi32, #tpu.memory_space<hbm>> -> memref<4096xi32, #tpu.memory_space<hbm>>
    %dma_wait3A_708 = tpu.memref_slice %arg2[%multiple_of3A_169] : memref<6000000xi32, #tpu.memory_space<hbm>> -> memref<4096xi32, #tpu.memory_space<hbm>>
    tpu.wait_dma2 semaphore(%arg19 : memref<!tpu.dma_semaphore, #tpu.memory_space<semaphore_mem>>) src(%dma_wait3A_708 : memref<4096xi32, #tpu.memory_space<hbm>>) dst(%arg7 : memref<4096xi32, #tpu.memory_space<vmem>>)
    %dma_wait3A_709 = tpu.memref_slice %arg2[%add3A_676] : memref<6000000xi32, #tpu.memory_space<hbm>> -> memref<4096xi32, #tpu.memory_space<hbm>>
    %dma_wait3A_710 = tpu.memref_slice %arg2[%add3A_676] : memref<6000000xi32, #tpu.memory_space<hbm>> -> memref<4096xi32, #tpu.memory_space<hbm>>
    tpu.wait_dma2 semaphore(%arg19 : memref<!tpu.dma_semaphore, #tpu.memory_space<semaphore_mem>>) src(%dma_wait3A_710 : memref<4096xi32, #tpu.memory_space<hbm>>) dst(%arg9 : memref<4096xi32, #tpu.memory_space<vmem>>)
    %dma_wait3A_711 = tpu.memref_slice %arg2[%add3A_680] : memref<6000000xi32, #tpu.memory_space<hbm>> -> memref<4096xi32, #tpu.memory_space<hbm>>
    %dma_wait3A_712 = tpu.memref_slice %arg2[%add3A_680] : memref<6000000xi32, #tpu.memory_space<hbm>> -> memref<4096xi32, #tpu.memory_space<hbm>>
    tpu.wait_dma2 semaphore(%arg19 : memref<!tpu.dma_semaphore, #tpu.memory_space<semaphore_mem>>) src(%dma_wait3A_712 : memref<4096xi32, #tpu.memory_space<hbm>>) dst(%arg11 : memref<4096xi32, #tpu.memory_space<vmem>>)
    %scan3A_713 = arith.constant 0 : i32
    %scan3A_714 = arith.constant 0 : i32
    %scan3A_715 = arith.constant 256 : i32
    %scan3A_716 = arith.addi %scan3A_714, %scan3A_715 : i32
    %scan3A_717 = arith.constant 1 : i32
    scf.for %scan3A_749 = %scan3A_714 to %scan3A_716 step %scan3A_717  : i32 {
      %mul3A_750 = arith.constant 16 : i32
      %mul3A_751 = arith.muli %scan3A_749, %mul3A_750 : i32
      %get3A = arith.index_cast %mul3A_751 : i32 to index
      %get3A_752 = tpu.vector_load %arg7[%get3A] {strides = array<i32>} : memref<4096xi32, #tpu.memory_space<vmem>>, vector<16xi32>,
      %get3A_753 = vector.shape_cast %get3A_752 : vector<16xi32> to vector<16xi32>
      %mul3A_754 = arith.constant 25921 : i32
      %mul3A_755 = vector.broadcast %mul3A_754 : i32 to vector<16xi32>
      %mul3A_756 = arith.muli %get3A_753, %mul3A_755 : vector<16xi32>
      %get3A_757 = arith.index_cast %mul3A_751 : i32 to index
      %get3A_758 = tpu.vector_load %arg9[%get3A_757] {strides = array<i32>} : memref<4096xi32, #tpu.memory_space<vmem>>, vector<16xi32>,
      %get3A_759 = vector.shape_cast %get3A_758 : vector<16xi32> to vector<16xi32>
      %mul3A_760 = arith.constant 161 : i32
      %mul3A_761 = vector.broadcast %mul3A_760 : i32 to vector<16xi32>
      %mul3A_762 = arith.muli %get3A_759, %mul3A_761 : vector<16xi32>
      %add3A_763 = arith.addi %mul3A_756, %mul3A_762 : vector<16xi32>
      %get3A_764 = arith.index_cast %mul3A_751 : i32 to index
      %get3A_765 = tpu.vector_load %arg11[%get3A_764] {strides = array<i32>} : memref<4096xi32, #tpu.memory_space<vmem>>, vector<16xi32>,
      %get3A_766 = vector.shape_cast %get3A_765 : vector<16xi32> to vector<16xi32>
      %add3A_767 = arith.addi %add3A_763, %get3A_766 : vector<16xi32>
      %swap3A = arith.index_cast %mul3A_751 : i32 to index
      %swap3A_768 = tpu.vector_load %arg13[%swap3A] {strides = array<i32>} : memref<4096xi32, #tpu.memory_space<vmem>>, vector<16xi32>,
      %swap3A_769 = vector.shape_cast %swap3A_768 : vector<16xi32> to vector<16xi32>
      %swap3A_770 = vector.shape_cast %add3A_767 : vector<16xi32> to vector<16xi32>
      tpu.vector_store %arg13[%swap3A], %swap3A_770 {strides = array<i32>} : memref<4096xi32, #tpu.memory_space<vmem>>, vector<16xi32>,
    }
    %scan3A_718 = arith.constant 256 : i32
    %dma_wait3A_719 = arith.constant 0 : i32
    %dma_wait3A_720 = tpu.memref_slice %arg3[%dma_wait3A_719] : memref<4173281xi32, #tpu.memory_space<hbm>> -> memref<4173281xi32, #tpu.memory_space<hbm>>
    tpu.wait_indirect_dma semaphore(%arg20 : memref<!tpu.dma_semaphore, #tpu.memory_space<semaphore_mem>>) src(%dma_wait3A_720 : memref<4173281xi32, #tpu.memory_space<hbm>>) dst(%arg14 : memref<4096xi32, #tpu.memory_space<vmem>>)
    %dma_start3A_721 = tpu.memref_slice %arg4[%multiple_of3A_167] : memref<2000000xi32, #tpu.memory_space<hbm>> -> memref<4096xi32, #tpu.memory_space<hbm>>
    %dma_start3A_722 = tpu.memref_slice %arg4[%multiple_of3A_167] : memref<2000000xi32, #tpu.memory_space<hbm>> -> memref<4096xi32, #tpu.memory_space<hbm>>
    tpu.enqueue_dma source(%arg14 : memref<4096xi32, #tpu.memory_space<vmem>>) target(%dma_start3A_722 : memref<4096xi32, #tpu.memory_space<hbm>>) target_semaphore(%arg22 : memref<!tpu.dma_semaphore, #tpu.memory_space<semaphore_mem>>)
    %dma_start3A_723 = arith.constant 0 : i32
    %dma_start3A_724 = tpu.memref_slice %arg17[%dma_start3A_723] : memref<1048576xi32, #tpu.memory_space<vmem_shared>> -> memref<1048576xi32, #tpu.memory_space<vmem_shared>>
    tpu.enqueue_indirect_dma source(%arg16 : memref<4096xi32, #tpu.memory_space<vmem>>) target(%dma_start3A_724 : memref<1048576xi32, #tpu.memory_space<vmem_shared>>) offsets(%arg14 : memref<4096xi32, #tpu.memory_space<vmem>>) semaphore(%arg24 : memref<!tpu.dma_semaphore, #tpu.memory_space<semaphore_mem>>)
    %dma_wait3A_725 = tpu.memref_slice %arg4[%multiple_of3A_164] : memref<2000000xi32, #tpu.memory_space<hbm>> -> memref<4096xi32, #tpu.memory_space<hbm>>
    %dma_wait3A_726 = tpu.memref_slice %arg4[%multiple_of3A_164] : memref<2000000xi32, #tpu.memory_space<hbm>> -> memref<4096xi32, #tpu.memory_space<hbm>>
    tpu.wait_dma2 semaphore(%arg23 : memref<!tpu.dma_semaphore, #tpu.memory_space<semaphore_mem>>) src(%arg15 : memref<4096xi32, #tpu.memory_space<vmem>>) dst(%dma_wait3A_726 : memref<4096xi32, #tpu.memory_space<hbm>>)
    %dma_wait3A_727 = arith.constant 0 : i32
    %dma_wait3A_728 = tpu.memref_slice %arg17[%dma_wait3A_727] : memref<1048576xi32, #tpu.memory_space<vmem_shared>> -> memref<1048576xi32, #tpu.memory_space<vmem_shared>>
    tpu.wait_indirect_dma semaphore(%arg25 : memref<!tpu.dma_semaphore, #tpu.memory_space<semaphore_mem>>) src(%arg16 : memref<4096xi32, #tpu.memory_space<vmem>>) dst(%dma_wait3A_728 : memref<1048576xi32, #tpu.memory_space<vmem_shared>>)
    %dma_start3A_729 = arith.constant 0 : i32
    %dma_start3A_730 = tpu.memref_slice %arg3[%dma_start3A_729] : memref<4173281xi32, #tpu.memory_space<hbm>> -> memref<4173281xi32, #tpu.memory_space<hbm>>
    tpu.enqueue_indirect_dma source(%dma_start3A_730 : memref<4173281xi32, #tpu.memory_space<hbm>>) target(%arg15 : memref<4096xi32, #tpu.memory_space<vmem>>) offsets(%arg13 : memref<4096xi32, #tpu.memory_space<vmem>>) semaphore(%arg21 : memref<!tpu.dma_semaphore, #tpu.memory_space<semaphore_mem>>)
    %dma_wait3A_731 = arith.constant 0 : i32
    %dma_wait3A_732 = tpu.memref_slice %arg3[%dma_wait3A_731] : memref<4173281xi32, #tpu.memory_space<hbm>> -> memref<4173281xi32, #tpu.memory_space<hbm>>
    tpu.wait_indirect_dma semaphore(%arg21 : memref<!tpu.dma_semaphore, #tpu.memory_space<semaphore_mem>>) src(%dma_wait3A_732 : memref<4173281xi32, #tpu.memory_space<hbm>>) dst(%arg15 : memref<4096xi32, #tpu.memory_space<vmem>>)
    %dma_start3A_733 = tpu.memref_slice %arg4[%multiple_of3A_169] : memref<2000000xi32, #tpu.memory_space<hbm>> -> memref<4096xi32, #tpu.memory_space<hbm>>
    %dma_start3A_734 = tpu.memref_slice %arg4[%multiple_of3A_169] : memref<2000000xi32, #tpu.memory_space<hbm>> -> memref<4096xi32, #tpu.memory_space<hbm>>
    tpu.enqueue_dma source(%arg15 : memref<4096xi32, #tpu.memory_space<vmem>>) target(%dma_start3A_734 : memref<4096xi32, #tpu.memory_space<hbm>>) target_semaphore(%arg23 : memref<!tpu.dma_semaphore, #tpu.memory_space<semaphore_mem>>)
    %dma_start3A_735 = arith.constant 0 : i32
    %dma_start3A_736 = tpu.memref_slice %arg17[%dma_start3A_735] : memref<1048576xi32, #tpu.memory_space<vmem_shared>> -> memref<1048576xi32, #tpu.memory_space<vmem_shared>>
    tpu.enqueue_indirect_dma source(%arg16 : memref<4096xi32, #tpu.memory_space<vmem>>) target(%dma_start3A_736 : memref<1048576xi32, #tpu.memory_space<vmem_shared>>) offsets(%arg15 : memref<4096xi32, #tpu.memory_space<vmem>>) semaphore(%arg25 : memref<!tpu.dma_semaphore, #tpu.memory_space<semaphore_mem>>)
    %dma_wait3A_737 = tpu.memref_slice %arg4[%multiple_of3A_167] : memref<2000000xi32, #tpu.memory_space<hbm>> -> memref<4096xi32, #tpu.memory_space<hbm>>
    %dma_wait3A_738 = tpu.memref_slice %arg4[%multiple_of3A_167] : memref<2000000xi32, #tpu.memory_space<hbm>> -> memref<4096xi32, #tpu.memory_space<hbm>>
    tpu.wait_dma2 semaphore(%arg22 : memref<!tpu.dma_semaphore, #tpu.memory_space<semaphore_mem>>) src(%arg14 : memref<4096xi32, #tpu.memory_space<vmem>>) dst(%dma_wait3A_738 : memref<4096xi32, #tpu.memory_space<hbm>>)
    %dma_wait3A_739 = arith.constant 0 : i32
    %dma_wait3A_740 = tpu.memref_slice %arg17[%dma_wait3A_739] : memref<1048576xi32, #tpu.memory_space<vmem_shared>> -> memref<1048576xi32, #tpu.memory_space<vmem_shared>>
    tpu.wait_indirect_dma semaphore(%arg24 : memref<!tpu.dma_semaphore, #tpu.memory_space<semaphore_mem>>) src(%arg16 : memref<4096xi32, #tpu.memory_space<vmem>>) dst(%dma_wait3A_740 : memref<1048576xi32, #tpu.memory_space<vmem_shared>>)
    %dma_wait3A_741 = tpu.memref_slice %arg4[%multiple_of3A_169] : memref<2000000xi32, #tpu.memory_space<hbm>> -> memref<4096xi32, #tpu.memory_space<hbm>>
    %dma_wait3A_742 = tpu.memref_slice %arg4[%multiple_of3A_169] : memref<2000000xi32, #tpu.memory_space<hbm>> -> memref<4096xi32, #tpu.memory_space<hbm>>
    tpu.wait_dma2 semaphore(%arg23 : memref<!tpu.dma_semaphore, #tpu.memory_space<semaphore_mem>>) src(%arg15 : memref<4096xi32, #tpu.memory_space<vmem>>) dst(%dma_wait3A_742 : memref<4096xi32, #tpu.memory_space<hbm>>)
    %dma_wait3A_743 = arith.constant 0 : i32
    %dma_wait3A_744 = tpu.memref_slice %arg17[%dma_wait3A_743] : memref<1048576xi32, #tpu.memory_space<vmem_shared>> -> memref<1048576xi32, #tpu.memory_space<vmem_shared>>
    tpu.wait_indirect_dma semaphore(%arg25 : memref<!tpu.dma_semaphore, #tpu.memory_space<semaphore_mem>>) src(%arg16 : memref<4096xi32, #tpu.memory_space<vmem>>) dst(%dma_wait3A_744 : memref<1048576xi32, #tpu.memory_space<vmem_shared>>)
    %barrier3A_745 = arith.constant 0 : index
    tpu.barrier barrier_id(%barrier3A_745)
    %mul3A_746 = arith.constant 65536 : i32
    %mul3A_747 = arith.muli %arg1, %mul3A_746 : i32
    %multiple_of3A_748 = tpu.assume_multiple %mul3A_747, 8 : i32
    "tpu.region"() ({
      %run_scoped3A = tpu.sem_alloc : memref<!tpu.dma_semaphore, #tpu.memory_space<semaphore_mem>>
      %dma_start3A_749 = tpu.memref_slice %arg5[%arg0, %multiple_of3A_748] : memref<2x1048576xi32, #tpu.memory_space<hbm>> -> memref<1x65536xi32, #tpu.memory_space<hbm>>
      %dma_start3A_750 = tpu.memref_squeeze %dma_start3A_749 : memref<1x65536xi32, #tpu.memory_space<hbm>> -> memref<65536xi32, #tpu.memory_space<hbm>>
      %dma_start3A_751 = tpu.memref_slice %arg17[%multiple_of3A_748] : memref<1048576xi32, #tpu.memory_space<vmem_shared>> -> memref<65536xi32, #tpu.memory_space<vmem_shared>>
      tpu.enqueue_dma source(%dma_start3A_751 : memref<65536xi32, #tpu.memory_space<vmem_shared>>) target(%dma_start3A_750 : memref<65536xi32, #tpu.memory_space<hbm>>) target_semaphore(%run_scoped3A : memref<!tpu.dma_semaphore, #tpu.memory_space<semaphore_mem>>)
      %dma_wait3A_752 = tpu.memref_slice %arg5[%arg0, %multiple_of3A_748] : memref<2x1048576xi32, #tpu.memory_space<hbm>> -> memref<1x65536xi32, #tpu.memory_space<hbm>>
      %dma_wait3A_753 = tpu.memref_squeeze %dma_wait3A_752 : memref<1x65536xi32, #tpu.memory_space<hbm>> -> memref<65536xi32, #tpu.memory_space<hbm>>
      %dma_wait3A_754 = tpu.memref_slice %arg17[%multiple_of3A_748] : memref<1048576xi32, #tpu.memory_space<vmem_shared>> -> memref<65536xi32, #tpu.memory_space<vmem_shared>>
      tpu.wait_dma2 semaphore(%run_scoped3A : memref<!tpu.dma_semaphore, #tpu.memory_space<semaphore_mem>>) src(%dma_wait3A_754 : memref<65536xi32, #tpu.memory_space<vmem_shared>>) dst(%dma_wait3A_753 : memref<65536xi32, #tpu.memory_space<hbm>>)
      tpu.yield
    }) : () -> ()
    return
  }
}

module attributes {stable_mosaic.version = 14 : i64} {
  func.func @_merge_body(%arg0: i32, %arg1: memref<128x1024xi32, #tpu.memory_space<vmem>>, %arg2: memref<128x1024xi32, #tpu.memory_space<vmem>>, %arg3: memref<128x1024xi32, #tpu.memory_space<vmem>>, %arg4: memref<128x1024xi32, #tpu.memory_space<vmem>>) attributes {dimension_semantics = [#tpu.dimension_semantics<arbitrary>], iteration_bounds = array<i64: 8>, scalar_prefetch = 0 : i64, scratch_operands = 0 : i64, tpu.core_type = #tpu.core_type<tc>, window_params = [{transform_indices = @transform_0, window_bounds = array<i64: 128, 1024>}, {transform_indices = @transform_1, window_bounds = array<i64: 128, 1024>}, {transform_indices = @transform_2, window_bounds = array<i64: 128, 1024>}, {transform_indices = @transform_3, window_bounds = array<i64: 128, 1024>}]} {
    %get3A = arith.constant 0 : index
    %get3A_0 = arith.constant 0 : index
    %get3A_1 = vector.load %arg1[%get3A, %get3A_0] : memref<128x1024xi32, #tpu.memory_space<vmem>>, vector<128x1024xi32>
    %get3A_2 = arith.constant 0 : index
    %get3A_3 = arith.constant 0 : index
    %get3A_4 = vector.load %arg2[%get3A_2, %get3A_3] : memref<128x1024xi32, #tpu.memory_space<vmem>>, vector<128x1024xi32>
    %or3A = arith.ori %get3A_1, %get3A_4 : vector<128x1024xi32>
    %get3A_5 = arith.constant 0 : index
    %get3A_6 = arith.constant 0 : index
    %get3A_7 = vector.load %arg3[%get3A_5, %get3A_6] : memref<128x1024xi32, #tpu.memory_space<vmem>>, vector<128x1024xi32>
    %or3A_8 = arith.ori %or3A, %get3A_7 : vector<128x1024xi32>
    %ne3A = arith.constant 0 : i32
    %ne3A_9 = vector.broadcast %ne3A : i32 to vector<128x1024xi32>
    %ne3A_10 = arith.cmpi ne, %or3A_8, %ne3A_9 : vector<128x1024xi32>
    %swap3A = arith.constant 0 : index
    %swap3A_11 = arith.constant 0 : index
    %swap3A_12 = vector.load %arg4[%swap3A, %swap3A_11] : memref<128x1024xi32, #tpu.memory_space<vmem>>, vector<128x1024xi32>
    %swap3A_13 = arith.extui %ne3A_10 : vector<128x1024xi1> to vector<128x1024xi32>
    %swap3A_14 = arith.constant dense<0> : vector<128x1024xi32>
    %swap3A_15 = arith.cmpi ne, %swap3A_12, %swap3A_14 : vector<128x1024xi32>
    tpu.vector_store %arg4[%swap3A, %swap3A_11], %swap3A_13 {strides = array<i32>} : memref<128x1024xi32, #tpu.memory_space<vmem>>, vector<128x1024xi32>,
    return
  }
  func.func @transform_0(%arg0: i32) -> (i32, i32) {
    %c0_i32 = arith.constant 0 : i32
    %c0_i32_0 = arith.constant 0 : i32
    return %arg0, %c0_i32 : i32, i32
  }
  func.func @transform_1(%arg0: i32) -> (i32, i32) {
    %c0_i32 = arith.constant 0 : i32
    %c0_i32_0 = arith.constant 0 : i32
    return %arg0, %c0_i32 : i32, i32
  }
  func.func @transform_2(%arg0: i32) -> (i32, i32) {
    %c0_i32 = arith.constant 0 : i32
    %c0_i32_0 = arith.constant 0 : i32
    return %arg0, %c0_i32 : i32, i32
  }
  func.func @transform_3(%arg0: i32) -> (i32, i32) {
    %c0_i32 = arith.constant 0 : i32
    %c0_i32_0 = arith.constant 0 : i32
    return %arg0, %c0_i32 : i32, i32
  }
}

</mosaic_0001>

<sc_bundles>
// kernel: kernel.4.cloned.1.call-start
scs
__scs_entry_jumppad:
0x0: {  	(pc) =	sbr.rel $0x88, $3  }
0x1: {  	(tag) =	ssettag $0x0;
	lr =	simm.s32 $0x1  }
0x2: {  	[smem:$0x3F9E] =	sst lr;
	_ =	strace $0xD0000000  }
0x3: {  	_ = 	snop  }
0x4: {  	_ = 	snop  }
0x5: {  	_ = 	snop  }
0x6: {  	_ = 	snop  }
0x7: {  	_ = 	snop  }
__scs_overlays_trampoline_lowered:
0x8: {  	[smem:$0x3FAD] =	sst s0  }
0x9: {  	[smem:$0x3FAE] =	sst s1  }
0xa: {  	[smem:$0x3FAF] =	sst s2  }
0xb: {  	[smem:$0x3FB0] =	sst s3  }
0xc: {  	[smem:$0x3FB1] =	sst s4  }
0xd: {  	[smem:$0x3FB2] =	sst s5  }
0xe: {  	[smem:$0x3FB3] =	sst s6  }
0xf: {  	[smem:$0x3FB4] =	sst s7  }
0x10: {  	[smem:$0x3FB5] =	sst s8  }
0x11: {  	[smem:$0x3FB6] =	sst s9;
	s0 =	simm.s32 @!p0 $0x0  }
0x12: {  	s1 =	sld [smem:$0x3F9C];
	s0 =	simm.s32 @p0 $0x1  }
0x13: {  	[smem:$0x3FB7] =	sst s0;
	s0 =	simm.s32 @!p1 $0x0  }
0x14: {  	s2 =	sld [smem:$0x3F9B];
	s0 =	simm.s32 @p1 $0x1  }
0x15: {  	[smem:$0x3FB8] =	sst s0;
	s0 =	simm.s32 @!p2 $0x0  }
0x16: {  	s3 =	sld [smem:$0x3FDB];
	s0 =	simm.s32 @p2 $0x1  }
0x17: {  	s4 =	simm.s32 $0x1BF5;
	[smem:$0x3FBA] =	sst s0  }
0x18: {  	s0 =	sld [smem:$0x3F9D];
	_ =	swait.ge [sflag:s4], $0x0  }
0x19: {  	s7 =	sld [smem:$0x3F9E]  }
0x1a: {  	s8 =	sadd.s32 $0xFFFFE003, lr  }
0x1b: {  	s9 =	sadd.s32 $0xFFFFFEF7, lr;
	s5 =	simm.s32 $0xFFFFFFFF;
	p2 =	slt.u32 s8, $0xFFFFF086  }
0x1c: {  	p1 =	slt.u32 s9, $0xF7A;
	s5 =	simm.s32 @!p2 $0x0  }
0x1d: {  	s5 =	simm.s32 @p1 $0x1;
	p0 =	seq.s32 s7, s2  }
0x1e: {  	s7 =	smul.u32 @!p0 $0xF7A, s2;
	p2 =	seq.s32 @!p0 s5, $0x0  }
0x1f: {  	s9 =	smul.u32 $0xF7A, s1;
	s8 =	simm.s32 @!p0 $0x1BF5;
	p2 =	por !p2, p0  }
0x20: {  	[sflag:s8] =	ssyncset.s32 @!p0 $0xFFFFF086;
	s6 =	sadd.s32 @!p0 s3, s7;
	s7 =	simm.s32 @!p0 $0x108  }
0x21: {  	s3 =	sadd.s32 s3, s9;
	s6 =	sadd.s32 @!p0 $0x88, s6;
	s7 =	simm.s32 @p2 $0x1082  }
0x22: {  	[simem:s7], [sflag:s8] =	dma.local @!p0 [hbm:s6], $0xF7A  }
0x23: {  	s9 =	sor.u32 $0xD0000000, s2;
	s6 =	simm.s32 $0x108;
	_ =	swait.ge @!p0 [sflag:s8], $0x0  }
0x24: {  	s3 =	sadd.s32 $0x88, s3;
	s6 =	simm.s32 @!p1 $0x1082;
	[sflag:s4] =	ssyncset.s32 $0xFFFFF086  }
0x25: {  	[simem:s6], [sflag:s4] =	dma.local [hbm:s3], $0xF7A  }
0x26: {  	[smem:$0x3F9E] =	sst s1;
	(tag) =	ssettag s2;
	_ =	strace s9  }
0x27: {  	s1 =	sld [smem:$0x3FAE]  }
0x28: {  	s2 =	sld [smem:$0x3FAF]  }
0x29: {  	s4 =	sld [smem:$0x3FB1]  }
0x2a: {  	p0 =	seq.s32 s5, $0x0;
	s5 =	sld [smem:$0x3FB2]  }
0x2b: {  	s6 =	sld [smem:$0x3FB3]  }
0x2c: {  	s7 =	sld [smem:$0x3FB4]  }
0x2d: {  	s3 =	simm.s32 $0x108;
	s8 =	sld [smem:$0x3FB5]  }
0x2e: {  	s3 =	simm.s32 @!p0 $0x1082;
	s9 =	sld [smem:$0x3FB6]  }
0x2f: {  	lr =	sadd.s32 s0, s3;
	s0 =	sld [smem:$0x3FAD]  }
0x30: {  	s3 =	sld [smem:$0x3FB0]  }
0x31: {  	[smem:$0x3FB9] =	sst s10  }
0x32: {  	s10 =	sld [smem:$0x3FB7];
	_ =	sdelay $0x3  }
0x33: {  	p0 =	seq.s32 s10, $0x1;
	s10 =	sld [smem:$0x3FB9];
	_ =	sdelay $0x3  }
0x34: {  	[smem:$0x3FB9] =	sst s10  }
0x35: {  	s10 =	sld [smem:$0x3FB8];
	_ =	sdelay $0x3  }
0x36: {  	p1 =	seq.s32 s10, $0x1;
	s10 =	sld [smem:$0x3FB9];
	_ =	sdelay $0x3  }
0x37: {  	[smem:$0x3FB9] =	sst s10  }
0x38: {  	s10 =	sld [smem:$0x3FBA]  }
0x39: {  	_ = 	snop;
	(pc) =	sbr.ind lr, $3  }
0x3a: {  	_ = 	snop  }
0x3b: {  	_ = 	snop  }
0x3c: {  	p2 =	seq.s32 s10, $0x1;
	s10 =	sld [smem:$0x3FB9]  }
0x3d: {  	_ =	shalt  }
0x3e: {  	_ =	shalt  }
0x3f: {  	_ =	shalt  }
0x40: {  	_ =	shalt  }
0x41: {  	_ =	shalt  }
0x42: {  	_ =	shalt  }
0x43: {  	_ =	shalt  }
0x44: {  	_ =	shalt  }
0x45: {  	_ =	shalt  }
0x46: {  	_ =	shalt  }
0x47: {  	_ =	shalt  }
0x48: {  	_ =	shalt  }
0x49: {  	_ =	shalt  }
0x4a: {  	_ =	shalt  }
0x4b: {  	_ =	shalt  }
0x4c: {  	_ =	shalt  }
0x4d: {  	_ =	shalt  }
0x4e: {  	_ =	shalt  }
0x4f: {  	_ =	shalt  }
0x50: {  	_ =	shalt  }
0x51: {  	_ =	shalt  }
0x52: {  	_ =	shalt  }
0x53: {  	_ =	shalt  }
0x54: {  	_ =	shalt  }
0x55: {  	_ =	shalt  }
0x56: {  	_ =	shalt  }
0x57: {  	_ =	shalt  }
0x58: {  	_ =	shalt  }
0x59: {  	_ =	shalt  }
0x5a: {  	_ =	shalt  }
0x5b: {  	_ =	shalt  }
0x5c: {  	_ =	shalt  }
0x5d: {  	_ =	shalt  }
0x5e: {  	_ =	shalt  }
0x5f: {  	_ =	shalt  }
0x60: {  	_ =	shalt  }
0x61: {  	_ =	shalt  }
0x62: {  	_ =	shalt  }
0x63: {  	_ =	shalt  }
0x64: {  	_ =	shalt  }
0x65: {  	_ =	shalt  }
0x66: {  	_ =	shalt  }
0x67: {  	_ =	shalt  }
0x68: {  	_ =	shalt  }
0x69: {  	_ =	shalt  }
0x6a: {  	_ =	shalt  }
0x6b: {  	_ =	shalt  }
0x6c: {  	_ =	shalt  }
0x6d: {  	_ =	shalt  }
0x6e: {  	_ =	shalt  }
0x6f: {  	_ =	shalt  }
0x70: {  	_ =	shalt  }
0x71: {  	_ =	shalt  }
0x72: {  	_ =	shalt  }
0x73: {  	_ =	shalt  }
0x74: {  	_ =	shalt  }
0x75: {  	_ =	shalt  }
0x76: {  	_ =	shalt  }
0x77: {  	_ =	shalt  }
0x78: {  	_ =	shalt  }
0x79: {  	_ =	shalt  }
0x7a: {  	_ =	shalt  }
0x7b: {  	_ =	shalt  }
0x7c: {  	_ =	shalt  }
0x7d: {  	_ =	shalt  }
0x7e: {  	_ =	shalt  }
0x7f: {  	_ =	shalt  }
0x80: {  	_ =	shalt  }
0x81: {  	_ =	shalt  }
0x82: {  	_ =	shalt  }
0x83: {  	_ =	shalt  }
0x84: {  	_ =	shalt  }
0x85: {  	_ =	shalt  }
0x86: {  	_ =	shalt  }
0x87: {  	_ =	shalt  }
.Lfunc_end0:
.L_simem_size_0:
called_computation_lowered:
.L_overlay_start_0:
0x88: {  	s2 =	sld [smem:$0x3FD9]  }
0x89: {  	s3 =	sld [smem:$0x3FFE];
	_ =	sdelay $0x1  }
0x8a: {  	s1 =	srdreg.scid  }
0x8b: {  	s0 =	sand.u32 $0x1, s1  }
0x8c: {  	s14 =	sshll.u32 s0, $0xA;
	s2 =	sadd.s32 s3, s2  }
0x8d: {  	s2 =	sadd.s32 s2, s14  }
0x8e: {  	[smem:$0x3FC5] =	sst s2  }
0x8f: {  	_ = 	snop  }
0x90: {  	s2 =	sld [smem:$0x3FD0];
	_ =	sdelay $0x2  }
0x91: {  	s15 =	simm.s32 $0xA;
	s4 =	simm.s32 $0x10  }
0x92: {  	[smem:s4], [sflag:s15] =	dma.local [hbm:s2], $0x1  }
0x93: {  	_ =	swait.eq [sflag:s15], $0x1  }
0x94: {  	[sflag:s15] =	ssyncset.done $0x0  }
0x95: {  	[sflag:s15] =	ssyncadd.s32 $0xFFFFFFFF  }
0x96: {  	s16 =	sld [smem:$0x10];
	(tm) =	ssettm $0x1  }
0x97: {  	s17 =	sld [smem:$0x3FFB];
	_ =	sdelay $0x3  }
0x98: {  	_ =	strace s17  }
0x99: {  	s3 =	sld [smem:$0x3FFC];
	_ =	sdelay $0x3  }
0x9a: {  	_ =	strace s3  }
0x9b: {  	s3 =	sld [smem:$0x3FFD];
	_ =	sdelay $0x3  }
0x9c: {  	_ =	strace s3  }
0x9d: {  	_ =	strace $0x8FFFFFFF  }
0x9e: {  	s18 =	sld [smem:$0x3FDB];
	_ =	sdelay $0x1  }
0x9f: {  	s19 =	simm.s32 $_scs_section_size  }
0xa0: {  	s5 =	simm.s32 $_size__tile_overlayer_lowered;
	s6 =	simm.s32 $_tile_overlayer_lowered  }
0xa1: {  	s22 =	simm.s32 $0x1BFF;
	s21 =	sshll.u32 s6, $0x1;
	s3 =	sadd.s32 s19, s18  }
0xa2: {  	s7 =	simm.s32 $0x0;
	s20 =	sshll.u32 s5, $0x1;
	s5 =	sadd.s32 s21, s3  }
0xa3: {  	[timem:s7], [sflag:s22] =	dma.local [hbm:s5], s20  }
0xa4: {  	_ =	swait.ge [sflag:s22], s20  }
0xa5: {  	s4 =	ssub.s32 $0x0, s20;
	[sflag:s22] =	ssyncset.done $0x0  }
0xa6: {  	[sflag:s22] =	ssyncadd.s32 s4;
	_ =	sdelay $0x1  }
0xa7: {  	s23 =	simm.s32 $0x1B8B  }
0xa8: {  	_ =	swait.ge [sflag:s23], $0x1  }
0xa9: {  	[sflag:s23] =	ssyncset.done $0x0  }
0xaa: {  	s25 =	simm.s32 $0x1B8E;
	s24 =	sld [smem:$0x3FFE];
	[sflag:s23] =	ssyncadd.s32 $0xFFFFFFFF  }
0xab: {  	s26 =	simm.s32 $execute0_lowered;
	[smem:$0x3FD2] =	sst s25  }
0xac: {  	s5 =	sshll.u32 s26, $0x1;
	_ =	strace $0x80000046;
	[dreg:$0x1] =	wrdreg $0xFFFFFFFF  }
0xad: {  	s28 =	simm.s32 $_size_execute0_lowered;
	s3 =	sadd.s32 s3, s5;
	[dreg:$0x0] =	wrdreg $0x0  }
0xae: {  	s5 =	sshll.u32 s28, $0x1;
	[dreg:$0x2] =	wrdreg s3  }
0xaf: {  	[dreg:$0x3] =	wrdreg s5  }
0xb0: {  	[dreg:$0x4] =	wrdreg $0xC0  }
0xb1: {  	_ =	task [dreg:s7], $0x5FFFF  }
0xb2: {  	[dreg:$0x1] =	wrdreg $0xFFFFFFFF  }
0xb3: {  	[dreg:$0x0] =	wrdreg $0x60  }
0xb4: {  	[dreg:$0x2] =	wrdreg s24  }
0xb5: {  	[dreg:$0x3] =	wrdreg s16  }
0xb6: {  	[dreg:$0x4] =	wrdreg $0xB0000  }
0xb7: {  	[dreg:$0x5] =	wrdreg $0x9  }
0xb8: {  	_ =	task.clear_ibuf [dreg:s7], $0x6FFFF;
	_ =	strace $0x90000046  }
0xb9: {  	s29 =	simm.s32 $0x9;
	_ =	strace $0x80000048  }
0xba: {  	_ =	swait.ge [sflag:s29], $0x1  }
0xbb: {  	[sflag:s29] =	ssyncadd.s32 $0xFFFFFFFF  }
0xbc: {  	_ =	strace $0x90000048  }
0xbd: {  	_ =	sfence  }
0xbe: {  	s30 =	sld [smem:$0x0];
	_ =	sdelay $0x2  }
0xbf: {  	s31 =	sshll.u32 s1, $0xD;
	s1 =	sshrl.u32 s1, $0x2  }
0xc0: {  	s3 =	sand.u32 $0x4000, s31;
	s1 =	sadd.s32 s1, s30  }
0xc1: {  	s0 =	sor.u32 s3, s0;
	s1 =	sshll.u32 s1, $0x11  }
0xc2: {  	s0 =	sor.u32 s1, s0  }
0xc3: {  	s0 =	sadd.s32 $0x8F2B, s0  }
0xc4: {  	[sflag:s0] =	ssyncadd.remote.s32 $0x1  }
0xc5: {  	_ =	sfence.sel $0xFFFF  }
0xc6: {  	[dreg:$0x0] =	wrdreg $0xFFFFFFFF;
	(pc) =	sbr.abs _section_cstart, $3  }
0xc7: {  	[dreg:$0x1] =	wrdreg $0xFFFFFFFF  }
0xc8: {  	_ =	task.clear_ibuf [dreg:s7], $0x2FFFF;
	_ =	strace $0x9FFFFFFF  }
0xc9: {  	(tm) =	ssettm $0x7FFFFFFF  }
tec
execute0_lowered:
.L_overlay_start_1:
0x0: {  	(tag) =	ssettag $0x1  }
0x1: {  	s3 =	srdreg.scid  }
0x2: {  	s0 =	rddreg [dreg:$0x0];
	s3 =	sand.u32 $0x1, s3  }
0x3: {  	s2 =	rddreg [dreg:$0x1];
	s12 =	stileid.u32;
	s4 =	sshll.u32 s3, $0x4  }
0x4: {  	s1 =	rddreg [dreg:$0x2];
	s5 =	simm.s32 $0x0;
	s24 =	sor.u32 s12, s4  }
0x5: {  	[smem:$0x7FF] =	sst s5;
	s6 =	sshll.u32 s12, $0x2;
	s5 =	smul.u32 $0xF424, s24  }
0x6: {  	s7 =	sand.u32 $0x4, s6;
	s6 =	sxor.u32 $0xFFFFFFFF, s6;
	s3 =	ssub.s32 $0x2, s3  }
0x7: {  	s6 =	sand.u32 $0x4, s6;
	s8 =	sshrl.u32 s3, $0x1;
	s7 =	sadd.s32 s7, s5  }
0x8: {  	s3 =	ssub.s32 s3, s8;
	s5 =	sadd.s32 s6, s5;
	s6 =	sshrl.u32 s7, $0x3  }
0x9: {  	_ =	strace $0x80000047;
	s3 =	smax.u32 s3, $0x1;
	s25 =	sadd.s32 $0x200, s6  }
0xa: {  	[smem:$0x7D1] =	sst s3;
	s26 =	sadd.s32 $0x400, s6;
	s9 =	sadd.s32 s0, s25  }
0xb: {  	s28 =	sadd.s32 $0x600, s6;
	s10 =	sadd.s32 s0, s26;
	[dreg:$0x4] =	wrdreg s9  }
0xc: {  	s13 =	sadd.s32 s0, s28;
	[dreg:$0x5] =	wrdreg s10  }
0xd: {  	s8 =	sadd.s32 s2, s25;
	[dreg:$0x6] =	wrdreg s13  }
0xe: {  	s15 =	sadd.s32 $0xA00, s6;
	s14 =	sadd.s32 s2, s26;
	[dreg:$0x7] =	wrdreg s8  }
0xf: {  	s16 =	sadd.s32 $0xC00, s6;
	s17 =	sadd.s32 s0, s15;
	[dreg:$0x9] =	wrdreg s14  }
0x10: {  	s11 =	sadd.s32 $0x800, s6;
	s18 =	sadd.s32 s0, s16;
	[dreg:$0xa] =	wrdreg s17  }
0x11: {  	s20 =	sadd.s32 $0xE00, s6;
	s19 =	sadd.s32 s2, s11;
	[dreg:$0xc] =	wrdreg s18  }
0x12: {  	s22 =	sadd.s32 s0, s20;
	[dreg:$0xd] =	wrdreg s19  }
0x13: {  	s23 =	sadd.s32 $0x1000, s6;
	s24 =	sadd.s32 s2, s20;
	[dreg:$0xe] =	wrdreg s22  }
0x14: {  	s25 =	sadd.s32 s0, s23;
	[dreg:$0x11] =	wrdreg s24  }
0x15: {  	s13 =	sadd.s32 s0, s11;
	[dreg:$0x12] =	wrdreg s25  }
0x16: {  	s10 =	sadd.s32 s2, s28;
	[dreg:$0x8] =	wrdreg s13  }
0x17: {  	s7 =	sadd.s32 $0xF424, s5;
	s8 =	sadd.s32 s2, s15;
	[dreg:$0xb] =	wrdreg s10  }
0x18: {  	s26 =	sadd.s32 $0x1200, s6;
	s9 =	sadd.s32 s2, s16;
	[dreg:$0xf] =	wrdreg s8  }
0x19: {  	s5 =	sadd.s32 $0xE424, s5;
	s28 =	sadd.s32 s0, s26;
	[dreg:$0x10] =	wrdreg s9  }
0x1a: {  	s5 =	sshrl.u32 s5, $0x3;
	s15 =	sadd.s32 s2, s6;
	[dreg:$0x14] =	wrdreg s28  }
0x1b: {  	s22 =	sadd.s32 s0, s5;
	[dreg:$0x1a] =	wrdreg s15  }
0x1c: {  	s16 =	sadd.s32 $0x1800, s6;
	s8 =	sadd.s32 s2, s23;
	[smem:$0x7CD] =	sst s22  }
0x1d: {  	s17 =	sadd.s32 $0x1A00, s6;
	s18 =	sadd.s32 s0, s16;
	[dreg:$0x13] =	wrdreg s8  }
0x1e: {  	s24 =	sshll.u32 s12, $0x10;
	s19 =	sadd.s32 s0, s17;
	[dreg:$0x1b] =	wrdreg s18  }
0x1f: {  	s10 =	sadd.s32 $0x1400, s6;
	s20 =	sadd.s32 s2, s17;
	[dreg:$0x1d] =	wrdreg s19  }
0x20: {  	s13 =	sadd.s32 $0x1600, s6;
	s8 =	sadd.s32 s2, s26;
	[dreg:$0x1e] =	wrdreg s20  }
0x21: {  	s23 =	sshrl.u32 s7, $0x3;
	s11 =	sadd.s32 s0, s10;
	[dreg:$0x15] =	wrdreg s8  }
0x22: {  	s7 =	sadd.s32 s24, s1;
	s14 =	sadd.s32 s0, s13;
	[dreg:$0x16] =	wrdreg s11  }
0x23: {  	s9 =	sadd.s32 $0x4000, s7;
	[dreg:$0x18] =	wrdreg s14  }
0x24: {  	s21 =	sshll.u32 s12, $0xE;
	s12 =	sadd.s32 $0x7000, s7;
	[smem:$0x7D5] =	sst s9  }
0x25: {  	s15 =	sadd.s32 $0xA000, s7;
	[smem:$0x7D8] =	sst s12  }
0x26: {  	s17 =	sadd.s32 $0xC000, s7;
	[smem:$0x7DB] =	sst s15  }
0x27: {  	s18 =	sadd.s32 $0xD000, s7;
	[smem:$0x7DD] =	sst s17  }
0x28: {  	s4 =	sadd.s32 s4, s0;
	s19 =	sadd.s32 $0xE000, s7;
	[smem:$0x7DE] =	sst s18  }
0x29: {  	s26 =	sadd.s32 s0, s6;
	s20 =	sadd.s32 $0xF000, s7;
	[smem:$0x7DF] =	sst s19  }
0x2a: {  	s6 =	sadd.s32 $0x1C00, s6;
	s8 =	sadd.s32 s2, s10;
	[smem:$0x7E0] =	sst s20  }
0x2b: {  	s4 =	sadd.s32 s21, s4;
	s21 =	sadd.s32 s0, s6;
	[dreg:$0x17] =	wrdreg s8  }
0x2c: {  	s6 =	sadd.s32 s2, s6;
	[dreg:$0x1f] =	wrdreg s21  }
0x2d: {  	s10 =	sadd.s32 $0x5000, s7;
	[smem:$0x7CB] =	sst s6  }
0x2e: {  	s11 =	sadd.s32 $0x6000, s7;
	[smem:$0x7D6] =	sst s10  }
0x2f: {  	s14 =	sadd.s32 $0x9000, s7;
	[smem:$0x7D7] =	sst s11  }
0x30: {  	s22 =	sadd.s32 $0x7A120, s26;
	[smem:$0x7DA] =	sst s14  }
0x31: {  	s24 =	sadd.s32 $0x7A320, s26;
	[smem:$0x7E2] =	sst s22  }
0x32: {  	s3 =	sadd.s32 $0x7A720, s26;
	[smem:$0x7E4] =	sst s24  }
0x33: {  	s9 =	sadd.s32 $0x7AB20, s26;
	[smem:$0x7E8] =	sst s3  }
0x34: {  	s12 =	sadd.s32 $0x3DE90, s26;
	[smem:$0x7EC] =	sst s9  }
0x35: {  	s15 =	sadd.s32 $0x7B120, s26;
	[smem:$0x7EF] =	sst s12  }
0x36: {  	s17 =	sadd.s32 $0x7B320, s26;
	[smem:$0x7F2] =	sst s15  }
0x37: {  	s18 =	sadd.s32 $0x3E490, s26;
	[smem:$0x7F4] =	sst s17  }
0x38: {  	s19 =	sadd.s32 $0x7B520, s26;
	[smem:$0x7F5] =	sst s18  }
0x39: {  	s20 =	sadd.s32 $0x3E690, s26;
	[smem:$0x7F6] =	sst s19  }
0x3a: {  	s8 =	sadd.s32 s2, s13;
	[smem:$0x7F7] =	sst s20  }
0x3b: {  	s13 =	sadd.s32 $0x8000, s7;
	[dreg:$0x19] =	wrdreg s8  }
0x3c: {  	s21 =	sadd.s32 $0x3D090, s26;
	[smem:$0x7D9] =	sst s13  }
0x3d: {  	s10 =	sadd.s32 $0x3DC90, s26;
	[smem:$0x7E1] =	sst s21  }
0x3e: {  	s11 =	sadd.s32 $0x7AD20, s26;
	[smem:$0x7ED] =	sst s10  }
0x3f: {  	s14 =	sadd.s32 $0x3E090, s26;
	[smem:$0x7EE] =	sst s11  }
0x40: {  	s29 =	simm.s32 $0x20;
	s22 =	sadd.s32 $0x3E890, s26;
	[smem:$0x7F1] =	sst s14  }
0x41: {  	s30 =	simm.s32 $0x10;
	s24 =	sadd.s32 $0x3EA90, s26;
	[smem:$0x7F9] =	sst s22  }
0x42: {  	s31 =	sadd.s32 $0x7BD20, s26;
	s8 =	sadd.s32 s2, s16;
	[smem:$0x7FB] =	sst s24  }
0x43: {  	s6 =	sadd.s32 $0xB7200, s0;
	s2 =	sadd.s32 s2, s5;
	[dreg:$0x1c] =	wrdreg s8  }
0x44: {  	s3 =	simm.s32 $0x4000;
	s5 =	sadd.s32 $0x2000, s7;
	[smem:$0x7CC] =	sst s2  }
0x45: {  	s9 =	simm.s32 $0x9;
	s16 =	sadd.s32 $0xB000, s7;
	[smem:$0x7D3] =	sst s5  }
0x46: {  	s12 =	simm.s32 $0x2;
	s13 =	sadd.s32 $0x7AF20, s26;
	[smem:$0x7DC] =	sst s16  }
0x47: {  	s15 =	simm.s32 $0x7000;
	s21 =	sadd.s32 $0x7B720, s26;
	[smem:$0x7F0] =	sst s13  }
0x48: {  	s17 =	simm.s32 $0x4;
	s8 =	sadd.s32 $0x3000, s7;
	[smem:$0x7F8] =	sst s21  }
0x49: {  	s2 =	sadd.s32 s0, s23;
	s23 =	sadd.s32 $0x3D290, s26;
	[smem:$0x7D4] =	sst s8  }
0x4a: {  	s18 =	simm.s32 $0x5;
	s5 =	sadd.s32 $0x7A920, s26;
	[smem:$0x7E3] =	sst s23  }
0x4b: {  	s19 =	simm.s32 $0x7;
	s16 =	sadd.s32 $0x3E290, s26;
	[smem:$0x7EA] =	sst s5  }
0x4c: {  	s20 =	simm.s32 $0x6;
	s25 =	sadd.s32 $0x3CE90, s2;
	[smem:$0x7F3] =	sst s16  }
0x4d: {  	s10 =	simm.s32 $0x1;
	s28 =	sadd.s32 $0x79F20, s2;
	[smem:$0x7CE] =	sst s25  }
0x4e: {  	s11 =	simm.s32 $0x8000;
	s2 =	sadd.s32 $0x136800, s4;
	[smem:$0x7CF] =	sst s28  }
0x4f: {  	s14 =	simm.s32 $0xA000;
	s4 =	sadd.s32 $0x1000, s7;
	[smem:$0x7D0] =	sst s2  }
0x50: {  	s22 =	simm.s32 $0xA;
	s8 =	sadd.s32 $0x3DA90, s26;
	[smem:$0x7D2] =	sst s4  }
0x51: {  	s0 =	simm.s32 $0x6000;
	s23 =	sadd.s32 $0x7B920, s26;
	[smem:$0x7EB] =	sst s8  }
0x52: {  	s13 =	simm.s32 $0x3;
	s25 =	sadd.s32 $0x3D490, s26;
	[smem:$0x7FA] =	sst s23  }
0x53: {  	s21 =	simm.s32 $0x8;
	s28 =	sadd.s32 $0x7A520, s26;
	[smem:$0x7E5] =	sst s25  }
0x54: {  	s5 =	simm.s32 $0x3000;
	s2 =	sadd.s32 $0x3D690, s26;
	[smem:$0x7E6] =	sst s28  }
0x55: {  	s16 =	simm.s32 $0x9000;
	s4 =	sadd.s32 $0x3D890, s26;
	[smem:$0x7E7] =	sst s2  }
0x56: {  	s8 =	simm.s32 $0x5000;
	[smem:$0x7E9] =	sst s4;
	s25 =	sadd.s32 $0x7BB20, s26  }
0x57: {  	s23 =	simm.s32 $0x0;
	s28 =	sadd.s32 $0x3EC90, s26;
	[smem:$0x7FC] =	sst s25  }
0x58: {  	v0 =	vimm.s32 $0x0;
	v1 =	vimm.s32 $0x1;
	s2 =	simm.s32 $0x2000;
	s4 =	simm.s32 $0x1000;
	[smem:$0x7FD] =	sst s28  }
.LBB2_1:
0x59: {  	s24 =	simm.s32 $0x40;
	s25 =	simm.s32 $0x0  }
.LBB2_2:
0x5a: {  	p0 =	sne.s32 s24, $0x3FC0;
	[tilespmem:s25+$0x6000] =	vst v0;
	s25 =	smov.u32 s24;
	s24 =	sadd.s32 $0x40, s24  }
.Ltmp0:
0x5b: {  	(pc) =	sbr.rel @p0 .LBB2_2-.Ltmp0, $2  }
0x5c: {  	_ =	sdelay $0x2  }
0x5d: {  	s25 =	sshra.s32 s25, $0x2  }
0x5e: {  	[tilespmem:s25+$0x6000] =	vst v0;
	s24 =	sld [smem:$0x7D2]  }
0x5f: {  	[spmem:s7] =	stream.linear.scatter [tilespmem:s0], [sflag:$0x9], $0x1000, $0x38;
	[tilespmem:$0x1B000] =	vst v63  }
0x60: {  	s25 =	sld [smem:$0x7D3]  }
0x61: {  	[spmem:s24] =	stream.linear.scatter [tilespmem:s0], [sflag:$0x9], $0x1000, $0x38;
	[tilespmem:$0x1B000] =	vst v63  }
0x62: {  	s28 =	sld [smem:$0x7D4]  }
0x63: {  	[spmem:s25] =	stream.linear.scatter [tilespmem:s0], [sflag:$0x9], $0x1000, $0x38;
	[tilespmem:$0x1B000] =	vst v63  }
0x64: {  	s25 =	sld [smem:$0x7D5]  }
0x65: {  	[spmem:s28] =	stream.linear.scatter [tilespmem:s0], [sflag:$0x9], $0x1000, $0x38;
	[tilespmem:$0x1B000] =	vst v63  }
0x66: {  	s28 =	sld [smem:$0x7D6]  }
0x67: {  	[spmem:s25] =	stream.linear.scatter [tilespmem:s0], [sflag:$0x9], $0x1000, $0x38;
	[tilespmem:$0x1B000] =	vst v63  }
0x68: {  	s25 =	sld [smem:$0x7D7]  }
0x69: {  	[spmem:s28] =	stream.linear.scatter [tilespmem:s0], [sflag:$0x9], $0x1000, $0x38;
	[tilespmem:$0x1B000] =	vst v63  }
0x6a: {  	s28 =	sld [smem:$0x7D8]  }
0x6b: {  	[spmem:s25] =	stream.linear.scatter [tilespmem:s0], [sflag:$0x9], $0x1000, $0x38;
	[tilespmem:$0x1B000] =	vst v63  }
0x6c: {  	s25 =	sld [smem:$0x7D9]  }
0x6d: {  	[spmem:s28] =	stream.linear.scatter [tilespmem:s0], [sflag:$0x9], $0x1000, $0x38;
	[tilespmem:$0x1B000] =	vst v63  }
0x6e: {  	s28 =	sld [smem:$0x7DA]  }
0x6f: {  	[spmem:s25] =	stream.linear.scatter [tilespmem:s0], [sflag:$0x9], $0x1000, $0x38;
	[tilespmem:$0x1B000] =	vst v63  }
0x70: {  	s25 =	sld [smem:$0x7DB]  }
0x71: {  	[spmem:s28] =	stream.linear.scatter [tilespmem:s0], [sflag:$0x9], $0x1000, $0x38;
	[tilespmem:$0x1B000] =	vst v63  }
0x72: {  	s28 =	sld [smem:$0x7DC]  }
0x73: {  	[spmem:s25] =	stream.linear.scatter [tilespmem:s0], [sflag:$0x9], $0x1000, $0x38;
	[tilespmem:$0x1B000] =	vst v63  }
0x74: {  	s25 =	sld [smem:$0x7DD]  }
0x75: {  	[spmem:s28] =	stream.linear.scatter [tilespmem:s0], [sflag:$0x9], $0x1000, $0x38;
	[tilespmem:$0x1B000] =	vst v63  }
0x76: {  	s28 =	sld [smem:$0x7DE]  }
0x77: {  	[spmem:s25] =	stream.linear.scatter [tilespmem:s0], [sflag:$0x9], $0x1000, $0x38;
	[tilespmem:$0x1B000] =	vst v63  }
0x78: {  	s25 =	sld [smem:$0x7DF]  }
0x79: {  	[spmem:s28] =	stream.linear.scatter [tilespmem:s0], [sflag:$0x9], $0x1000, $0x38;
	[tilespmem:$0x1B000] =	vst v63  }
0x7a: {  	s28 =	sld [smem:$0x7E0]  }
0x7b: {  	[spmem:s25] =	stream.linear.scatter [tilespmem:s0], [sflag:$0x9], $0x1000, $0x38;
	[tilespmem:$0x1B000] =	vst v63  }
0x7c: {  	s24 =	simm.s32 $0x40;
	s25 =	simm.s32 $0x0  }
0x7d: {  	[spmem:s28] =	stream.linear.scatter [tilespmem:s0], [sflag:$0x9], $0x1000, $0x38;
	[tilespmem:$0x1B000] =	vst v63  }
.LBB2_4:
0x7e: {  	p0 =	sne.s32 s24, $0x3FC0;
	[tilespmem:s25+$0xA000] =	vst v1;
	s25 =	smov.u32 s24;
	s24 =	sadd.s32 $0x40, s24  }
.Ltmp1:
0x7f: {  	(pc) =	sbr.rel @p0 .LBB2_4-.Ltmp1, $2  }
0x80: {  	_ =	sdelay $0x2  }
0x81: {  	s25 =	sshra.s32 s25, $0x2  }
0x82: {  	[tilespmem:s25+$0xA000] =	vst v1;
	s24 =	simm.s32 $0x0;
	s28 =	sld [smem:$0x7E1]  }
0x83: {  	[tilespmem:s24], [sflag:$0x1] =	stream.linear.gather [hbm4b:s26+s24], $0x1000, $0x38;
	[tilespmem:$0x1B000] =	vst v63  }
0x84: {  	_ = 	snop  }
0x85: {  	[tilespmem:s2], [sflag:$0x1] =	stream.linear.gather [hbm4b:s28+s24], $0x1000, $0x38;
	[tilespmem:$0x1B000] =	vst v63  }
0x86: {  	s28 =	sld [smem:$0x7E2];
	_ =	sdelay $0x2  }
0x87: {  	[tilespmem:s3], [sflag:$0x1] =	stream.linear.gather [hbm4b:s28+s24], $0x1000, $0x38;
	[tilespmem:$0x1B000] =	vst v63  }
0x88: {  	s28 =	rddreg [dreg:$0x4]  }
0x89: {  	[tilespmem:s4], [sflag:$0x2] =	stream.linear.gather [hbm4b:s28+s24], $0x1000, $0x38;
	[tilespmem:$0x1B000] =	vst v63  }
0x8a: {  	s28 =	sld [smem:$0x7E3];
	_ =	sdelay $0x2  }
0x8b: {  	[tilespmem:s5], [sflag:$0x2] =	stream.linear.gather [hbm4b:s28+s24], $0x1000, $0x38;
	[tilespmem:$0x1B000] =	vst v63  }
0x8c: {  	s28 =	sld [smem:$0x7E4];
	_ =	sdelay $0x2  }
0x8d: {  	[tilespmem:s8], [sflag:$0x2] =	stream.linear.gather [hbm4b:s28+s24], $0x1000, $0x38;
	[tilespmem:$0x1B000] =	vst v63  }
0x8e: {  	_ =	swait.ge [sflag:s9], $0x1000  }
0x8f: {  	[sflag:s9] =	ssyncset.done $0x0  }
0x90: {  	[sflag:s9] =	ssyncadd.s32 $0xFFFFF000  }
0x91: {  	_ =	swait.ge [sflag:s9], $0x1000  }
0x92: {  	[sflag:s9] =	ssyncset.done $0x0  }
0x93: {  	[sflag:s9] =	ssyncadd.s32 $0xFFFFF000  }
0x94: {  	_ =	swait.ge [sflag:s9], $0x1000  }
0x95: {  	[sflag:s9] =	ssyncset.done $0x0  }
0x96: {  	[sflag:s9] =	ssyncadd.s32 $0xFFFFF000  }
0x97: {  	_ =	swait.ge [sflag:s9], $0x1000  }
0x98: {  	[sflag:s9] =	ssyncset.done $0x0  }
0x99: {  	[sflag:s9] =	ssyncadd.s32 $0xFFFFF000  }
0x9a: {  	_ =	swait.ge [sflag:s9], $0x1000  }
0x9b: {  	[sflag:s9] =	ssyncset.done $0x0  }
0x9c: {  	[sflag:s9] =	ssyncadd.s32 $0xFFFFF000  }
0x9d: {  	_ =	swait.ge [sflag:s9], $0x1000  }
0x9e: {  	[sflag:s9] =	ssyncset.done $0x0  }
0x9f: {  	[sflag:s9] =	ssyncadd.s32 $0xFFFFF000  }
0xa0: {  	_ =	swait.ge [sflag:s9], $0x1000  }
0xa1: {  	[sflag:s9] =	ssyncset.done $0x0  }
0xa2: {  	[sflag:s9] =	ssyncadd.s32 $0xFFFFF000  }
0xa3: {  	_ =	swait.ge [sflag:s9], $0x1000  }
0xa4: {  	[sflag:s9] =	ssyncset.done $0x0  }
0xa5: {  	[sflag:s9] =	ssyncadd.s32 $0xFFFFF000  }
0xa6: {  	_ =	swait.ge [sflag:s9], $0x1000  }
0xa7: {  	[sflag:s9] =	ssyncset.done $0x0  }
0xa8: {  	[sflag:s9] =	ssyncadd.s32 $0xFFFFF000  }
0xa9: {  	_ =	swait.ge [sflag:s9], $0x1000  }
0xaa: {  	[sflag:s9] =	ssyncset.done $0x0  }
0xab: {  	[sflag:s9] =	ssyncadd.s32 $0xFFFFF000  }
0xac: {  	_ =	swait.ge [sflag:s9], $0x1000  }
0xad: {  	[sflag:s9] =	ssyncset.done $0x0  }
0xae: {  	[sflag:s9] =	ssyncadd.s32 $0xFFFFF000  }
0xaf: {  	_ =	swait.ge [sflag:s9], $0x1000  }
0xb0: {  	[sflag:s9] =	ssyncset.done $0x0  }
0xb1: {  	[sflag:s9] =	ssyncadd.s32 $0xFFFFF000  }
0xb2: {  	_ =	swait.ge [sflag:s9], $0x1000  }
0xb3: {  	[sflag:s9] =	ssyncset.done $0x0  }
0xb4: {  	[sflag:s9] =	ssyncadd.s32 $0xFFFFF000  }
0xb5: {  	_ =	swait.ge [sflag:s9], $0x1000  }
0xb6: {  	[sflag:s9] =	ssyncset.done $0x0  }
0xb7: {  	[sflag:s9] =	ssyncadd.s32 $0xFFFFF000  }
0xb8: {  	_ =	swait.ge [sflag:s9], $0x1000  }
0xb9: {  	[sflag:s9] =	ssyncset.done $0x0  }
0xba: {  	[sflag:s9] =	ssyncadd.s32 $0xFFFFF000  }
0xbb: {  	_ =	swait.ge [sflag:s9], $0x1000  }
0xbc: {  	[sflag:s9] =	ssyncset.done $0x0  }
0xbd: {  	[sflag:s9] =	ssyncadd.s32 $0xFFFFF000  }
0xbe: {  	[bflag:$0x0] =	sbarrier.arrive $0xFFFF  }
0xbf: {  	_ =	swait.ge [sflag:s10], $0x1000  }
0xc0: {  	[sflag:s10] =	ssyncset.done $0x0  }
0xc1: {  	[sflag:s10] =	ssyncadd.s32 $0xFFFFF000  }
0xc2: {  	_ =	swait.ge [sflag:s10], $0x1000  }
0xc3: {  	[sflag:s10] =	ssyncset.done $0x0  }
0xc4: {  	[sflag:s10] =	ssyncadd.s32 $0xFFFFF000  }
0xc5: {  	_ =	swait.ge [sflag:s10], $0x1000  }
0xc6: {  	[sflag:s10] =	ssyncset.done $0x0  }
0xc7: {  	s24 =	simm.s32 $0x0;
	[sflag:s10] =	ssyncadd.s32 $0xFFFFF000  }
0xc8: {  	v2 =	vld [tilespmem:s24+$0x0]  }
0xc9: {  	v3 =	vld [tilespmem:s24+$0x2000];
	_ =	sdelay $0x2  }
0xca: {  	s25 =	simm.s32 $0x40;
	v4 =	vld [tilespmem:s24+$0x4000]  }
.LBB2_6:
0xcb: {  	s28 =	sshra.s32 s25, $0x2;
	p0 =	sne.s32 s25, $0x3FC0  }
.Ltmp2:
0xcc: {  	s25 =	sadd.s32 $0x40, s25;
	v5 =	vmul.u32 $0x6541, v2;
	v2 =	vld [tilespmem:s28+$0x0];
	v6 =	vmul.u32 $0xA1, v3;
	(pc) =	sbr.rel @p0 .LBB2_6-.Ltmp2, $4  }
0xcd: {  	v3 =	vld [tilespmem:s28+$0x2000]  }
0xce: {  	v5 =	vadd.s32 v5, v6  }
0xcf: {  	v5 =	vadd.s32 v4, v5  }
0xd0: {  	v4 =	vld [tilespmem:s28+$0x4000];
	[tilespmem:s24+$0x6000] =	vst v5;
	s24 =	smov.u32 s28  }
0xd1: {  	_ = 	snop  }
0xd2: {  	v2 =	vmul.u32 $0x6541, v2;
	v3 =	vmul.u32 $0xA1, v3;
	_ =	sdelay $0x1  }
0xd3: {  	v2 =	vadd.s32 v2, v3  }
0xd4: {  	v2 =	vadd.s32 v4, v2  }
0xd5: {  	s25 =	rddreg [dreg:$0x5];
	[tilespmem:s24+$0x6000] =	vst v2  }
0xd6: {  	[tilespmem:s11], [sflag:$0x3] =	stream.indirect.gather [hbm4b:s6+s4], $0x1, s0, s4, $0xb8;
	[tilespmem:$0x1B000] =	vst v63  }
0xd7: {  	s28 =	sld [smem:$0x7E5];
	s24 =	simm.s32 $0x0  }
0xd8: {  	[tilespmem:s24], [sflag:$0x1] =	stream.linear.gather [hbm4b:s25+s24], $0x1000, $0x38;
	[tilespmem:$0x1B000] =	vst v63  }
0xd9: {  	_ = 	snop  }
0xda: {  	[tilespmem:s2], [sflag:$0x1] =	stream.linear.gather [hbm4b:s28+s24], $0x1000, $0x38;
	[tilespmem:$0x1B000] =	vst v63  }
0xdb: {  	s28 =	sld [smem:$0x7E6];
	_ =	sdelay $0x2  }
0xdc: {  	[tilespmem:s3], [sflag:$0x1] =	stream.linear.gather [hbm4b:s28+s24], $0x1000, $0x38;
	[tilespmem:$0x1B000] =	vst v63  }
0xdd: {  	_ =	swait.ge [sflag:s12], $0x1000  }
0xde: {  	[sflag:s12] =	ssyncset.done $0x0  }
0xdf: {  	[sflag:s12] =	ssyncadd.s32 $0xFFFFF000  }
0xe0: {  	_ =	swait.ge [sflag:s12], $0x1000  }
0xe1: {  	[sflag:s12] =	ssyncset.done $0x0  }
0xe2: {  	[sflag:s12] =	ssyncadd.s32 $0xFFFFF000  }
0xe3: {  	_ =	swait.ge [sflag:s12], $0x1000  }
0xe4: {  	[sflag:s12] =	ssyncset.done $0x0  }
0xe5: {  	s24 =	simm.s32 $0x0;
	[sflag:s12] =	ssyncadd.s32 $0xFFFFF000  }
0xe6: {  	v2 =	vld [tilespmem:s24+$0x1000]  }
0xe7: {  	v3 =	vld [tilespmem:s24+$0x3000];
	_ =	sdelay $0x2  }
0xe8: {  	s25 =	simm.s32 $0x40;
	v4 =	vld [tilespmem:s24+$0x5000]  }
.LBB2_8:
0xe9: {  	s28 =	sshra.s32 s25, $0x2;
	p0 =	sne.s32 s25, $0x3FC0  }
.Ltmp3:
0xea: {  	s25 =	sadd.s32 $0x40, s25;
	v5 =	vmul.u32 $0x6541, v2;
	v2 =	vld [tilespmem:s28+$0x1000];
	v6 =	vmul.u32 $0xA1, v3;
	(pc) =	sbr.rel @p0 .LBB2_8-.Ltmp3, $4  }
0xeb: {  	v3 =	vld [tilespmem:s28+$0x3000]  }
0xec: {  	v5 =	vadd.s32 v5, v6  }
0xed: {  	v5 =	vadd.s32 v4, v5  }
0xee: {  	v4 =	vld [tilespmem:s28+$0x5000];
	[tilespmem:s24+$0x7000] =	vst v5;
	s24 =	smov.u32 s28  }
0xef: {  	_ = 	snop  }
0xf0: {  	v2 =	vmul.u32 $0x6541, v2;
	v3 =	vmul.u32 $0xA1, v3;
	_ =	sdelay $0x1  }
0xf1: {  	v2 =	vadd.s32 v2, v3  }
0xf2: {  	v2 =	vadd.s32 v4, v2  }
0xf3: {  	[tilespmem:s24+$0x7000] =	vst v2  }
0xf4: {  	_ =	swait.ge [sflag:s13], $0x1000  }
0xf5: {  	[sflag:s13] =	ssyncset.done $0x0  }
0xf6: {  	s24 =	simm.s32 $0x0;
	s25 =	rddreg [dreg:$0x1a];
	[sflag:s13] =	ssyncadd.s32 $0xFFFFF000  }
0xf7: {  	[hbm4b:s25+s24] =	stream.linear.scatter [tilespmem:s11], [sflag:$0x5], $0x1000, $0x38;
	[tilespmem:$0x1B000] =	vst v63  }
0xf8: {  	_ = 	snop  }
0xf9: {  	[spmem:s1] =	stream.indirect.scatter [tilespmem:s14], [sflag:$0x7], $0x1, s11, s4, $0xb8;
	[tilespmem:$0x1B000] =	vst v63  }
0xfa: {  	_ = 	snop  }
0xfb: {  	[tilespmem:s16], [sflag:$0x4] =	stream.indirect.gather [hbm4b:s6+s4], $0x1, s15, s4, $0xb8;
	[tilespmem:$0x1B000] =	vst v63  }
0xfc: {  	s28 =	rddreg [dreg:$0x6]  }
0xfd: {  	[tilespmem:s4], [sflag:$0x2] =	stream.linear.gather [hbm4b:s28+s24], $0x1000, $0x38;
	[tilespmem:$0x1B000] =	vst v63  }
0xfe: {  	s28 =	sld [smem:$0x7E7];
	_ =	sdelay $0x2  }
0xff: {  	[tilespmem:s5], [sflag:$0x2] =	stream.linear.gather [hbm4b:s28+s24], $0x1000, $0x38;
	[tilespmem:$0x1B000] =	vst v63  }
0x100: {  	s28 =	sld [smem:$0x7E8];
	_ =	sdelay $0x2  }
0x101: {  	[tilespmem:s8], [sflag:$0x2] =	stream.linear.gather [hbm4b:s28+s24], $0x1000, $0x38;
	[tilespmem:$0x1B000] =	vst v63  }
0x102: {  	_ =	swait.ge [sflag:s10], $0x1000  }
0x103: {  	[sflag:s10] =	ssyncset.done $0x0  }
0x104: {  	[sflag:s10] =	ssyncadd.s32 $0xFFFFF000  }
0x105: {  	_ =	swait.ge [sflag:s10], $0x1000  }
0x106: {  	[sflag:s10] =	ssyncset.done $0x0  }
0x107: {  	[sflag:s10] =	ssyncadd.s32 $0xFFFFF000  }
0x108: {  	_ =	swait.ge [sflag:s10], $0x1000  }
0x109: {  	[sflag:s10] =	ssyncset.done $0x0  }
0x10a: {  	s24 =	simm.s32 $0x0;
	[sflag:s10] =	ssyncadd.s32 $0xFFFFF000  }
0x10b: {  	v2 =	vld [tilespmem:s24+$0x0]  }
0x10c: {  	v3 =	vld [tilespmem:s24+$0x2000];
	_ =	sdelay $0x2  }
0x10d: {  	s25 =	simm.s32 $0x40;
	v4 =	vld [tilespmem:s24+$0x4000]  }
.LBB2_10:
0x10e: {  	s28 =	sshra.s32 s25, $0x2;
	p0 =	sne.s32 s25, $0x3FC0  }
.Ltmp4:
0x10f: {  	s25 =	sadd.s32 $0x40, s25;
	v5 =	vmul.u32 $0x6541, v2;
	v2 =	vld [tilespmem:s28+$0x0];
	v6 =	vmul.u32 $0xA1, v3;
	(pc) =	sbr.rel @p0 .LBB2_10-.Ltmp4, $4  }
0x110: {  	v3 =	vld [tilespmem:s28+$0x2000]  }
0x111: {  	v5 =	vadd.s32 v5, v6  }
0x112: {  	v5 =	vadd.s32 v4, v5  }
0x113: {  	v4 =	vld [tilespmem:s28+$0x4000];
	[tilespmem:s24+$0x6000] =	vst v5;
	s24 =	smov.u32 s28  }
0x114: {  	_ = 	snop  }
0x115: {  	v2 =	vmul.u32 $0x6541, v2;
	v3 =	vmul.u32 $0xA1, v3;
	_ =	sdelay $0x1  }
0x116: {  	v2 =	vadd.s32 v2, v3  }
0x117: {  	v2 =	vadd.s32 v4, v2  }
0x118: {  	[tilespmem:s24+$0x6000] =	vst v2  }
0x119: {  	_ =	swait.ge [sflag:s17], $0x1000  }
0x11a: {  	[sflag:s17] =	ssyncset.done $0x0  }
0x11b: {  	s24 =	simm.s32 $0x0;
	s25 =	rddreg [dreg:$0x7];
	[sflag:s17] =	ssyncadd.s32 $0xFFFFF000  }
0x11c: {  	[hbm4b:s25+s24] =	stream.linear.scatter [tilespmem:s16], [sflag:$0x6], $0x1000, $0x38;
	[tilespmem:$0x1B000] =	vst v63  }
0x11d: {  	_ = 	snop  }
0x11e: {  	[spmem:s1] =	stream.indirect.scatter [tilespmem:s14], [sflag:$0x8], $0x1, s16, s4, $0xb8;
	[tilespmem:$0x1B000] =	vst v63  }
0x11f: {  	_ =	swait.ge [sflag:s18], $0x1000  }
0x120: {  	[sflag:s18] =	ssyncset.done $0x0  }
0x121: {  	[sflag:s18] =	ssyncadd.s32 $0xFFFFF000  }
0x122: {  	_ =	swait.ge [sflag:s19], $0x1000  }
0x123: {  	[sflag:s19] =	ssyncset.done $0x0  }
0x124: {  	[sflag:s19] =	ssyncadd.s32 $0xFFFFF000  }
0x125: {  	[tilespmem:s11], [sflag:$0x3] =	stream.indirect.gather [hbm4b:s6+s4], $0x1, s0, s4, $0xb8;
	[tilespmem:$0x1B000] =	vst v63  }
0x126: {  	s28 =	rddreg [dreg:$0x8]  }
0x127: {  	[tilespmem:s24], [sflag:$0x1] =	stream.linear.gather [hbm4b:s28+s24], $0x1000, $0x38;
	[tilespmem:$0x1B000] =	vst v63  }
0x128: {  	s28 =	sld [smem:$0x7E9];
	_ =	sdelay $0x2  }
0x129: {  	[tilespmem:s2], [sflag:$0x1] =	stream.linear.gather [hbm4b:s28+s24], $0x1000, $0x38;
	[tilespmem:$0x1B000] =	vst v63  }
0x12a: {  	s28 =	sld [smem:$0x7EA];
	_ =	sdelay $0x2  }
0x12b: {  	[tilespmem:s3], [sflag:$0x1] =	stream.linear.gather [hbm4b:s28+s24], $0x1000, $0x38;
	[tilespmem:$0x1B000] =	vst v63  }
0x12c: {  	_ =	swait.ge [sflag:s12], $0x1000  }
0x12d: {  	[sflag:s12] =	ssyncset.done $0x0  }
0x12e: {  	[sflag:s12] =	ssyncadd.s32 $0xFFFFF000  }
0x12f: {  	_ =	swait.ge [sflag:s12], $0x1000  }
0x130: {  	[sflag:s12] =	ssyncset.done $0x0  }
0x131: {  	[sflag:s12] =	ssyncadd.s32 $0xFFFFF000  }
0x132: {  	_ =	swait.ge [sflag:s12], $0x1000  }
0x133: {  	[sflag:s12] =	ssyncset.done $0x0  }
0x134: {  	s24 =	simm.s32 $0x0;
	[sflag:s12] =	ssyncadd.s32 $0xFFFFF000  }
0x135: {  	v2 =	vld [tilespmem:s24+$0x1000]  }
0x136: {  	v3 =	vld [tilespmem:s24+$0x3000];
	_ =	sdelay $0x2  }
0x137: {  	s25 =	simm.s32 $0x40;
	v4 =	vld [tilespmem:s24+$0x5000]  }
.LBB2_12:
0x138: {  	s28 =	sshra.s32 s25, $0x2;
	p0 =	sne.s32 s25, $0x3FC0  }
.Ltmp5:
0x139: {  	s25 =	sadd.s32 $0x40, s25;
	v5 =	vmul.u32 $0x6541, v2;
	v2 =	vld [tilespmem:s28+$0x1000];
	v6 =	vmul.u32 $0xA1, v3;
	(pc) =	sbr.rel @p0 .LBB2_12-.Ltmp5, $4  }
0x13a: {  	v3 =	vld [tilespmem:s28+$0x3000]  }
0x13b: {  	v5 =	vadd.s32 v5, v6  }
0x13c: {  	v5 =	vadd.s32 v4, v5  }
0x13d: {  	v4 =	vld [tilespmem:s28+$0x5000];
	[tilespmem:s24+$0x7000] =	vst v5;
	s24 =	smov.u32 s28  }
0x13e: {  	_ = 	snop  }
0x13f: {  	v2 =	vmul.u32 $0x6541, v2;
	v3 =	vmul.u32 $0xA1, v3;
	_ =	sdelay $0x1  }
0x140: {  	v2 =	vadd.s32 v2, v3  }
0x141: {  	v2 =	vadd.s32 v4, v2  }
0x142: {  	[tilespmem:s24+$0x7000] =	vst v2  }
0x143: {  	_ =	swait.ge [sflag:s13], $0x1000  }
0x144: {  	[sflag:s13] =	ssyncset.done $0x0  }
0x145: {  	s24 =	simm.s32 $0x0;
	s25 =	rddreg [dreg:$0x9];
	[sflag:s13] =	ssyncadd.s32 $0xFFFFF000  }
0x146: {  	[hbm4b:s25+s24] =	stream.linear.scatter [tilespmem:s11], [sflag:$0x5], $0x1000, $0x38;
	[tilespmem:$0x1B000] =	vst v63  }
0x147: {  	_ = 	snop  }
0x148: {  	[spmem:s1] =	stream.indirect.scatter [tilespmem:s14], [sflag:$0x7], $0x1, s11, s4, $0xb8;
	[tilespmem:$0x1B000] =	vst v63  }
0x149: {  	_ =	swait.ge [sflag:s20], $0x1000  }
0x14a: {  	[sflag:s20] =	ssyncset.done $0x0  }
0x14b: {  	[sflag:s20] =	ssyncadd.s32 $0xFFFFF000  }
0x14c: {  	_ =	swait.ge [sflag:s21], $0x1000  }
0x14d: {  	[sflag:s21] =	ssyncset.done $0x0  }
0x14e: {  	[sflag:s21] =	ssyncadd.s32 $0xFFFFF000  }
0x14f: {  	[tilespmem:s16], [sflag:$0x4] =	stream.indirect.gather [hbm4b:s6+s4], $0x1, s15, s4, $0xb8;
	[tilespmem:$0x1B000] =	vst v63  }
0x150: {  	s28 =	rddreg [dreg:$0xa]  }
0x151: {  	[tilespmem:s4], [sflag:$0x2] =	stream.linear.gather [hbm4b:s28+s24], $0x1000, $0x38;
	[tilespmem:$0x1B000] =	vst v63  }
0x152: {  	s28 =	sld [smem:$0x7EB];
	_ =	sdelay $0x2  }
0x153: {  	[tilespmem:s5], [sflag:$0x2] =	stream.linear.gather [hbm4b:s28+s24], $0x1000, $0x38;
	[tilespmem:$0x1B000] =	vst v63  }
0x154: {  	s28 =	sld [smem:$0x7EC];
	_ =	sdelay $0x2  }
0x155: {  	[tilespmem:s8], [sflag:$0x2] =	stream.linear.gather [hbm4b:s28+s24], $0x1000, $0x38;
	[tilespmem:$0x1B000] =	vst v63  }
0x156: {  	_ =	swait.ge [sflag:s10], $0x1000  }
0x157: {  	[sflag:s10] =	ssyncset.done $0x0  }
0x158: {  	[sflag:s10] =	ssyncadd.s32 $0xFFFFF000  }
0x159: {  	_ =	swait.ge [sflag:s10], $0x1000  }
0x15a: {  	[sflag:s10] =	ssyncset.done $0x0  }
0x15b: {  	[sflag:s10] =	ssyncadd.s32 $0xFFFFF000  }
0x15c: {  	_ =	swait.ge [sflag:s10], $0x1000  }
0x15d: {  	[sflag:s10] =	ssyncset.done $0x0  }
0x15e: {  	s24 =	simm.s32 $0x0;
	[sflag:s10] =	ssyncadd.s32 $0xFFFFF000  }
0x15f: {  	v2 =	vld [tilespmem:s24+$0x0]  }
0x160: {  	v3 =	vld [tilespmem:s24+$0x2000];
	_ =	sdelay $0x2  }
0x161: {  	s25 =	simm.s32 $0x40;
	v4 =	vld [tilespmem:s24+$0x4000]  }
.LBB2_14:
0x162: {  	s28 =	sshra.s32 s25, $0x2;
	p0 =	sne.s32 s25, $0x3FC0  }
.Ltmp6:
0x163: {  	s25 =	sadd.s32 $0x40, s25;
	v5 =	vmul.u32 $0x6541, v2;
	v2 =	vld [tilespmem:s28+$0x0];
	v6 =	vmul.u32 $0xA1, v3;
	(pc) =	sbr.rel @p0 .LBB2_14-.Ltmp6, $4  }
0x164: {  	v3 =	vld [tilespmem:s28+$0x2000]  }
0x165: {  	v5 =	vadd.s32 v5, v6  }
0x166: {  	v5 =	vadd.s32 v4, v5  }
0x167: {  	v4 =	vld [tilespmem:s28+$0x4000];
	[tilespmem:s24+$0x6000] =	vst v5;
	s24 =	smov.u32 s28  }
0x168: {  	_ = 	snop  }
0x169: {  	v2 =	vmul.u32 $0x6541, v2;
	v3 =	vmul.u32 $0xA1, v3;
	_ =	sdelay $0x1  }
0x16a: {  	v2 =	vadd.s32 v2, v3  }
0x16b: {  	v2 =	vadd.s32 v4, v2  }
0x16c: {  	[tilespmem:s24+$0x6000] =	vst v2  }
0x16d: {  	_ =	swait.ge [sflag:s17], $0x1000  }
0x16e: {  	[sflag:s17] =	ssyncset.done $0x0  }
0x16f: {  	s24 =	simm.s32 $0x0;
	s25 =	rddreg [dreg:$0xb];
	[sflag:s17] =	ssyncadd.s32 $0xFFFFF000  }
0x170: {  	[hbm4b:s25+s24] =	stream.linear.scatter [tilespmem:s16], [sflag:$0x6], $0x1000, $0x38;
	[tilespmem:$0x1B000] =	vst v63  }
0x171: {  	_ = 	snop  }
0x172: {  	[spmem:s1] =	stream.indirect.scatter [tilespmem:s14], [sflag:$0x8], $0x1, s16, s4, $0xb8;
	[tilespmem:$0x1B000] =	vst v63  }
0x173: {  	_ =	swait.ge [sflag:s18], $0x1000  }
0x174: {  	[sflag:s18] =	ssyncset.done $0x0  }
0x175: {  	[sflag:s18] =	ssyncadd.s32 $0xFFFFF000  }
0x176: {  	_ =	swait.ge [sflag:s19], $0x1000  }
0x177: {  	[sflag:s19] =	ssyncset.done $0x0  }
0x178: {  	[sflag:s19] =	ssyncadd.s32 $0xFFFFF000  }
0x179: {  	[tilespmem:s11], [sflag:$0x3] =	stream.indirect.gather [hbm4b:s6+s4], $0x1, s0, s4, $0xb8;
	[tilespmem:$0x1B000] =	vst v63  }
0x17a: {  	s28 =	rddreg [dreg:$0xc]  }
0x17b: {  	[tilespmem:s24], [sflag:$0x1] =	stream.linear.gather [hbm4b:s28+s24], $0x1000, $0x38;
	[tilespmem:$0x1B000] =	vst v63  }
0x17c: {  	s28 =	sld [smem:$0x7ED];
	_ =	sdelay $0x2  }
0x17d: {  	[tilespmem:s2], [sflag:$0x1] =	stream.linear.gather [hbm4b:s28+s24], $0x1000, $0x38;
	[tilespmem:$0x1B000] =	vst v63  }
0x17e: {  	s28 =	sld [smem:$0x7EE];
	_ =	sdelay $0x2  }
0x17f: {  	[tilespmem:s3], [sflag:$0x1] =	stream.linear.gather [hbm4b:s28+s24], $0x1000, $0x38;
	[tilespmem:$0x1B000] =	vst v63  }
0x180: {  	_ =	swait.ge [sflag:s12], $0x1000  }
0x181: {  	[sflag:s12] =	ssyncset.done $0x0  }
0x182: {  	[sflag:s12] =	ssyncadd.s32 $0xFFFFF000  }
0x183: {  	_ =	swait.ge [sflag:s12], $0x1000  }
0x184: {  	[sflag:s12] =	ssyncset.done $0x0  }
0x185: {  	[sflag:s12] =	ssyncadd.s32 $0xFFFFF000  }
0x186: {  	_ =	swait.ge [sflag:s12], $0x1000  }
0x187: {  	[sflag:s12] =	ssyncset.done $0x0  }
0x188: {  	s24 =	simm.s32 $0x0;
	[sflag:s12] =	ssyncadd.s32 $0xFFFFF000  }
0x189: {  	v2 =	vld [tilespmem:s24+$0x1000]  }
0x18a: {  	v3 =	vld [tilespmem:s24+$0x3000];
	_ =	sdelay $0x2  }
0x18b: {  	s25 =	simm.s32 $0x40;
	v4 =	vld [tilespmem:s24+$0x5000]  }
.LBB2_16:
0x18c: {  	s28 =	sshra.s32 s25, $0x2;
	p0 =	sne.s32 s25, $0x3FC0  }
.Ltmp7:
0x18d: {  	s25 =	sadd.s32 $0x40, s25;
	v5 =	vmul.u32 $0x6541, v2;
	v2 =	vld [tilespmem:s28+$0x1000];
	v6 =	vmul.u32 $0xA1, v3;
	(pc) =	sbr.rel @p0 .LBB2_16-.Ltmp7, $4  }
0x18e: {  	v3 =	vld [tilespmem:s28+$0x3000]  }
0x18f: {  	v5 =	vadd.s32 v5, v6  }
0x190: {  	v5 =	vadd.s32 v4, v5  }
0x191: {  	v4 =	vld [tilespmem:s28+$0x5000];
	[tilespmem:s24+$0x7000] =	vst v5;
	s24 =	smov.u32 s28  }
0x192: {  	_ = 	snop  }
0x193: {  	v2 =	vmul.u32 $0x6541, v2;
	v3 =	vmul.u32 $0xA1, v3;
	_ =	sdelay $0x1  }
0x194: {  	v2 =	vadd.s32 v2, v3  }
0x195: {  	v2 =	vadd.s32 v4, v2  }
0x196: {  	[tilespmem:s24+$0x7000] =	vst v2  }
0x197: {  	_ =	swait.ge [sflag:s13], $0x1000  }
0x198: {  	[sflag:s13] =	ssyncset.done $0x0  }
0x199: {  	s24 =	simm.s32 $0x0;
	s25 =	rddreg [dreg:$0xd];
	[sflag:s13] =	ssyncadd.s32 $0xFFFFF000  }
0x19a: {  	[hbm4b:s25+s24] =	stream.linear.scatter [tilespmem:s11], [sflag:$0x5], $0x1000, $0x38;
	[tilespmem:$0x1B000] =	vst v63  }
0x19b: {  	_ = 	snop  }
0x19c: {  	[spmem:s1] =	stream.indirect.scatter [tilespmem:s14], [sflag:$0x7], $0x1, s11, s4, $0xb8;
	[tilespmem:$0x1B000] =	vst v63  }
0x19d: {  	_ =	swait.ge [sflag:s20], $0x1000  }
0x19e: {  	[sflag:s20] =	ssyncset.done $0x0  }
0x19f: {  	[sflag:s20] =	ssyncadd.s32 $0xFFFFF000  }
0x1a0: {  	_ =	swait.ge [sflag:s21], $0x1000  }
0x1a1: {  	[sflag:s21] =	ssyncset.done $0x0  }
0x1a2: {  	[sflag:s21] =	ssyncadd.s32 $0xFFFFF000  }
0x1a3: {  	[tilespmem:s16], [sflag:$0x4] =	stream.indirect.gather [hbm4b:s6+s4], $0x1, s15, s4, $0xb8;
	[tilespmem:$0x1B000] =	vst v63  }
0x1a4: {  	s28 =	rddreg [dreg:$0xe]  }
0x1a5: {  	[tilespmem:s4], [sflag:$0x2] =	stream.linear.gather [hbm4b:s28+s24], $0x1000, $0x38;
	[tilespmem:$0x1B000] =	vst v63  }
0x1a6: {  	s28 =	sld [smem:$0x7EF];
	_ =	sdelay $0x2  }
0x1a7: {  	[tilespmem:s5], [sflag:$0x2] =	stream.linear.gather [hbm4b:s28+s24], $0x1000, $0x38;
	[tilespmem:$0x1B000] =	vst v63  }
0x1a8: {  	s28 =	sld [smem:$0x7F0];
	_ =	sdelay $0x2  }
0x1a9: {  	[tilespmem:s8], [sflag:$0x2] =	stream.linear.gather [hbm4b:s28+s24], $0x1000, $0x38;
	[tilespmem:$0x1B000] =	vst v63  }
0x1aa: {  	_ =	swait.ge [sflag:s10], $0x1000  }
0x1ab: {  	[sflag:s10] =	ssyncset.done $0x0  }
0x1ac: {  	[sflag:s10] =	ssyncadd.s32 $0xFFFFF000  }
0x1ad: {  	_ =	swait.ge [sflag:s10], $0x1000  }
0x1ae: {  	[sflag:s10] =	ssyncset.done $0x0  }
0x1af: {  	[sflag:s10] =	ssyncadd.s32 $0xFFFFF000  }
0x1b0: {  	_ =	swait.ge [sflag:s10], $0x1000  }
0x1b1: {  	[sflag:s10] =	ssyncset.done $0x0  }
0x1b2: {  	s24 =	simm.s32 $0x0;
	[sflag:s10] =	ssyncadd.s32 $0xFFFFF000  }
0x1b3: {  	v2 =	vld [tilespmem:s24+$0x0]  }
0x1b4: {  	v3 =	vld [tilespmem:s24+$0x2000];
	_ =	sdelay $0x2  }
0x1b5: {  	s25 =	simm.s32 $0x40;
	v4 =	vld [tilespmem:s24+$0x4000]  }
.LBB2_18:
0x1b6: {  	s28 =	sshra.s32 s25, $0x2;
	p0 =	sne.s32 s25, $0x3FC0  }
.Ltmp8:
0x1b7: {  	s25 =	sadd.s32 $0x40, s25;
	v5 =	vmul.u32 $0x6541, v2;
	v2 =	vld [tilespmem:s28+$0x0];
	v6 =	vmul.u32 $0xA1, v3;
	(pc) =	sbr.rel @p0 .LBB2_18-.Ltmp8, $4  }
0x1b8: {  	v3 =	vld [tilespmem:s28+$0x2000]  }
0x1b9: {  	v5 =	vadd.s32 v5, v6  }
0x1ba: {  	v5 =	vadd.s32 v4, v5  }
0x1bb: {  	v4 =	vld [tilespmem:s28+$0x4000];
	[tilespmem:s24+$0x6000] =	vst v5;
	s24 =	smov.u32 s28  }
0x1bc: {  	_ = 	snop  }
0x1bd: {  	v2 =	vmul.u32 $0x6541, v2;
	v3 =	vmul.u32 $0xA1, v3;
	_ =	sdelay $0x1  }
0x1be: {  	v2 =	vadd.s32 v2, v3  }
0x1bf: {  	v2 =	vadd.s32 v4, v2  }
0x1c0: {  	[tilespmem:s24+$0x6000] =	vst v2  }
0x1c1: {  	_ =	swait.ge [sflag:s17], $0x1000  }
0x1c2: {  	[sflag:s17] =	ssyncset.done $0x0  }
0x1c3: {  	s24 =	simm.s32 $0x0;
	s25 =	rddreg [dreg:$0xf];
	[sflag:s17] =	ssyncadd.s32 $0xFFFFF000  }
0x1c4: {  	[hbm4b:s25+s24] =	stream.linear.scatter [tilespmem:s16], [sflag:$0x6], $0x1000, $0x38;
	[tilespmem:$0x1B000] =	vst v63  }
0x1c5: {  	_ = 	snop  }
0x1c6: {  	[spmem:s1] =	stream.indirect.scatter [tilespmem:s14], [sflag:$0x8], $0x1, s16, s4, $0xb8;
	[tilespmem:$0x1B000] =	vst v63  }
0x1c7: {  	_ =	swait.ge [sflag:s18], $0x1000  }
0x1c8: {  	[sflag:s18] =	ssyncset.done $0x0  }
0x1c9: {  	[sflag:s18] =	ssyncadd.s32 $0xFFFFF000  }
0x1ca: {  	_ =	swait.ge [sflag:s19], $0x1000  }
0x1cb: {  	[sflag:s19] =	ssyncset.done $0x0  }
0x1cc: {  	[sflag:s19] =	ssyncadd.s32 $0xFFFFF000  }
0x1cd: {  	[tilespmem:s11], [sflag:$0x3] =	stream.indirect.gather [hbm4b:s6+s4], $0x1, s0, s4, $0xb8;
	[tilespmem:$0x1B000] =	vst v63  }
0x1ce: {  	s28 =	rddreg [dreg:$0x12]  }
0x1cf: {  	[tilespmem:s24], [sflag:$0x1] =	stream.linear.gather [hbm4b:s28+s24], $0x1000, $0x38;
	[tilespmem:$0x1B000] =	vst v63  }
0x1d0: {  	s28 =	sld [smem:$0x7F1];
	_ =	sdelay $0x2  }
0x1d1: {  	[tilespmem:s2], [sflag:$0x1] =	stream.linear.gather [hbm4b:s28+s24], $0x1000, $0x38;
	[tilespmem:$0x1B000] =	vst v63  }
0x1d2: {  	s28 =	sld [smem:$0x7F2];
	_ =	sdelay $0x2  }
0x1d3: {  	[tilespmem:s3], [sflag:$0x1] =	stream.linear.gather [hbm4b:s28+s24], $0x1000, $0x38;
	[tilespmem:$0x1B000] =	vst v63  }
0x1d4: {  	_ =	swait.ge [sflag:s12], $0x1000  }
0x1d5: {  	[sflag:s12] =	ssyncset.done $0x0  }
0x1d6: {  	[sflag:s12] =	ssyncadd.s32 $0xFFFFF000  }
0x1d7: {  	_ =	swait.ge [sflag:s12], $0x1000  }
0x1d8: {  	[sflag:s12] =	ssyncset.done $0x0  }
0x1d9: {  	[sflag:s12] =	ssyncadd.s32 $0xFFFFF000  }
0x1da: {  	_ =	swait.ge [sflag:s12], $0x1000  }
0x1db: {  	[sflag:s12] =	ssyncset.done $0x0  }
0x1dc: {  	s24 =	simm.s32 $0x0;
	[sflag:s12] =	ssyncadd.s32 $0xFFFFF000  }
0x1dd: {  	v2 =	vld [tilespmem:s24+$0x1000]  }
0x1de: {  	v3 =	vld [tilespmem:s24+$0x3000];
	_ =	sdelay $0x2  }
0x1df: {  	s25 =	simm.s32 $0x40;
	v4 =	vld [tilespmem:s24+$0x5000]  }
.LBB2_20:
0x1e0: {  	s28 =	sshra.s32 s25, $0x2;
	p0 =	sne.s32 s25, $0x3FC0  }
.Ltmp9:
0x1e1: {  	s25 =	sadd.s32 $0x40, s25;
	v5 =	vmul.u32 $0x6541, v2;
	v2 =	vld [tilespmem:s28+$0x1000];
	v6 =	vmul.u32 $0xA1, v3;
	(pc) =	sbr.rel @p0 .LBB2_20-.Ltmp9, $4  }
0x1e2: {  	v3 =	vld [tilespmem:s28+$0x3000]  }
0x1e3: {  	v5 =	vadd.s32 v5, v6  }
0x1e4: {  	v5 =	vadd.s32 v4, v5  }
0x1e5: {  	v4 =	vld [tilespmem:s28+$0x5000];
	[tilespmem:s24+$0x7000] =	vst v5;
	s24 =	smov.u32 s28  }
0x1e6: {  	_ = 	snop  }
0x1e7: {  	v2 =	vmul.u32 $0x6541, v2;
	v3 =	vmul.u32 $0xA1, v3;
	_ =	sdelay $0x1  }
0x1e8: {  	v2 =	vadd.s32 v2, v3  }
0x1e9: {  	v2 =	vadd.s32 v4, v2  }
0x1ea: {  	[tilespmem:s24+$0x7000] =	vst v2  }
0x1eb: {  	_ =	swait.ge [sflag:s13], $0x1000  }
0x1ec: {  	[sflag:s13] =	ssyncset.done $0x0  }
0x1ed: {  	s24 =	simm.s32 $0x0;
	s25 =	rddreg [dreg:$0x10];
	[sflag:s13] =	ssyncadd.s32 $0xFFFFF000  }
0x1ee: {  	[hbm4b:s25+s24] =	stream.linear.scatter [tilespmem:s11], [sflag:$0x5], $0x1000, $0x38;
	[tilespmem:$0x1B000] =	vst v63  }
0x1ef: {  	_ = 	snop  }
0x1f0: {  	[spmem:s1] =	stream.indirect.scatter [tilespmem:s14], [sflag:$0x7], $0x1, s11, s4, $0xb8;
	[tilespmem:$0x1B000] =	vst v63  }
0x1f1: {  	_ =	swait.ge [sflag:s20], $0x1000  }
0x1f2: {  	[sflag:s20] =	ssyncset.done $0x0  }
0x1f3: {  	[sflag:s20] =	ssyncadd.s32 $0xFFFFF000  }
0x1f4: {  	_ =	swait.ge [sflag:s21], $0x1000  }
0x1f5: {  	[sflag:s21] =	ssyncset.done $0x0  }
0x1f6: {  	[sflag:s21] =	ssyncadd.s32 $0xFFFFF000  }
0x1f7: {  	[tilespmem:s16], [sflag:$0x4] =	stream.indirect.gather [hbm4b:s6+s4], $0x1, s15, s4, $0xb8;
	[tilespmem:$0x1B000] =	vst v63  }
0x1f8: {  	s28 =	rddreg [dreg:$0x14]  }
0x1f9: {  	[tilespmem:s4], [sflag:$0x2] =	stream.linear.gather [hbm4b:s28+s24], $0x1000, $0x38;
	[tilespmem:$0x1B000] =	vst v63  }
0x1fa: {  	s28 =	sld [smem:$0x7F3];
	_ =	sdelay $0x2  }
0x1fb: {  	[tilespmem:s5], [sflag:$0x2] =	stream.linear.gather [hbm4b:s28+s24], $0x1000, $0x38;
	[tilespmem:$0x1B000] =	vst v63  }
0x1fc: {  	s28 =	sld [smem:$0x7F4];
	_ =	sdelay $0x2  }
0x1fd: {  	[tilespmem:s8], [sflag:$0x2] =	stream.linear.gather [hbm4b:s28+s24], $0x1000, $0x38;
	[tilespmem:$0x1B000] =	vst v63  }
0x1fe: {  	_ =	swait.ge [sflag:s10], $0x1000  }
0x1ff: {  	[sflag:s10] =	ssyncset.done $0x0  }
0x200: {  	[sflag:s10] =	ssyncadd.s32 $0xFFFFF000  }
0x201: {  	_ =	swait.ge [sflag:s10], $0x1000  }
0x202: {  	[sflag:s10] =	ssyncset.done $0x0  }
0x203: {  	[sflag:s10] =	ssyncadd.s32 $0xFFFFF000  }
0x204: {  	_ =	swait.ge [sflag:s10], $0x1000  }
0x205: {  	[sflag:s10] =	ssyncset.done $0x0  }
0x206: {  	s24 =	simm.s32 $0x0;
	[sflag:s10] =	ssyncadd.s32 $0xFFFFF000  }
0x207: {  	v2 =	vld [tilespmem:s24+$0x0]  }
0x208: {  	v3 =	vld [tilespmem:s24+$0x2000];
	_ =	sdelay $0x2  }
0x209: {  	s25 =	simm.s32 $0x40;
	v4 =	vld [tilespmem:s24+$0x4000]  }
.LBB2_22:
0x20a: {  	s28 =	sshra.s32 s25, $0x2;
	p0 =	sne.s32 s25, $0x3FC0  }
.Ltmp10:
0x20b: {  	s25 =	sadd.s32 $0x40, s25;
	v5 =	vmul.u32 $0x6541, v2;
	v2 =	vld [tilespmem:s28+$0x0];
	v6 =	vmul.u32 $0xA1, v3;
	(pc) =	sbr.rel @p0 .LBB2_22-.Ltmp10, $4  }
0x20c: {  	v3 =	vld [tilespmem:s28+$0x2000]  }
0x20d: {  	v5 =	vadd.s32 v5, v6  }
0x20e: {  	v5 =	vadd.s32 v4, v5  }
0x20f: {  	v4 =	vld [tilespmem:s28+$0x4000];
	[tilespmem:s24+$0x6000] =	vst v5;
	s24 =	smov.u32 s28  }
0x210: {  	_ = 	snop  }
0x211: {  	v2 =	vmul.u32 $0x6541, v2;
	v3 =	vmul.u32 $0xA1, v3;
	_ =	sdelay $0x1  }
0x212: {  	v2 =	vadd.s32 v2, v3  }
0x213: {  	v2 =	vadd.s32 v4, v2  }
0x214: {  	[tilespmem:s24+$0x6000] =	vst v2  }
0x215: {  	_ =	swait.ge [sflag:s17], $0x1000  }
0x216: {  	[sflag:s17] =	ssyncset.done $0x0  }
0x217: {  	s24 =	simm.s32 $0x0;
	s25 =	rddreg [dreg:$0x11];
	[sflag:s17] =	ssyncadd.s32 $0xFFFFF000  }
0x218: {  	[hbm4b:s25+s24] =	stream.linear.scatter [tilespmem:s16], [sflag:$0x6], $0x1000, $0x38;
	[tilespmem:$0x1B000] =	vst v63  }
0x219: {  	_ = 	snop  }
0x21a: {  	[spmem:s1] =	stream.indirect.scatter [tilespmem:s14], [sflag:$0x8], $0x1, s16, s4, $0xb8;
	[tilespmem:$0x1B000] =	vst v63  }
0x21b: {  	_ =	swait.ge [sflag:s18], $0x1000  }
0x21c: {  	[sflag:s18] =	ssyncset.done $0x0  }
0x21d: {  	[sflag:s18] =	ssyncadd.s32 $0xFFFFF000  }
0x21e: {  	_ =	swait.ge [sflag:s19], $0x1000  }
0x21f: {  	[sflag:s19] =	ssyncset.done $0x0  }
0x220: {  	[sflag:s19] =	ssyncadd.s32 $0xFFFFF000  }
0x221: {  	[tilespmem:s11], [sflag:$0x3] =	stream.indirect.gather [hbm4b:s6+s4], $0x1, s0, s4, $0xb8;
	[tilespmem:$0x1B000] =	vst v63  }
0x222: {  	s28 =	rddreg [dreg:$0x16]  }
0x223: {  	[tilespmem:s24], [sflag:$0x1] =	stream.linear.gather [hbm4b:s28+s24], $0x1000, $0x38;
	[tilespmem:$0x1B000] =	vst v63  }
0x224: {  	s28 =	sld [smem:$0x7F5];
	_ =	sdelay $0x2  }
0x225: {  	[tilespmem:s2], [sflag:$0x1] =	stream.linear.gather [hbm4b:s28+s24], $0x1000, $0x38;
	[tilespmem:$0x1B000] =	vst v63  }
0x226: {  	s28 =	sld [smem:$0x7F6];
	_ =	sdelay $0x2  }
0x227: {  	[tilespmem:s3], [sflag:$0x1] =	stream.linear.gather [hbm4b:s28+s24], $0x1000, $0x38;
	[tilespmem:$0x1B000] =	vst v63  }
0x228: {  	_ =	swait.ge [sflag:s12], $0x1000  }
0x229: {  	[sflag:s12] =	ssyncset.done $0x0  }
0x22a: {  	[sflag:s12] =	ssyncadd.s32 $0xFFFFF000  }
0x22b: {  	_ =	swait.ge [sflag:s12], $0x1000  }
0x22c: {  	[sflag:s12] =	ssyncset.done $0x0  }
0x22d: {  	[sflag:s12] =	ssyncadd.s32 $0xFFFFF000  }
0x22e: {  	_ =	swait.ge [sflag:s12], $0x1000  }
0x22f: {  	[sflag:s12] =	ssyncset.done $0x0  }
0x230: {  	s24 =	simm.s32 $0x0;
	[sflag:s12] =	ssyncadd.s32 $0xFFFFF000  }
0x231: {  	v2 =	vld [tilespmem:s24+$0x1000]  }
0x232: {  	v3 =	vld [tilespmem:s24+$0x3000];
	_ =	sdelay $0x2  }
0x233: {  	s25 =	simm.s32 $0x40;
	v4 =	vld [tilespmem:s24+$0x5000]  }
.LBB2_24:
0x234: {  	s28 =	sshra.s32 s25, $0x2;
	p0 =	sne.s32 s25, $0x3FC0  }
.Ltmp11:
0x235: {  	s25 =	sadd.s32 $0x40, s25;
	v5 =	vmul.u32 $0x6541, v2;
	v2 =	vld [tilespmem:s28+$0x1000];
	v6 =	vmul.u32 $0xA1, v3;
	(pc) =	sbr.rel @p0 .LBB2_24-.Ltmp11, $4  }
0x236: {  	v3 =	vld [tilespmem:s28+$0x3000]  }
0x237: {  	v5 =	vadd.s32 v5, v6  }
0x238: {  	v5 =	vadd.s32 v4, v5  }
0x239: {  	v4 =	vld [tilespmem:s28+$0x5000];
	[tilespmem:s24+$0x7000] =	vst v5;
	s24 =	smov.u32 s28  }
0x23a: {  	_ = 	snop  }
0x23b: {  	v2 =	vmul.u32 $0x6541, v2;
	v3 =	vmul.u32 $0xA1, v3;
	_ =	sdelay $0x1  }
0x23c: {  	v2 =	vadd.s32 v2, v3  }
0x23d: {  	v2 =	vadd.s32 v4, v2  }
0x23e: {  	[tilespmem:s24+$0x7000] =	vst v2  }
0x23f: {  	_ =	swait.ge [sflag:s13], $0x1000  }
0x240: {  	[sflag:s13] =	ssyncset.done $0x0  }
0x241: {  	s24 =	simm.s32 $0x0;
	s25 =	rddreg [dreg:$0x13];
	[sflag:s13] =	ssyncadd.s32 $0xFFFFF000  }
0x242: {  	[hbm4b:s25+s24] =	stream.linear.scatter [tilespmem:s11], [sflag:$0x5], $0x1000, $0x38;
	[tilespmem:$0x1B000] =	vst v63  }
0x243: {  	_ = 	snop  }
0x244: {  	[spmem:s1] =	stream.indirect.scatter [tilespmem:s14], [sflag:$0x7], $0x1, s11, s4, $0xb8;
	[tilespmem:$0x1B000] =	vst v63  }
0x245: {  	_ =	swait.ge [sflag:s20], $0x1000  }
0x246: {  	[sflag:s20] =	ssyncset.done $0x0  }
0x247: {  	[sflag:s20] =	ssyncadd.s32 $0xFFFFF000  }
0x248: {  	_ =	swait.ge [sflag:s21], $0x1000  }
0x249: {  	[sflag:s21] =	ssyncset.done $0x0  }
0x24a: {  	[sflag:s21] =	ssyncadd.s32 $0xFFFFF000  }
0x24b: {  	[tilespmem:s16], [sflag:$0x4] =	stream.indirect.gather [hbm4b:s6+s4], $0x1, s15, s4, $0xb8;
	[tilespmem:$0x1B000] =	vst v63  }
0x24c: {  	s28 =	rddreg [dreg:$0x18]  }
0x24d: {  	[tilespmem:s4], [sflag:$0x2] =	stream.linear.gather [hbm4b:s28+s24], $0x1000, $0x38;
	[tilespmem:$0x1B000] =	vst v63  }
0x24e: {  	s28 =	sld [smem:$0x7F7];
	_ =	sdelay $0x2  }
0x24f: {  	[tilespmem:s5], [sflag:$0x2] =	stream.linear.gather [hbm4b:s28+s24], $0x1000, $0x38;
	[tilespmem:$0x1B000] =	vst v63  }
0x250: {  	s28 =	sld [smem:$0x7F8];
	_ =	sdelay $0x2  }
0x251: {  	[tilespmem:s8], [sflag:$0x2] =	stream.linear.gather [hbm4b:s28+s24], $0x1000, $0x38;
	[tilespmem:$0x1B000] =	vst v63  }
0x252: {  	_ =	swait.ge [sflag:s10], $0x1000  }
0x253: {  	[sflag:s10] =	ssyncset.done $0x0  }
0x254: {  	[sflag:s10] =	ssyncadd.s32 $0xFFFFF000  }
0x255: {  	_ =	swait.ge [sflag:s10], $0x1000  }
0x256: {  	[sflag:s10] =	ssyncset.done $0x0  }
0x257: {  	[sflag:s10] =	ssyncadd.s32 $0xFFFFF000  }
0x258: {  	_ =	swait.ge [sflag:s10], $0x1000  }
0x259: {  	[sflag:s10] =	ssyncset.done $0x0  }
0x25a: {  	s24 =	simm.s32 $0x0;
	[sflag:s10] =	ssyncadd.s32 $0xFFFFF000  }
0x25b: {  	v2 =	vld [tilespmem:s24+$0x0]  }
0x25c: {  	v3 =	vld [tilespmem:s24+$0x2000];
	_ =	sdelay $0x2  }
0x25d: {  	s25 =	simm.s32 $0x40;
	v4 =	vld [tilespmem:s24+$0x4000]  }
.LBB2_26:
0x25e: {  	s28 =	sshra.s32 s25, $0x2;
	p0 =	sne.s32 s25, $0x3FC0  }
.Ltmp12:
0x25f: {  	s25 =	sadd.s32 $0x40, s25;
	v5 =	vmul.u32 $0x6541, v2;
	v2 =	vld [tilespmem:s28+$0x0];
	v6 =	vmul.u32 $0xA1, v3;
	(pc) =	sbr.rel @p0 .LBB2_26-.Ltmp12, $4  }
0x260: {  	v3 =	vld [tilespmem:s28+$0x2000]  }
0x261: {  	v5 =	vadd.s32 v5, v6  }
0x262: {  	v5 =	vadd.s32 v4, v5  }
0x263: {  	v4 =	vld [tilespmem:s28+$0x4000];
	[tilespmem:s24+$0x6000] =	vst v5;
	s24 =	smov.u32 s28  }
0x264: {  	_ = 	snop  }
0x265: {  	v2 =	vmul.u32 $0x6541, v2;
	v3 =	vmul.u32 $0xA1, v3;
	_ =	sdelay $0x1  }
0x266: {  	v2 =	vadd.s32 v2, v3  }
0x267: {  	v2 =	vadd.s32 v4, v2  }
0x268: {  	[tilespmem:s24+$0x6000] =	vst v2  }
0x269: {  	_ =	swait.ge [sflag:s17], $0x1000  }
0x26a: {  	[sflag:s17] =	ssyncset.done $0x0  }
0x26b: {  	s24 =	simm.s32 $0x0;
	s25 =	rddreg [dreg:$0x15];
	[sflag:s17] =	ssyncadd.s32 $0xFFFFF000  }
0x26c: {  	[hbm4b:s25+s24] =	stream.linear.scatter [tilespmem:s16], [sflag:$0x6], $0x1000, $0x38;
	[tilespmem:$0x1B000] =	vst v63  }
0x26d: {  	_ = 	snop  }
0x26e: {  	[spmem:s1] =	stream.indirect.scatter [tilespmem:s14], [sflag:$0x8], $0x1, s16, s4, $0xb8;
	[tilespmem:$0x1B000] =	vst v63  }
0x26f: {  	_ =	swait.ge [sflag:s18], $0x1000  }
0x270: {  	[sflag:s18] =	ssyncset.done $0x0  }
0x271: {  	[sflag:s18] =	ssyncadd.s32 $0xFFFFF000  }
0x272: {  	_ =	swait.ge [sflag:s19], $0x1000  }
0x273: {  	[sflag:s19] =	ssyncset.done $0x0  }
0x274: {  	[sflag:s19] =	ssyncadd.s32 $0xFFFFF000  }
0x275: {  	[tilespmem:s11], [sflag:$0x3] =	stream.indirect.gather [hbm4b:s6+s4], $0x1, s0, s4, $0xb8;
	[tilespmem:$0x1B000] =	vst v63  }
0x276: {  	s28 =	rddreg [dreg:$0x1b]  }
0x277: {  	[tilespmem:s24], [sflag:$0x1] =	stream.linear.gather [hbm4b:s28+s24], $0x1000, $0x38;
	[tilespmem:$0x1B000] =	vst v63  }
0x278: {  	s28 =	sld [smem:$0x7F9];
	_ =	sdelay $0x2  }
0x279: {  	[tilespmem:s2], [sflag:$0x1] =	stream.linear.gather [hbm4b:s28+s24], $0x1000, $0x38;
	[tilespmem:$0x1B000] =	vst v63  }
0x27a: {  	s28 =	sld [smem:$0x7FA];
	_ =	sdelay $0x2  }
0x27b: {  	[tilespmem:s3], [sflag:$0x1] =	stream.linear.gather [hbm4b:s28+s24], $0x1000, $0x38;
	[tilespmem:$0x1B000] =	vst v63  }
0x27c: {  	_ =	swait.ge [sflag:s12], $0x1000  }
0x27d: {  	[sflag:s12] =	ssyncset.done $0x0  }
0x27e: {  	[sflag:s12] =	ssyncadd.s32 $0xFFFFF000  }
0x27f: {  	_ =	swait.ge [sflag:s12], $0x1000  }
0x280: {  	[sflag:s12] =	ssyncset.done $0x0  }
0x281: {  	[sflag:s12] =	ssyncadd.s32 $0xFFFFF000  }
0x282: {  	_ =	swait.ge [sflag:s12], $0x1000  }
0x283: {  	[sflag:s12] =	ssyncset.done $0x0  }
0x284: {  	s24 =	simm.s32 $0x0;
	[sflag:s12] =	ssyncadd.s32 $0xFFFFF000  }
0x285: {  	v2 =	vld [tilespmem:s24+$0x1000]  }
0x286: {  	v3 =	vld [tilespmem:s24+$0x3000];
	_ =	sdelay $0x2  }
0x287: {  	s25 =	simm.s32 $0x40;
	v4 =	vld [tilespmem:s24+$0x5000]  }
.LBB2_28:
0x288: {  	s28 =	sshra.s32 s25, $0x2;
	p0 =	sne.s32 s25, $0x3FC0  }
.Ltmp13:
0x289: {  	s25 =	sadd.s32 $0x40, s25;
	v5 =	vmul.u32 $0x6541, v2;
	v2 =	vld [tilespmem:s28+$0x1000];
	v6 =	vmul.u32 $0xA1, v3;
	(pc) =	sbr.rel @p0 .LBB2_28-.Ltmp13, $4  }
0x28a: {  	v3 =	vld [tilespmem:s28+$0x3000]  }
0x28b: {  	v5 =	vadd.s32 v5, v6  }
0x28c: {  	v5 =	vadd.s32 v4, v5  }
0x28d: {  	v4 =	vld [tilespmem:s28+$0x5000];
	[tilespmem:s24+$0x7000] =	vst v5;
	s24 =	smov.u32 s28  }
0x28e: {  	_ = 	snop  }
0x28f: {  	v2 =	vmul.u32 $0x6541, v2;
	v3 =	vmul.u32 $0xA1, v3;
	_ =	sdelay $0x1  }
0x290: {  	v2 =	vadd.s32 v2, v3  }
0x291: {  	v2 =	vadd.s32 v4, v2  }
0x292: {  	[tilespmem:s24+$0x7000] =	vst v2  }
0x293: {  	_ =	swait.ge [sflag:s13], $0x1000  }
0x294: {  	[sflag:s13] =	ssyncset.done $0x0  }
0x295: {  	s24 =	simm.s32 $0x0;
	s25 =	rddreg [dreg:$0x17];
	[sflag:s13] =	ssyncadd.s32 $0xFFFFF000  }
0x296: {  	[hbm4b:s25+s24] =	stream.linear.scatter [tilespmem:s11], [sflag:$0x5], $0x1000, $0x38;
	[tilespmem:$0x1B000] =	vst v63  }
0x297: {  	_ = 	snop  }
0x298: {  	[spmem:s1] =	stream.indirect.scatter [tilespmem:s14], [sflag:$0x7], $0x1, s11, s4, $0xb8;
	[tilespmem:$0x1B000] =	vst v63  }
0x299: {  	_ =	swait.ge [sflag:s20], $0x1000  }
0x29a: {  	[sflag:s20] =	ssyncset.done $0x0  }
0x29b: {  	[sflag:s20] =	ssyncadd.s32 $0xFFFFF000  }
0x29c: {  	_ =	swait.ge [sflag:s21], $0x1000  }
0x29d: {  	[sflag:s21] =	ssyncset.done $0x0  }
0x29e: {  	[sflag:s21] =	ssyncadd.s32 $0xFFFFF000  }
0x29f: {  	[tilespmem:s16], [sflag:$0x4] =	stream.indirect.gather [hbm4b:s6+s4], $0x1, s15, s4, $0xb8;
	[tilespmem:$0x1B000] =	vst v63  }
0x2a0: {  	s28 =	rddreg [dreg:$0x1d]  }
0x2a1: {  	[tilespmem:s4], [sflag:$0x2] =	stream.linear.gather [hbm4b:s28+s24], $0x1000, $0x38;
	[tilespmem:$0x1B000] =	vst v63  }
0x2a2: {  	s28 =	sld [smem:$0x7FB];
	_ =	sdelay $0x2  }
0x2a3: {  	[tilespmem:s5], [sflag:$0x2] =	stream.linear.gather [hbm4b:s28+s24], $0x1000, $0x38;
	[tilespmem:$0x1B000] =	vst v63  }
0x2a4: {  	s28 =	sld [smem:$0x7FC];
	_ =	sdelay $0x2  }
0x2a5: {  	[tilespmem:s8], [sflag:$0x2] =	stream.linear.gather [hbm4b:s28+s24], $0x1000, $0x38;
	[tilespmem:$0x1B000] =	vst v63  }
0x2a6: {  	_ =	swait.ge [sflag:s10], $0x1000  }
0x2a7: {  	[sflag:s10] =	ssyncset.done $0x0  }
0x2a8: {  	[sflag:s10] =	ssyncadd.s32 $0xFFFFF000  }
0x2a9: {  	_ =	swait.ge [sflag:s10], $0x1000  }
0x2aa: {  	[sflag:s10] =	ssyncset.done $0x0  }
0x2ab: {  	[sflag:s10] =	ssyncadd.s32 $0xFFFFF000  }
0x2ac: {  	_ =	swait.ge [sflag:s10], $0x1000  }
0x2ad: {  	[sflag:s10] =	ssyncset.done $0x0  }
0x2ae: {  	s24 =	simm.s32 $0x0;
	[sflag:s10] =	ssyncadd.s32 $0xFFFFF000  }
0x2af: {  	v2 =	vld [tilespmem:s24+$0x0]  }
0x2b0: {  	v3 =	vld [tilespmem:s24+$0x2000];
	_ =	sdelay $0x2  }
0x2b1: {  	s25 =	simm.s32 $0x40;
	v4 =	vld [tilespmem:s24+$0x4000]  }
.LBB2_30:
0x2b2: {  	s28 =	sshra.s32 s25, $0x2;
	p0 =	sne.s32 s25, $0x3FC0  }
.Ltmp14:
0x2b3: {  	s25 =	sadd.s32 $0x40, s25;
	v5 =	vmul.u32 $0x6541, v2;
	v2 =	vld [tilespmem:s28+$0x0];
	v6 =	vmul.u32 $0xA1, v3;
	(pc) =	sbr.rel @p0 .LBB2_30-.Ltmp14, $4  }
0x2b4: {  	v3 =	vld [tilespmem:s28+$0x2000]  }
0x2b5: {  	v5 =	vadd.s32 v5, v6  }
0x2b6: {  	v5 =	vadd.s32 v4, v5  }
0x2b7: {  	v4 =	vld [tilespmem:s28+$0x4000];
	[tilespmem:s24+$0x6000] =	vst v5;
	s24 =	smov.u32 s28  }
0x2b8: {  	_ = 	snop  }
0x2b9: {  	v2 =	vmul.u32 $0x6541, v2;
	v3 =	vmul.u32 $0xA1, v3;
	_ =	sdelay $0x1  }
0x2ba: {  	v2 =	vadd.s32 v2, v3  }
0x2bb: {  	v2 =	vadd.s32 v4, v2  }
0x2bc: {  	[tilespmem:s24+$0x6000] =	vst v2  }
0x2bd: {  	_ =	swait.ge [sflag:s17], $0x1000  }
0x2be: {  	[sflag:s17] =	ssyncset.done $0x0  }
0x2bf: {  	s24 =	simm.s32 $0x0;
	s25 =	rddreg [dreg:$0x19];
	[sflag:s17] =	ssyncadd.s32 $0xFFFFF000  }
0x2c0: {  	[hbm4b:s25+s24] =	stream.linear.scatter [tilespmem:s16], [sflag:$0x6], $0x1000, $0x38;
	[tilespmem:$0x1B000] =	vst v63  }
0x2c1: {  	_ = 	snop  }
0x2c2: {  	[spmem:s1] =	stream.indirect.scatter [tilespmem:s14], [sflag:$0x8], $0x1, s16, s4, $0xb8;
	[tilespmem:$0x1B000] =	vst v63  }
0x2c3: {  	_ =	swait.ge [sflag:s18], $0x1000  }
0x2c4: {  	[sflag:s18] =	ssyncset.done $0x0  }
0x2c5: {  	[sflag:s18] =	ssyncadd.s32 $0xFFFFF000  }
0x2c6: {  	_ =	swait.ge [sflag:s19], $0x1000  }
0x2c7: {  	[sflag:s19] =	ssyncset.done $0x0  }
0x2c8: {  	[sflag:s19] =	ssyncadd.s32 $0xFFFFF000  }
0x2c9: {  	[tilespmem:s11], [sflag:$0x3] =	stream.indirect.gather [hbm4b:s6+s4], $0x1, s0, s4, $0xb8;
	[tilespmem:$0x1B000] =	vst v63  }
0x2ca: {  	s28 =	rddreg [dreg:$0x1f]  }
0x2cb: {  	[tilespmem:s24], [sflag:$0x1] =	stream.linear.gather [hbm4b:s28+s24], $0x1000, $0x38;
	[tilespmem:$0x1B000] =	vst v63  }
0x2cc: {  	s28 =	sld [smem:$0x7FD];
	_ =	sdelay $0x2  }
0x2cd: {  	[tilespmem:s2], [sflag:$0x1] =	stream.linear.gather [hbm4b:s28+s24], $0x1000, $0x38;
	[tilespmem:$0x1B000] =	vst v63  }
0x2ce: {  	_ = 	snop  }
0x2cf: {  	[tilespmem:s3], [sflag:$0x1] =	stream.linear.gather [hbm4b:s31+s24], $0x1000, $0x38;
	[tilespmem:$0x1B000] =	vst v63  }
0x2d0: {  	_ =	swait.ge [sflag:s12], $0x1000  }
0x2d1: {  	[sflag:s12] =	ssyncset.done $0x0  }
0x2d2: {  	[sflag:s12] =	ssyncadd.s32 $0xFFFFF000  }
0x2d3: {  	_ =	swait.ge [sflag:s12], $0x1000  }
0x2d4: {  	[sflag:s12] =	ssyncset.done $0x0  }
0x2d5: {  	[sflag:s12] =	ssyncadd.s32 $0xFFFFF000  }
0x2d6: {  	_ =	swait.ge [sflag:s12], $0x1000  }
0x2d7: {  	[sflag:s12] =	ssyncset.done $0x0  }
0x2d8: {  	s24 =	simm.s32 $0x0;
	[sflag:s12] =	ssyncadd.s32 $0xFFFFF000  }
0x2d9: {  	v2 =	vld [tilespmem:s24+$0x1000]  }
0x2da: {  	v3 =	vld [tilespmem:s24+$0x3000];
	_ =	sdelay $0x2  }
0x2db: {  	s25 =	simm.s32 $0x40;
	v4 =	vld [tilespmem:s24+$0x5000]  }
.LBB2_32:
0x2dc: {  	s28 =	sshra.s32 s25, $0x2;
	p0 =	sne.s32 s25, $0x3FC0  }
.Ltmp15:
0x2dd: {  	s25 =	sadd.s32 $0x40, s25;
	v5 =	vmul.u32 $0x6541, v2;
	v2 =	vld [tilespmem:s28+$0x1000];
	v6 =	vmul.u32 $0xA1, v3;
	(pc) =	sbr.rel @p0 .LBB2_32-.Ltmp15, $4  }
0x2de: {  	v3 =	vld [tilespmem:s28+$0x3000]  }
0x2df: {  	v5 =	vadd.s32 v5, v6  }
0x2e0: {  	v5 =	vadd.s32 v4, v5  }
0x2e1: {  	v4 =	vld [tilespmem:s28+$0x5000];
	[tilespmem:s24+$0x7000] =	vst v5;
	s24 =	smov.u32 s28  }
0x2e2: {  	_ = 	snop  }
0x2e3: {  	v2 =	vmul.u32 $0x6541, v2;
	v3 =	vmul.u32 $0xA1, v3;
	_ =	sdelay $0x1  }
0x2e4: {  	v2 =	vadd.s32 v2, v3  }
0x2e5: {  	v2 =	vadd.s32 v4, v2  }
0x2e6: {  	[tilespmem:s24+$0x7000] =	vst v2  }
0x2e7: {  	_ =	swait.ge [sflag:s13], $0x1000  }
0x2e8: {  	[sflag:s13] =	ssyncset.done $0x0  }
0x2e9: {  	s24 =	simm.s32 $0x0;
	s25 =	rddreg [dreg:$0x1c];
	[sflag:s13] =	ssyncadd.s32 $0xFFFFF000  }
0x2ea: {  	[hbm4b:s25+s24] =	stream.linear.scatter [tilespmem:s11], [sflag:$0x5], $0x1000, $0x38;
	[tilespmem:$0x1B000] =	vst v63  }
0x2eb: {  	_ = 	snop  }
0x2ec: {  	[spmem:s1] =	stream.indirect.scatter [tilespmem:s14], [sflag:$0x7], $0x1, s11, s4, $0xb8;
	[tilespmem:$0x1B000] =	vst v63  }
0x2ed: {  	_ =	swait.ge [sflag:s20], $0x1000  }
0x2ee: {  	[sflag:s20] =	ssyncset.done $0x0  }
0x2ef: {  	[sflag:s20] =	ssyncadd.s32 $0xFFFFF000  }
0x2f0: {  	_ =	swait.ge [sflag:s21], $0x1000  }
0x2f1: {  	[sflag:s21] =	ssyncset.done $0x0  }
0x2f2: {  	s28 =	sld [smem:$0x7CD];
	[sflag:s21] =	ssyncadd.s32 $0xFFFFF000  }
0x2f3: {  	[tilespmem:s16], [sflag:$0x4] =	stream.indirect.gather [hbm4b:s6+s4], $0x1, s15, s4, $0xb8;
	[tilespmem:$0x1B000] =	vst v63  }
0x2f4: {  	_ = 	snop  }
0x2f5: {  	[tilespmem:s4], [sflag:$0x2] =	stream.linear.gather [hbm4b:s28+s24], $0x1000, $0x38;
	[tilespmem:$0x1B000] =	vst v63  }
0x2f6: {  	s28 =	sld [smem:$0x7CE];
	_ =	sdelay $0x2  }
0x2f7: {  	[tilespmem:s5], [sflag:$0x2] =	stream.linear.gather [hbm4b:s28+s24], $0x1000, $0x38;
	[tilespmem:$0x1B000] =	vst v63  }
0x2f8: {  	s28 =	sld [smem:$0x7CF];
	_ =	sdelay $0x2  }
0x2f9: {  	[tilespmem:s8], [sflag:$0x2] =	stream.linear.gather [hbm4b:s28+s24], $0x1000, $0x38;
	[tilespmem:$0x1B000] =	vst v63  }
0x2fa: {  	_ =	swait.ge [sflag:s10], $0x1000  }
0x2fb: {  	[sflag:s10] =	ssyncset.done $0x0  }
0x2fc: {  	[sflag:s10] =	ssyncadd.s32 $0xFFFFF000  }
0x2fd: {  	_ =	swait.ge [sflag:s10], $0x1000  }
0x2fe: {  	[sflag:s10] =	ssyncset.done $0x0  }
0x2ff: {  	[sflag:s10] =	ssyncadd.s32 $0xFFFFF000  }
0x300: {  	_ =	swait.ge [sflag:s10], $0x1000  }
0x301: {  	[sflag:s10] =	ssyncset.done $0x0  }
0x302: {  	s24 =	simm.s32 $0x0;
	[sflag:s10] =	ssyncadd.s32 $0xFFFFF000  }
0x303: {  	v2 =	vld [tilespmem:s24+$0x0]  }
0x304: {  	v3 =	vld [tilespmem:s24+$0x2000];
	_ =	sdelay $0x2  }
0x305: {  	s25 =	simm.s32 $0x40;
	v4 =	vld [tilespmem:s24+$0x4000]  }
.LBB2_34:
0x306: {  	s28 =	sshra.s32 s25, $0x2;
	p0 =	sne.s32 s25, $0x3FC0  }
.Ltmp16:
0x307: {  	s25 =	sadd.s32 $0x40, s25;
	v5 =	vmul.u32 $0x6541, v2;
	v2 =	vld [tilespmem:s28+$0x0];
	v6 =	vmul.u32 $0xA1, v3;
	(pc) =	sbr.rel @p0 .LBB2_34-.Ltmp16, $4  }
0x308: {  	v3 =	vld [tilespmem:s28+$0x2000]  }
0x309: {  	v5 =	vadd.s32 v5, v6  }
0x30a: {  	v5 =	vadd.s32 v4, v5  }
0x30b: {  	v4 =	vld [tilespmem:s28+$0x4000];
	[tilespmem:s24+$0x6000] =	vst v5;
	s24 =	smov.u32 s28  }
0x30c: {  	_ = 	snop  }
0x30d: {  	v2 =	vmul.u32 $0x6541, v2;
	v3 =	vmul.u32 $0xA1, v3;
	_ =	sdelay $0x1  }
0x30e: {  	v2 =	vadd.s32 v2, v3  }
0x30f: {  	v2 =	vadd.s32 v4, v2  }
0x310: {  	[tilespmem:s24+$0x6000] =	vst v2  }
0x311: {  	_ =	swait.ge [sflag:s17], $0x1000  }
0x312: {  	[sflag:s17] =	ssyncset.done $0x0  }
0x313: {  	s28 =	simm.s32 $0x0;
	s25 =	rddreg [dreg:$0x1e];
	[sflag:s17] =	ssyncadd.s32 $0xFFFFF000  }
0x314: {  	[hbm4b:s25+s28] =	stream.linear.scatter [tilespmem:s16], [sflag:$0x6], $0x1000, $0x38;
	[tilespmem:$0x1B000] =	vst v63  }
0x315: {  	_ = 	snop  }
0x316: {  	[spmem:s1] =	stream.indirect.scatter [tilespmem:s14], [sflag:$0x8], $0x1, s16, s4, $0xb8;
	[tilespmem:$0x1B000] =	vst v63  }
0x317: {  	_ =	swait.ge [sflag:s18], $0x1000  }
0x318: {  	[sflag:s18] =	ssyncset.done $0x0  }
0x319: {  	[sflag:s18] =	ssyncadd.s32 $0xFFFFF000  }
0x31a: {  	_ =	swait.ge [sflag:s19], $0x1000  }
0x31b: {  	[sflag:s19] =	ssyncset.done $0x0  }
0x31c: {  	[sflag:s19] =	ssyncadd.s32 $0xFFFFF000  }
0x31d: {  	[tilespmem:s11], [sflag:$0x3] =	stream.indirect.gather [hbm4b:s6+s4], $0x1, s0, s4, $0xb8;
	[tilespmem:$0x1B000] =	vst v63  }
0x31e: {  	_ =	swait.ge [sflag:s12], $0x1000  }
0x31f: {  	[sflag:s12] =	ssyncset.done $0x0  }
0x320: {  	[sflag:s12] =	ssyncadd.s32 $0xFFFFF000  }
0x321: {  	_ =	swait.ge [sflag:s12], $0x1000  }
0x322: {  	[sflag:s12] =	ssyncset.done $0x0  }
0x323: {  	[sflag:s12] =	ssyncadd.s32 $0xFFFFF000  }
0x324: {  	_ =	swait.ge [sflag:s12], $0x1000  }
0x325: {  	[sflag:s12] =	ssyncset.done $0x0  }
0x326: {  	s24 =	simm.s32 $0x0;
	[sflag:s12] =	ssyncadd.s32 $0xFFFFF000  }
0x327: {  	v2 =	vld [tilespmem:s24+$0x1000]  }
0x328: {  	v3 =	vld [tilespmem:s24+$0x3000];
	_ =	sdelay $0x2  }
0x329: {  	s25 =	simm.s32 $0x40;
	v4 =	vld [tilespmem:s24+$0x5000]  }
.LBB2_36:
0x32a: {  	s28 =	sshra.s32 s25, $0x2;
	p0 =	sne.s32 s25, $0x3FC0  }
.Ltmp17:
0x32b: {  	s25 =	sadd.s32 $0x40, s25;
	v5 =	vmul.u32 $0x6541, v2;
	v2 =	vld [tilespmem:s28+$0x1000];
	v6 =	vmul.u32 $0xA1, v3;
	(pc) =	sbr.rel @p0 .LBB2_36-.Ltmp17, $4  }
0x32c: {  	v3 =	vld [tilespmem:s28+$0x3000]  }
0x32d: {  	v5 =	vadd.s32 v5, v6  }
0x32e: {  	v5 =	vadd.s32 v4, v5  }
0x32f: {  	v4 =	vld [tilespmem:s28+$0x5000];
	[tilespmem:s24+$0x7000] =	vst v5;
	s24 =	smov.u32 s28  }
0x330: {  	_ = 	snop  }
0x331: {  	v2 =	vmul.u32 $0x6541, v2;
	v3 =	vmul.u32 $0xA1, v3;
	_ =	sdelay $0x1  }
0x332: {  	v2 =	vadd.s32 v2, v3  }
0x333: {  	v2 =	vadd.s32 v4, v2  }
0x334: {  	[tilespmem:s24+$0x7000] =	vst v2  }
0x335: {  	_ =	swait.ge [sflag:s13], $0x1000  }
0x336: {  	s25 =	sld [smem:$0x7CB]  }
0x337: {  	[sflag:s13] =	ssyncset.done $0x0  }
0x338: {  	s24 =	simm.s32 $0x0;
	[sflag:s13] =	ssyncadd.s32 $0xFFFFF000  }
0x339: {  	[hbm4b:s25+s24] =	stream.linear.scatter [tilespmem:s11], [sflag:$0x5], $0x1000, $0x38;
	[tilespmem:$0x1B000] =	vst v63  }
0x33a: {  	_ = 	snop  }
0x33b: {  	[spmem:s1] =	stream.indirect.scatter [tilespmem:s14], [sflag:$0x7], $0x1, s11, s4, $0xb8;
	[tilespmem:$0x1B000] =	vst v63  }
0x33c: {  	_ =	swait.ge [sflag:s20], $0x1000  }
0x33d: {  	[sflag:s20] =	ssyncset.done $0x0  }
0x33e: {  	[sflag:s20] =	ssyncadd.s32 $0xFFFFF000  }
0x33f: {  	_ =	swait.ge [sflag:s21], $0x1000  }
0x340: {  	[sflag:s21] =	ssyncset.done $0x0  }
0x341: {  	[sflag:s21] =	ssyncadd.s32 $0xFFFFF000  }
0x342: {  	[tilespmem:s16], [sflag:$0x4] =	stream.indirect.gather [hbm4b:s6+s4], $0x1, s15, s4, $0xb8;
	[tilespmem:$0x1B000] =	vst v63  }
0x343: {  	_ =	swait.ge [sflag:s17], $0x1000  }
0x344: {  	s28 =	sld [smem:$0x7CC]  }
0x345: {  	[sflag:s17] =	ssyncset.done $0x0  }
0x346: {  	[sflag:s17] =	ssyncadd.s32 $0xFFFFF000  }
0x347: {  	[hbm4b:s28+s24] =	stream.linear.scatter [tilespmem:s16], [sflag:$0x6], $0x1000, $0x38;
	[tilespmem:$0x1B000] =	vst v63  }
0x348: {  	_ = 	snop  }
0x349: {  	[spmem:s1] =	stream.indirect.scatter [tilespmem:s14], [sflag:$0x8], $0x1, s16, s4, $0xb8;
	[tilespmem:$0x1B000] =	vst v63  }
0x34a: {  	_ =	swait.ge [sflag:s18], $0x1000  }
0x34b: {  	[sflag:s18] =	ssyncset.done $0x0  }
0x34c: {  	[sflag:s18] =	ssyncadd.s32 $0xFFFFF000  }
0x34d: {  	_ =	swait.ge [sflag:s19], $0x1000  }
0x34e: {  	[sflag:s19] =	ssyncset.done $0x0  }
0x34f: {  	[sflag:s19] =	ssyncadd.s32 $0xFFFFF000  }
0x350: {  	_ =	swait.ge [sflag:s20], $0x1000  }
0x351: {  	[sflag:s20] =	ssyncset.done $0x0  }
0x352: {  	[sflag:s20] =	ssyncadd.s32 $0xFFFFF000  }
0x353: {  	_ =	swait.ge [sflag:s21], $0x1000  }
0x354: {  	[sflag:s21] =	ssyncset.done $0x0  }
0x355: {  	[sflag:s21] =	ssyncadd.s32 $0xFFFFF000  }
0x356: {  	[bflag:$0x0] =	sbarrier.arrive $0xFFFF  }
0x357: {  	s25 =	stileid.u32;
	s28 =	sld [smem:$0x7D0]  }
0x358: {  	s24 =	sshll.u32 s25, $0x6  }
0x359: {  	s25 =	sshrl.u32 s7, $0x3;
	s24 =	sor.u32 $0x1C0A, s24  }
0x35a: {  	[hbm:s28@s29], [sflag:s24] =	dma.strided [spmem:s25@s30], $0x2000, s10, $0x10   }
0x35b: {  	_ =	swait.ge [sflag:s22], $0x2000  }
0x35c: {  	s28 =	sld [smem:$0x7D1];
	_ =	sdelay $0x1  }
0x35d: {  	s23 =	sadd.s32 $0x1, s23  }
0x35e: {  	p0 =	sne.s32 s23, s28  }
.Ltmp18:
0x35f: {  	_ = 	snop;
	(pc) =	sbr.rel @p0 .LBB2_1-.Ltmp18, $3  }
0x360: {  	_ =	sdelay $0x1  }
0x361: {  	[sflag:s22] =	ssyncset.done $0x0  }
0x362: {  	[sflag:s22] =	ssyncadd.s32 $0xFFFFE000  }
0x363: {  	_ =	sfence.sel $0x180000  }
0x364: {  	[bflag:$0x0] =	sbarrier.arrive $0xFFFF  }
0x365: {  	_ =	strace $0x90000047  }
0x366: {  	s0 =	stileid.u32;
	[bflag:$0x2] =	sbarrier.arrive $0xFFFF  }
0x367: {  	p0 =	sne.s32 s0, $0x0;
	s0 =	rddreg [dreg:$0x3]  }
0x368: {  	s0 =	sadd.s32 @!p0 $0x100000, s0  }
0x369: {  	[sflag:s0] =	ssyncadd.tile.s32 @!p0 $0x1;
	_ =	shalt  }
.Lfunc_end2:
_tile_overlayer_lowered:
.L_overlay_start_2:
0x36a: {  	(tag) =	ssettag $0x2  }
0x36b: {  	s0 =	rddreg [dreg:$0x0];
	s2 =	stileid.u32  }
0x36c: {  	s1 =	rddreg [dreg:$0x1];
	p0 =	sne.s32 s2, $0x0  }
0x36d: {  	s3 =	rddreg [dreg:$0x2];
	[bflag:$0x3] =	sbarrier.arrive $0xFFFF;
	s2 =	simm.s32 @!p0 $0x1C0A  }
0x36e: {  	[timem:s3], [sflag:s2] =	dma.local @!p0 [hbm:s0], s1  }
0x36f: {  	s0 =	simm.s32 @!p0 $0xA  }
0x370: {  	_ =	swait.ge @!p0 [sflag:s0], s1  }
0x371: {  	s1 =	ssub.s32 @!p0 $0x0, s1;
	[sflag:s0] =	ssyncset.done @!p0 $0x0  }
0x372: {  	[sflag:s0] =	ssyncadd.s32 @!p0 s1  }
0x373: {  	[bflag:$0x3] =	sbarrier.arrive $0xFFFF  }
0x374: {  	_ =	shalt  }

</sc_bundles>
